<compile_context>
chip_gen: v7x
topology: tpu7x:2x2x1
jax: 0.10.2.dev20260603
libtpu: 0.0.44.dev20260713+nightly
codegen_flags: <defaults>
</compile_context>

<pallas_src>
import jax
import jax.numpy as jnp
from jax import lax
from jax.experimental import pallas as pl
from jax.experimental.pallas import tpu as pltpu
from jax.experimental.pallas import tpu_sc as plsc

BATCH = 16384
FIELDS = 26
VOCAB = 100000
DIM = 16
DENSE = 13
OUT_W = FIELDS * DIM + DENSE

NC = 2
NS = 16
NW = NC * NS
ROWS_PER_W = BATCH // NW
DEPTH = 13


def _body(xs_t_hbm, dense_hbm, tables_hbm, out_hbm, xs_all, slots, dense_v,
          gsems, wsem, dsem):
    wid = lax.axis_index("s") * NC + lax.axis_index("c")
    base = wid * ROWS_PER_W

    dense_in = pltpu.make_async_copy(
        dense_hbm.at[pl.ds(base, ROWS_PER_W), :], dense_v, dsem)
    dense_in.start()
    for f in range(FIELDS):
        pltpu.make_async_copy(
            xs_t_hbm.at[pl.ds(f * BATCH + base, ROWS_PER_W)],
            xs_all.at[pl.ds(f * ROWS_PER_W, ROWS_PER_W)],
            gsems[f % DEPTH],
        ).start()
    for f in range(FIELDS):
        pltpu.make_async_copy(
            xs_t_hbm.at[pl.ds(f * BATCH + base, ROWS_PER_W)],
            xs_all.at[pl.ds(f * ROWS_PER_W, ROWS_PER_W)],
            gsems[f % DEPTH],
        ).wait()
    dense_in.wait()
    dense_out = pltpu.make_async_copy(
        dense_v, out_hbm.at[pl.ds(base, ROWS_PER_W), pl.ds(FIELDS * DIM, DENSE)],
        dsem)
    dense_out.start()

    def gather(f):
        return pltpu.make_async_copy(
            tables_hbm.at[f].at[xs_all.at[pl.ds(f * ROWS_PER_W, ROWS_PER_W)]],
            slots[f % DEPTH],
            gsems[f % DEPTH],
        )

    def write(f):
        return pltpu.make_async_copy(
            slots[f % DEPTH],
            out_hbm.at[pl.ds(base, ROWS_PER_W), pl.ds(f * DIM, DIM)],
            wsem,
        )

    for f in range(DEPTH):
        gather(f).start()
    for f in range(FIELDS):
        if f >= 1 and f + DEPTH - 1 < FIELDS:
            write(f - 1).wait()
            gather(f + DEPTH - 1).start()
        gather(f).wait()
        write(f).start()
    for f in range(FIELDS - DEPTH, FIELDS):
        write(f).wait()
    dense_out.wait()


@jax.jit
def _run(xs_t_flat, x_dense, tables):
    mesh = plsc.VectorSubcoreMesh(
        core_axis_name="c", subcore_axis_name="s", num_cores=NC, num_subcores=NS
    )
    return pl.kernel(
        _body,
        out_type=jax.ShapeDtypeStruct((BATCH, OUT_W), jnp.float32),
        mesh=mesh,
        compiler_params=pltpu.CompilerParams(use_tc_tiling_on_sc=False),
        scratch_types=[
            pltpu.VMEM((FIELDS * ROWS_PER_W,), jnp.int32),
            [pltpu.VMEM((ROWS_PER_W, DIM), jnp.float32) for _ in range(DEPTH)],
            pltpu.VMEM((ROWS_PER_W, DENSE), jnp.float32),
            [pltpu.SemaphoreType.DMA for _ in range(DEPTH)],
            pltpu.SemaphoreType.DMA,
            pltpu.SemaphoreType.DMA,
        ],
    )(xs_t_flat, x_dense, tables)


def kernel(x_sparse, x_dense, tables):
    xs_t_flat = x_sparse.T.reshape(-1)
    return _run(xs_t_flat, x_dense, tables)

# --- scband reference (transcript-rebuilt; emitter-appended) ---
"""Pipeline reference for scband-wide-flatten-30949534335392 (READ-ONLY COPY).

The authoritative reference and input builder live on the scoring server;
editing this copy changes nothing except your own understanding.
"""

import jax, jax.numpy as jnp
import numpy as np

BATCH = 16384
FIELDS = 26
VOCAB = 100000
DIM = 16
DENSE = 13


def setup_inputs(seed: int = 0) -> dict:
    key = jax.random.key(seed)
    k1, k2, k3 = jax.random.split(key, 3)
    x_sparse = jax.random.randint(k1, (BATCH, FIELDS), 0, VOCAB, dtype=jnp.int32)
    x_dense = jax.random.normal(k2, (BATCH, DENSE), dtype=jnp.float32)
    # One embedding table per sparse feature column, stacked: [FIELDS, VOCAB, DIM]
    tables = jax.random.normal(k3, (FIELDS, VOCAB, DIM), dtype=jnp.float32) * 0.05
    return {"x_sparse": x_sparse, "x_dense": x_dense, "tables": tables}


def reference(x_sparse, x_dense, tables):
    # sparse_embedding_list: per-field embedding lookup, emb[b, f, :] = tables[f, x_sparse[b, f], :]
    emb = jax.vmap(lambda t, idx: jnp.take(t, idx, axis=0), in_axes=(0, 1), out_axes=1)(tables, x_sparse)  # [B, F, D]
    # combined_dnn_input: flatten sparse embeddings and concat dense values along feature dim
    sparse_flat = emb.reshape(emb.shape[0], -1)  # [B, F*D]
    dnn_input = jnp.concatenate([sparse_flat, x_dense], axis=1)  # [B, F*D + DENSE]
    return dnn_input

if __name__ == "__main__":
    import jax
    _d = setup_inputs()
    print(jax.jit(kernel)(*tuple(_d.values())))

</pallas_src>

<mosaic_0001>
#map = affine_map<(d0, d1) -> (0)>
#map1 = affine_map<(d0, d1) -> (0, 0)>
#map2 = affine_map<(d0, d1) -> (0, 0, 0)>
module attributes {stable_mosaic.version = 14 : i64} {
  func.func @_body(%arg0: i32, %arg1: i32, %arg2: memref<425984xi32, #tpu.memory_space<hbm>>, %arg3: memref<16384x13xf32, #tpu.memory_space<hbm>>, %arg4: memref<26x100000x16xf32, #tpu.memory_space<hbm>>, %arg5: memref<16384x429xf32, #tpu.memory_space<hbm>>, %arg6: memref<13312xi32, #tpu.memory_space<vmem>>, %arg7: memref<512x16xf32, #tpu.memory_space<vmem>>, %arg8: memref<512x16xf32, #tpu.memory_space<vmem>>, %arg9: memref<512x16xf32, #tpu.memory_space<vmem>>, %arg10: memref<512x16xf32, #tpu.memory_space<vmem>>, %arg11: memref<512x16xf32, #tpu.memory_space<vmem>>, %arg12: memref<512x16xf32, #tpu.memory_space<vmem>>, %arg13: memref<512x16xf32, #tpu.memory_space<vmem>>, %arg14: memref<512x16xf32, #tpu.memory_space<vmem>>, %arg15: memref<512x16xf32, #tpu.memory_space<vmem>>, %arg16: memref<512x16xf32, #tpu.memory_space<vmem>>, %arg17: memref<512x16xf32, #tpu.memory_space<vmem>>, %arg18: memref<512x16xf32, #tpu.memory_space<vmem>>, %arg19: memref<512x16xf32, #tpu.memory_space<vmem>>, %arg20: memref<512x13xf32, #tpu.memory_space<vmem>>, %arg21: memref<!tpu.dma_semaphore, #tpu.memory_space<semaphore_mem>>, %arg22: memref<!tpu.dma_semaphore, #tpu.memory_space<semaphore_mem>>, %arg23: memref<!tpu.dma_semaphore, #tpu.memory_space<semaphore_mem>>, %arg24: memref<!tpu.dma_semaphore, #tpu.memory_space<semaphore_mem>>, %arg25: memref<!tpu.dma_semaphore, #tpu.memory_space<semaphore_mem>>, %arg26: memref<!tpu.dma_semaphore, #tpu.memory_space<semaphore_mem>>, %arg27: memref<!tpu.dma_semaphore, #tpu.memory_space<semaphore_mem>>, %arg28: memref<!tpu.dma_semaphore, #tpu.memory_space<semaphore_mem>>, %arg29: memref<!tpu.dma_semaphore, #tpu.memory_space<semaphore_mem>>, %arg30: memref<!tpu.dma_semaphore, #tpu.memory_space<semaphore_mem>>, %arg31: memref<!tpu.dma_semaphore, #tpu.memory_space<semaphore_mem>>, %arg32: memref<!tpu.dma_semaphore, #tpu.memory_space<semaphore_mem>>, %arg33: memref<!tpu.dma_semaphore, #tpu.memory_space<semaphore_mem>>, %arg34: memref<!tpu.dma_semaphore, #tpu.memory_space<semaphore_mem>>, %arg35: memref<!tpu.dma_semaphore, #tpu.memory_space<semaphore_mem>>) attributes {dimension_semantics = [#tpu.dimension_semantics<core_parallel>, #tpu.dimension_semantics<subcore_parallel>], iteration_bounds = array<i64: 2, 16>, scalar_prefetch = 0 : i64, scratch_operands = 30 : i64, tpu.core_type = #tpu.core_type<sc_vector_subcore>, window_params = [{transform_indices = #map}, {transform_indices = #map1}, {transform_indices = #map2}, {transform_indices = #map1}]} {
    %mul3A = arith.constant 2 : i32
    %mul3A_0 = arith.muli %arg1, %mul3A : i32
    %add3A = arith.addi %mul3A_0, %arg0 : i32
    %mul3A_1 = arith.constant 512 : i32
    %mul3A_2 = arith.muli %add3A, %mul3A_1 : i32
    %dma_start3A = arith.constant 0 : i32
    %dma_start3A_3 = tpu.memref_slice %arg3[%mul3A_2, %dma_start3A] : memref<16384x13xf32, #tpu.memory_space<hbm>> -> memref<512x13xf32, #tpu.memory_space<hbm>>
    %dma_start3A_4 = arith.constant 0 : i32
    %dma_start3A_5 = tpu.memref_slice %arg3[%mul3A_2, %dma_start3A_4] : memref<16384x13xf32, #tpu.memory_space<hbm>> -> memref<512x13xf32, #tpu.memory_space<hbm>>
    tpu.enqueue_dma source(%dma_start3A_5 : memref<512x13xf32, #tpu.memory_space<hbm>>) target(%arg20 : memref<512x13xf32, #tpu.memory_space<vmem>>) target_semaphore(%arg35 : memref<!tpu.dma_semaphore, #tpu.memory_space<semaphore_mem>>)
    %add3A_6 = arith.constant 0 : i32
    %add3A_7 = arith.addi %add3A_6, %mul3A_2 : i32
    %dma_start3A_8 = arith.constant 0 : i32
    %dma_start3A_9 = tpu.memref_slice %arg6[%dma_start3A_8] : memref<13312xi32, #tpu.memory_space<vmem>> -> memref<512xi32, #tpu.memory_space<vmem>>
    %dma_start3A_10 = tpu.memref_slice %arg2[%add3A_7] : memref<425984xi32, #tpu.memory_space<hbm>> -> memref<512xi32, #tpu.memory_space<hbm>>
    %dma_start3A_11 = arith.constant 0 : i32
    %dma_start3A_12 = tpu.memref_slice %arg6[%dma_start3A_11] : memref<13312xi32, #tpu.memory_space<vmem>> -> memref<512xi32, #tpu.memory_space<vmem>>
    %dma_start3A_13 = tpu.memref_slice %arg2[%add3A_7] : memref<425984xi32, #tpu.memory_space<hbm>> -> memref<512xi32, #tpu.memory_space<hbm>>
    tpu.enqueue_dma source(%dma_start3A_13 : memref<512xi32, #tpu.memory_space<hbm>>) target(%dma_start3A_12 : memref<512xi32, #tpu.memory_space<vmem>>) target_semaphore(%arg21 : memref<!tpu.dma_semaphore, #tpu.memory_space<semaphore_mem>>)
    %add3A_14 = arith.constant 16384 : i32
    %add3A_15 = arith.addi %add3A_14, %mul3A_2 : i32
    %dma_start3A_16 = arith.constant 512 : i32
    %dma_start3A_17 = tpu.memref_slice %arg6[%dma_start3A_16] : memref<13312xi32, #tpu.memory_space<vmem>> -> memref<512xi32, #tpu.memory_space<vmem>>
    %dma_start3A_18 = tpu.memref_slice %arg2[%add3A_15] : memref<425984xi32, #tpu.memory_space<hbm>> -> memref<512xi32, #tpu.memory_space<hbm>>
    %dma_start3A_19 = arith.constant 512 : i32
    %dma_start3A_20 = tpu.memref_slice %arg6[%dma_start3A_19] : memref<13312xi32, #tpu.memory_space<vmem>> -> memref<512xi32, #tpu.memory_space<vmem>>
    %dma_start3A_21 = tpu.memref_slice %arg2[%add3A_15] : memref<425984xi32, #tpu.memory_space<hbm>> -> memref<512xi32, #tpu.memory_space<hbm>>
    tpu.enqueue_dma source(%dma_start3A_21 : memref<512xi32, #tpu.memory_space<hbm>>) target(%dma_start3A_20 : memref<512xi32, #tpu.memory_space<vmem>>) target_semaphore(%arg22 : memref<!tpu.dma_semaphore, #tpu.memory_space<semaphore_mem>>)
    %add3A_22 = arith.constant 32768 : i32
    %add3A_23 = arith.addi %add3A_22, %mul3A_2 : i32
    %dma_start3A_24 = arith.constant 1024 : i32
    %dma_start3A_25 = tpu.memref_slice %arg6[%dma_start3A_24] : memref<13312xi32, #tpu.memory_space<vmem>> -> memref<512xi32, #tpu.memory_space<vmem>>
    %dma_start3A_26 = tpu.memref_slice %arg2[%add3A_23] : memref<425984xi32, #tpu.memory_space<hbm>> -> memref<512xi32, #tpu.memory_space<hbm>>
    %dma_start3A_27 = arith.constant 1024 : i32
    %dma_start3A_28 = tpu.memref_slice %arg6[%dma_start3A_27] : memref<13312xi32, #tpu.memory_space<vmem>> -> memref<512xi32, #tpu.memory_space<vmem>>
    %dma_start3A_29 = tpu.memref_slice %arg2[%add3A_23] : memref<425984xi32, #tpu.memory_space<hbm>> -> memref<512xi32, #tpu.memory_space<hbm>>
    tpu.enqueue_dma source(%dma_start3A_29 : memref<512xi32, #tpu.memory_space<hbm>>) target(%dma_start3A_28 : memref<512xi32, #tpu.memory_space<vmem>>) target_semaphore(%arg23 : memref<!tpu.dma_semaphore, #tpu.memory_space<semaphore_mem>>)
    %add3A_30 = arith.constant 49152 : i32
    %add3A_31 = arith.addi %add3A_30, %mul3A_2 : i32
    %dma_start3A_32 = arith.constant 1536 : i32
    %dma_start3A_33 = tpu.memref_slice %arg6[%dma_start3A_32] : memref<13312xi32, #tpu.memory_space<vmem>> -> memref<512xi32, #tpu.memory_space<vmem>>
    %dma_start3A_34 = tpu.memref_slice %arg2[%add3A_31] : memref<425984xi32, #tpu.memory_space<hbm>> -> memref<512xi32, #tpu.memory_space<hbm>>
    %dma_start3A_35 = arith.constant 1536 : i32
    %dma_start3A_36 = tpu.memref_slice %arg6[%dma_start3A_35] : memref<13312xi32, #tpu.memory_space<vmem>> -> memref<512xi32, #tpu.memory_space<vmem>>
    %dma_start3A_37 = tpu.memref_slice %arg2[%add3A_31] : memref<425984xi32, #tpu.memory_space<hbm>> -> memref<512xi32, #tpu.memory_space<hbm>>
    tpu.enqueue_dma source(%dma_start3A_37 : memref<512xi32, #tpu.memory_space<hbm>>) target(%dma_start3A_36 : memref<512xi32, #tpu.memory_space<vmem>>) target_semaphore(%arg24 : memref<!tpu.dma_semaphore, #tpu.memory_space<semaphore_mem>>)
    %add3A_38 = arith.constant 65536 : i32
    %add3A_39 = arith.addi %add3A_38, %mul3A_2 : i32
    %dma_start3A_40 = arith.constant 2048 : i32
    %dma_start3A_41 = tpu.memref_slice %arg6[%dma_start3A_40] : memref<13312xi32, #tpu.memory_space<vmem>> -> memref<512xi32, #tpu.memory_space<vmem>>
    %dma_start3A_42 = tpu.memref_slice %arg2[%add3A_39] : memref<425984xi32, #tpu.memory_space<hbm>> -> memref<512xi32, #tpu.memory_space<hbm>>
    %dma_start3A_43 = arith.constant 2048 : i32
    %dma_start3A_44 = tpu.memref_slice %arg6[%dma_start3A_43] : memref<13312xi32, #tpu.memory_space<vmem>> -> memref<512xi32, #tpu.memory_space<vmem>>
    %dma_start3A_45 = tpu.memref_slice %arg2[%add3A_39] : memref<425984xi32, #tpu.memory_space<hbm>> -> memref<512xi32, #tpu.memory_space<hbm>>
    tpu.enqueue_dma source(%dma_start3A_45 : memref<512xi32, #tpu.memory_space<hbm>>) target(%dma_start3A_44 : memref<512xi32, #tpu.memory_space<vmem>>) target_semaphore(%arg25 : memref<!tpu.dma_semaphore, #tpu.memory_space<semaphore_mem>>)
    %add3A_46 = arith.constant 81920 : i32
    %add3A_47 = arith.addi %add3A_46, %mul3A_2 : i32
    %dma_start3A_48 = arith.constant 2560 : i32
    %dma_start3A_49 = tpu.memref_slice %arg6[%dma_start3A_48] : memref<13312xi32, #tpu.memory_space<vmem>> -> memref<512xi32, #tpu.memory_space<vmem>>
    %dma_start3A_50 = tpu.memref_slice %arg2[%add3A_47] : memref<425984xi32, #tpu.memory_space<hbm>> -> memref<512xi32, #tpu.memory_space<hbm>>
    %dma_start3A_51 = arith.constant 2560 : i32
    %dma_start3A_52 = tpu.memref_slice %arg6[%dma_start3A_51] : memref<13312xi32, #tpu.memory_space<vmem>> -> memref<512xi32, #tpu.memory_space<vmem>>
    %dma_start3A_53 = tpu.memref_slice %arg2[%add3A_47] : memref<425984xi32, #tpu.memory_space<hbm>> -> memref<512xi32, #tpu.memory_space<hbm>>
    tpu.enqueue_dma source(%dma_start3A_53 : memref<512xi32, #tpu.memory_space<hbm>>) target(%dma_start3A_52 : memref<512xi32, #tpu.memory_space<vmem>>) target_semaphore(%arg26 : memref<!tpu.dma_semaphore, #tpu.memory_space<semaphore_mem>>)
    %add3A_54 = arith.constant 98304 : i32
    %add3A_55 = arith.addi %add3A_54, %mul3A_2 : i32
    %dma_start3A_56 = arith.constant 3072 : i32
    %dma_start3A_57 = tpu.memref_slice %arg6[%dma_start3A_56] : memref<13312xi32, #tpu.memory_space<vmem>> -> memref<512xi32, #tpu.memory_space<vmem>>
    %dma_start3A_58 = tpu.memref_slice %arg2[%add3A_55] : memref<425984xi32, #tpu.memory_space<hbm>> -> memref<512xi32, #tpu.memory_space<hbm>>
    %dma_start3A_59 = arith.constant 3072 : i32
    %dma_start3A_60 = tpu.memref_slice %arg6[%dma_start3A_59] : memref<13312xi32, #tpu.memory_space<vmem>> -> memref<512xi32, #tpu.memory_space<vmem>>
    %dma_start3A_61 = tpu.memref_slice %arg2[%add3A_55] : memref<425984xi32, #tpu.memory_space<hbm>> -> memref<512xi32, #tpu.memory_space<hbm>>
    tpu.enqueue_dma source(%dma_start3A_61 : memref<512xi32, #tpu.memory_space<hbm>>) target(%dma_start3A_60 : memref<512xi32, #tpu.memory_space<vmem>>) target_semaphore(%arg27 : memref<!tpu.dma_semaphore, #tpu.memory_space<semaphore_mem>>)
    %add3A_62 = arith.constant 114688 : i32
    %add3A_63 = arith.addi %add3A_62, %mul3A_2 : i32
    %dma_start3A_64 = arith.constant 3584 : i32
    %dma_start3A_65 = tpu.memref_slice %arg6[%dma_start3A_64] : memref<13312xi32, #tpu.memory_space<vmem>> -> memref<512xi32, #tpu.memory_space<vmem>>
    %dma_start3A_66 = tpu.memref_slice %arg2[%add3A_63] : memref<425984xi32, #tpu.memory_space<hbm>> -> memref<512xi32, #tpu.memory_space<hbm>>
    %dma_start3A_67 = arith.constant 3584 : i32
    %dma_start3A_68 = tpu.memref_slice %arg6[%dma_start3A_67] : memref<13312xi32, #tpu.memory_space<vmem>> -> memref<512xi32, #tpu.memory_space<vmem>>
    %dma_start3A_69 = tpu.memref_slice %arg2[%add3A_63] : memref<425984xi32, #tpu.memory_space<hbm>> -> memref<512xi32, #tpu.memory_space<hbm>>
    tpu.enqueue_dma source(%dma_start3A_69 : memref<512xi32, #tpu.memory_space<hbm>>) target(%dma_start3A_68 : memref<512xi32, #tpu.memory_space<vmem>>) target_semaphore(%arg28 : memref<!tpu.dma_semaphore, #tpu.memory_space<semaphore_mem>>)
    %add3A_70 = arith.constant 131072 : i32
    %add3A_71 = arith.addi %add3A_70, %mul3A_2 : i32
    %dma_start3A_72 = arith.constant 4096 : i32
    %dma_start3A_73 = tpu.memref_slice %arg6[%dma_start3A_72] : memref<13312xi32, #tpu.memory_space<vmem>> -> memref<512xi32, #tpu.memory_space<vmem>>
    %dma_start3A_74 = tpu.memref_slice %arg2[%add3A_71] : memref<425984xi32, #tpu.memory_space<hbm>> -> memref<512xi32, #tpu.memory_space<hbm>>
    %dma_start3A_75 = arith.constant 4096 : i32
    %dma_start3A_76 = tpu.memref_slice %arg6[%dma_start3A_75] : memref<13312xi32, #tpu.memory_space<vmem>> -> memref<512xi32, #tpu.memory_space<vmem>>
    %dma_start3A_77 = tpu.memref_slice %arg2[%add3A_71] : memref<425984xi32, #tpu.memory_space<hbm>> -> memref<512xi32, #tpu.memory_space<hbm>>
    tpu.enqueue_dma source(%dma_start3A_77 : memref<512xi32, #tpu.memory_space<hbm>>) target(%dma_start3A_76 : memref<512xi32, #tpu.memory_space<vmem>>) target_semaphore(%arg29 : memref<!tpu.dma_semaphore, #tpu.memory_space<semaphore_mem>>)
    %add3A_78 = arith.constant 147456 : i32
    %add3A_79 = arith.addi %add3A_78, %mul3A_2 : i32
    %dma_start3A_80 = arith.constant 4608 : i32
    %dma_start3A_81 = tpu.memref_slice %arg6[%dma_start3A_80] : memref<13312xi32, #tpu.memory_space<vmem>> -> memref<512xi32, #tpu.memory_space<vmem>>
    %dma_start3A_82 = tpu.memref_slice %arg2[%add3A_79] : memref<425984xi32, #tpu.memory_space<hbm>> -> memref<512xi32, #tpu.memory_space<hbm>>
    %dma_start3A_83 = arith.constant 4608 : i32
    %dma_start3A_84 = tpu.memref_slice %arg6[%dma_start3A_83] : memref<13312xi32, #tpu.memory_space<vmem>> -> memref<512xi32, #tpu.memory_space<vmem>>
    %dma_start3A_85 = tpu.memref_slice %arg2[%add3A_79] : memref<425984xi32, #tpu.memory_space<hbm>> -> memref<512xi32, #tpu.memory_space<hbm>>
    tpu.enqueue_dma source(%dma_start3A_85 : memref<512xi32, #tpu.memory_space<hbm>>) target(%dma_start3A_84 : memref<512xi32, #tpu.memory_space<vmem>>) target_semaphore(%arg30 : memref<!tpu.dma_semaphore, #tpu.memory_space<semaphore_mem>>)
    %add3A_86 = arith.constant 163840 : i32
    %add3A_87 = arith.addi %add3A_86, %mul3A_2 : i32
    %dma_start3A_88 = arith.constant 5120 : i32
    %dma_start3A_89 = tpu.memref_slice %arg6[%dma_start3A_88] : memref<13312xi32, #tpu.memory_space<vmem>> -> memref<512xi32, #tpu.memory_space<vmem>>
    %dma_start3A_90 = tpu.memref_slice %arg2[%add3A_87] : memref<425984xi32, #tpu.memory_space<hbm>> -> memref<512xi32, #tpu.memory_space<hbm>>
    %dma_start3A_91 = arith.constant 5120 : i32
    %dma_start3A_92 = tpu.memref_slice %arg6[%dma_start3A_91] : memref<13312xi32, #tpu.memory_space<vmem>> -> memref<512xi32, #tpu.memory_space<vmem>>
    %dma_start3A_93 = tpu.memref_slice %arg2[%add3A_87] : memref<425984xi32, #tpu.memory_space<hbm>> -> memref<512xi32, #tpu.memory_space<hbm>>
    tpu.enqueue_dma source(%dma_start3A_93 : memref<512xi32, #tpu.memory_space<hbm>>) target(%dma_start3A_92 : memref<512xi32, #tpu.memory_space<vmem>>) target_semaphore(%arg31 : memref<!tpu.dma_semaphore, #tpu.memory_space<semaphore_mem>>)
    %add3A_94 = arith.constant 180224 : i32
    %add3A_95 = arith.addi %add3A_94, %mul3A_2 : i32
    %dma_start3A_96 = arith.constant 5632 : i32
    %dma_start3A_97 = tpu.memref_slice %arg6[%dma_start3A_96] : memref<13312xi32, #tpu.memory_space<vmem>> -> memref<512xi32, #tpu.memory_space<vmem>>
    %dma_start3A_98 = tpu.memref_slice %arg2[%add3A_95] : memref<425984xi32, #tpu.memory_space<hbm>> -> memref<512xi32, #tpu.memory_space<hbm>>
    %dma_start3A_99 = arith.constant 5632 : i32
    %dma_start3A_100 = tpu.memref_slice %arg6[%dma_start3A_99] : memref<13312xi32, #tpu.memory_space<vmem>> -> memref<512xi32, #tpu.memory_space<vmem>>
    %dma_start3A_101 = tpu.memref_slice %arg2[%add3A_95] : memref<425984xi32, #tpu.memory_space<hbm>> -> memref<512xi32, #tpu.memory_space<hbm>>
    tpu.enqueue_dma source(%dma_start3A_101 : memref<512xi32, #tpu.memory_space<hbm>>) target(%dma_start3A_100 : memref<512xi32, #tpu.memory_space<vmem>>) target_semaphore(%arg32 : memref<!tpu.dma_semaphore, #tpu.memory_space<semaphore_mem>>)
    %add3A_102 = arith.constant 196608 : i32
    %add3A_103 = arith.addi %add3A_102, %mul3A_2 : i32
    %dma_start3A_104 = arith.constant 6144 : i32
    %dma_start3A_105 = tpu.memref_slice %arg6[%dma_start3A_104] : memref<13312xi32, #tpu.memory_space<vmem>> -> memref<512xi32, #tpu.memory_space<vmem>>
    %dma_start3A_106 = tpu.memref_slice %arg2[%add3A_103] : memref<425984xi32, #tpu.memory_space<hbm>> -> memref<512xi32, #tpu.memory_space<hbm>>
    %dma_start3A_107 = arith.constant 6144 : i32
    %dma_start3A_108 = tpu.memref_slice %arg6[%dma_start3A_107] : memref<13312xi32, #tpu.memory_space<vmem>> -> memref<512xi32, #tpu.memory_space<vmem>>
    %dma_start3A_109 = tpu.memref_slice %arg2[%add3A_103] : memref<425984xi32, #tpu.memory_space<hbm>> -> memref<512xi32, #tpu.memory_space<hbm>>
    tpu.enqueue_dma source(%dma_start3A_109 : memref<512xi32, #tpu.memory_space<hbm>>) target(%dma_start3A_108 : memref<512xi32, #tpu.memory_space<vmem>>) target_semaphore(%arg33 : memref<!tpu.dma_semaphore, #tpu.memory_space<semaphore_mem>>)
    %add3A_110 = arith.constant 212992 : i32
    %add3A_111 = arith.addi %add3A_110, %mul3A_2 : i32
    %dma_start3A_112 = arith.constant 6656 : i32
    %dma_start3A_113 = tpu.memref_slice %arg6[%dma_start3A_112] : memref<13312xi32, #tpu.memory_space<vmem>> -> memref<512xi32, #tpu.memory_space<vmem>>
    %dma_start3A_114 = tpu.memref_slice %arg2[%add3A_111] : memref<425984xi32, #tpu.memory_space<hbm>> -> memref<512xi32, #tpu.memory_space<hbm>>
    %dma_start3A_115 = arith.constant 6656 : i32
    %dma_start3A_116 = tpu.memref_slice %arg6[%dma_start3A_115] : memref<13312xi32, #tpu.memory_space<vmem>> -> memref<512xi32, #tpu.memory_space<vmem>>
    %dma_start3A_117 = tpu.memref_slice %arg2[%add3A_111] : memref<425984xi32, #tpu.memory_space<hbm>> -> memref<512xi32, #tpu.memory_space<hbm>>
    tpu.enqueue_dma source(%dma_start3A_117 : memref<512xi32, #tpu.memory_space<hbm>>) target(%dma_start3A_116 : memref<512xi32, #tpu.memory_space<vmem>>) target_semaphore(%arg21 : memref<!tpu.dma_semaphore, #tpu.memory_space<semaphore_mem>>)
    %add3A_118 = arith.constant 229376 : i32
    %add3A_119 = arith.addi %add3A_118, %mul3A_2 : i32
    %dma_start3A_120 = arith.constant 7168 : i32
    %dma_start3A_121 = tpu.memref_slice %arg6[%dma_start3A_120] : memref<13312xi32, #tpu.memory_space<vmem>> -> memref<512xi32, #tpu.memory_space<vmem>>
    %dma_start3A_122 = tpu.memref_slice %arg2[%add3A_119] : memref<425984xi32, #tpu.memory_space<hbm>> -> memref<512xi32, #tpu.memory_space<hbm>>
    %dma_start3A_123 = arith.constant 7168 : i32
    %dma_start3A_124 = tpu.memref_slice %arg6[%dma_start3A_123] : memref<13312xi32, #tpu.memory_space<vmem>> -> memref<512xi32, #tpu.memory_space<vmem>>
    %dma_start3A_125 = tpu.memref_slice %arg2[%add3A_119] : memref<425984xi32, #tpu.memory_space<hbm>> -> memref<512xi32, #tpu.memory_space<hbm>>
    tpu.enqueue_dma source(%dma_start3A_125 : memref<512xi32, #tpu.memory_space<hbm>>) target(%dma_start3A_124 : memref<512xi32, #tpu.memory_space<vmem>>) target_semaphore(%arg22 : memref<!tpu.dma_semaphore, #tpu.memory_space<semaphore_mem>>)
    %add3A_126 = arith.constant 245760 : i32
    %add3A_127 = arith.addi %add3A_126, %mul3A_2 : i32
    %dma_start3A_128 = arith.constant 7680 : i32
    %dma_start3A_129 = tpu.memref_slice %arg6[%dma_start3A_128] : memref<13312xi32, #tpu.memory_space<vmem>> -> memref<512xi32, #tpu.memory_space<vmem>>
    %dma_start3A_130 = tpu.memref_slice %arg2[%add3A_127] : memref<425984xi32, #tpu.memory_space<hbm>> -> memref<512xi32, #tpu.memory_space<hbm>>
    %dma_start3A_131 = arith.constant 7680 : i32
    %dma_start3A_132 = tpu.memref_slice %arg6[%dma_start3A_131] : memref<13312xi32, #tpu.memory_space<vmem>> -> memref<512xi32, #tpu.memory_space<vmem>>
    %dma_start3A_133 = tpu.memref_slice %arg2[%add3A_127] : memref<425984xi32, #tpu.memory_space<hbm>> -> memref<512xi32, #tpu.memory_space<hbm>>
    tpu.enqueue_dma source(%dma_start3A_133 : memref<512xi32, #tpu.memory_space<hbm>>) target(%dma_start3A_132 : memref<512xi32, #tpu.memory_space<vmem>>) target_semaphore(%arg23 : memref<!tpu.dma_semaphore, #tpu.memory_space<semaphore_mem>>)
    %add3A_134 = arith.constant 262144 : i32
    %add3A_135 = arith.addi %add3A_134, %mul3A_2 : i32
    %dma_start3A_136 = arith.constant 8192 : i32
    %dma_start3A_137 = tpu.memref_slice %arg6[%dma_start3A_136] : memref<13312xi32, #tpu.memory_space<vmem>> -> memref<512xi32, #tpu.memory_space<vmem>>
    %dma_start3A_138 = tpu.memref_slice %arg2[%add3A_135] : memref<425984xi32, #tpu.memory_space<hbm>> -> memref<512xi32, #tpu.memory_space<hbm>>
    %dma_start3A_139 = arith.constant 8192 : i32
    %dma_start3A_140 = tpu.memref_slice %arg6[%dma_start3A_139] : memref<13312xi32, #tpu.memory_space<vmem>> -> memref<512xi32, #tpu.memory_space<vmem>>
    %dma_start3A_141 = tpu.memref_slice %arg2[%add3A_135] : memref<425984xi32, #tpu.memory_space<hbm>> -> memref<512xi32, #tpu.memory_space<hbm>>
    tpu.enqueue_dma source(%dma_start3A_141 : memref<512xi32, #tpu.memory_space<hbm>>) target(%dma_start3A_140 : memref<512xi32, #tpu.memory_space<vmem>>) target_semaphore(%arg24 : memref<!tpu.dma_semaphore, #tpu.memory_space<semaphore_mem>>)
    %add3A_142 = arith.constant 278528 : i32
    %add3A_143 = arith.addi %add3A_142, %mul3A_2 : i32
    %dma_start3A_144 = arith.constant 8704 : i32
    %dma_start3A_145 = tpu.memref_slice %arg6[%dma_start3A_144] : memref<13312xi32, #tpu.memory_space<vmem>> -> memref<512xi32, #tpu.memory_space<vmem>>
    %dma_start3A_146 = tpu.memref_slice %arg2[%add3A_143] : memref<425984xi32, #tpu.memory_space<hbm>> -> memref<512xi32, #tpu.memory_space<hbm>>
    %dma_start3A_147 = arith.constant 8704 : i32
    %dma_start3A_148 = tpu.memref_slice %arg6[%dma_start3A_147] : memref<13312xi32, #tpu.memory_space<vmem>> -> memref<512xi32, #tpu.memory_space<vmem>>
    %dma_start3A_149 = tpu.memref_slice %arg2[%add3A_143] : memref<425984xi32, #tpu.memory_space<hbm>> -> memref<512xi32, #tpu.memory_space<hbm>>
    tpu.enqueue_dma source(%dma_start3A_149 : memref<512xi32, #tpu.memory_space<hbm>>) target(%dma_start3A_148 : memref<512xi32, #tpu.memory_space<vmem>>) target_semaphore(%arg25 : memref<!tpu.dma_semaphore, #tpu.memory_space<semaphore_mem>>)
    %add3A_150 = arith.constant 294912 : i32
    %add3A_151 = arith.addi %add3A_150, %mul3A_2 : i32
    %dma_start3A_152 = arith.constant 9216 : i32
    %dma_start3A_153 = tpu.memref_slice %arg6[%dma_start3A_152] : memref<13312xi32, #tpu.memory_space<vmem>> -> memref<512xi32, #tpu.memory_space<vmem>>
    %dma_start3A_154 = tpu.memref_slice %arg2[%add3A_151] : memref<425984xi32, #tpu.memory_space<hbm>> -> memref<512xi32, #tpu.memory_space<hbm>>
    %dma_start3A_155 = arith.constant 9216 : i32
    %dma_start3A_156 = tpu.memref_slice %arg6[%dma_start3A_155] : memref<13312xi32, #tpu.memory_space<vmem>> -> memref<512xi32, #tpu.memory_space<vmem>>
    %dma_start3A_157 = tpu.memref_slice %arg2[%add3A_151] : memref<425984xi32, #tpu.memory_space<hbm>> -> memref<512xi32, #tpu.memory_space<hbm>>
    tpu.enqueue_dma source(%dma_start3A_157 : memref<512xi32, #tpu.memory_space<hbm>>) target(%dma_start3A_156 : memref<512xi32, #tpu.memory_space<vmem>>) target_semaphore(%arg26 : memref<!tpu.dma_semaphore, #tpu.memory_space<semaphore_mem>>)
    %add3A_158 = arith.constant 311296 : i32
    %add3A_159 = arith.addi %add3A_158, %mul3A_2 : i32
    %dma_start3A_160 = arith.constant 9728 : i32
    %dma_start3A_161 = tpu.memref_slice %arg6[%dma_start3A_160] : memref<13312xi32, #tpu.memory_space<vmem>> -> memref<512xi32, #tpu.memory_space<vmem>>
    %dma_start3A_162 = tpu.memref_slice %arg2[%add3A_159] : memref<425984xi32, #tpu.memory_space<hbm>> -> memref<512xi32, #tpu.memory_space<hbm>>
    %dma_start3A_163 = arith.constant 9728 : i32
    %dma_start3A_164 = tpu.memref_slice %arg6[%dma_start3A_163] : memref<13312xi32, #tpu.memory_space<vmem>> -> memref<512xi32, #tpu.memory_space<vmem>>
    %dma_start3A_165 = tpu.memref_slice %arg2[%add3A_159] : memref<425984xi32, #tpu.memory_space<hbm>> -> memref<512xi32, #tpu.memory_space<hbm>>
    tpu.enqueue_dma source(%dma_start3A_165 : memref<512xi32, #tpu.memory_space<hbm>>) target(%dma_start3A_164 : memref<512xi32, #tpu.memory_space<vmem>>) target_semaphore(%arg27 : memref<!tpu.dma_semaphore, #tpu.memory_space<semaphore_mem>>)
    %add3A_166 = arith.constant 327680 : i32
    %add3A_167 = arith.addi %add3A_166, %mul3A_2 : i32
    %dma_start3A_168 = arith.constant 10240 : i32
    %dma_start3A_169 = tpu.memref_slice %arg6[%dma_start3A_168] : memref<13312xi32, #tpu.memory_space<vmem>> -> memref<512xi32, #tpu.memory_space<vmem>>
    %dma_start3A_170 = tpu.memref_slice %arg2[%add3A_167] : memref<425984xi32, #tpu.memory_space<hbm>> -> memref<512xi32, #tpu.memory_space<hbm>>
    %dma_start3A_171 = arith.constant 10240 : i32
    %dma_start3A_172 = tpu.memref_slice %arg6[%dma_start3A_171] : memref<13312xi32, #tpu.memory_space<vmem>> -> memref<512xi32, #tpu.memory_space<vmem>>
    %dma_start3A_173 = tpu.memref_slice %arg2[%add3A_167] : memref<425984xi32, #tpu.memory_space<hbm>> -> memref<512xi32, #tpu.memory_space<hbm>>
    tpu.enqueue_dma source(%dma_start3A_173 : memref<512xi32, #tpu.memory_space<hbm>>) target(%dma_start3A_172 : memref<512xi32, #tpu.memory_space<vmem>>) target_semaphore(%arg28 : memref<!tpu.dma_semaphore, #tpu.memory_space<semaphore_mem>>)
    %add3A_174 = arith.constant 344064 : i32
    %add3A_175 = arith.addi %add3A_174, %mul3A_2 : i32
    %dma_start3A_176 = arith.constant 10752 : i32
    %dma_start3A_177 = tpu.memref_slice %arg6[%dma_start3A_176] : memref<13312xi32, #tpu.memory_space<vmem>> -> memref<512xi32, #tpu.memory_space<vmem>>
    %dma_start3A_178 = tpu.memref_slice %arg2[%add3A_175] : memref<425984xi32, #tpu.memory_space<hbm>> -> memref<512xi32, #tpu.memory_space<hbm>>
    %dma_start3A_179 = arith.constant 10752 : i32
    %dma_start3A_180 = tpu.memref_slice %arg6[%dma_start3A_179] : memref<13312xi32, #tpu.memory_space<vmem>> -> memref<512xi32, #tpu.memory_space<vmem>>
    %dma_start3A_181 = tpu.memref_slice %arg2[%add3A_175] : memref<425984xi32, #tpu.memory_space<hbm>> -> memref<512xi32, #tpu.memory_space<hbm>>
    tpu.enqueue_dma source(%dma_start3A_181 : memref<512xi32, #tpu.memory_space<hbm>>) target(%dma_start3A_180 : memref<512xi32, #tpu.memory_space<vmem>>) target_semaphore(%arg29 : memref<!tpu.dma_semaphore, #tpu.memory_space<semaphore_mem>>)
    %add3A_182 = arith.constant 360448 : i32
    %add3A_183 = arith.addi %add3A_182, %mul3A_2 : i32
    %dma_start3A_184 = arith.constant 11264 : i32
    %dma_start3A_185 = tpu.memref_slice %arg6[%dma_start3A_184] : memref<13312xi32, #tpu.memory_space<vmem>> -> memref<512xi32, #tpu.memory_space<vmem>>
    %dma_start3A_186 = tpu.memref_slice %arg2[%add3A_183] : memref<425984xi32, #tpu.memory_space<hbm>> -> memref<512xi32, #tpu.memory_space<hbm>>
    %dma_start3A_187 = arith.constant 11264 : i32
    %dma_start3A_188 = tpu.memref_slice %arg6[%dma_start3A_187] : memref<13312xi32, #tpu.memory_space<vmem>> -> memref<512xi32, #tpu.memory_space<vmem>>
    %dma_start3A_189 = tpu.memref_slice %arg2[%add3A_183] : memref<425984xi32, #tpu.memory_space<hbm>> -> memref<512xi32, #tpu.memory_space<hbm>>
    tpu.enqueue_dma source(%dma_start3A_189 : memref<512xi32, #tpu.memory_space<hbm>>) target(%dma_start3A_188 : memref<512xi32, #tpu.memory_space<vmem>>) target_semaphore(%arg30 : memref<!tpu.dma_semaphore, #tpu.memory_space<semaphore_mem>>)
    %add3A_190 = arith.constant 376832 : i32
    %add3A_191 = arith.addi %add3A_190, %mul3A_2 : i32
    %dma_start3A_192 = arith.constant 11776 : i32
    %dma_start3A_193 = tpu.memref_slice %arg6[%dma_start3A_192] : memref<13312xi32, #tpu.memory_space<vmem>> -> memref<512xi32, #tpu.memory_space<vmem>>
    %dma_start3A_194 = tpu.memref_slice %arg2[%add3A_191] : memref<425984xi32, #tpu.memory_space<hbm>> -> memref<512xi32, #tpu.memory_space<hbm>>
    %dma_start3A_195 = arith.constant 11776 : i32
    %dma_start3A_196 = tpu.memref_slice %arg6[%dma_start3A_195] : memref<13312xi32, #tpu.memory_space<vmem>> -> memref<512xi32, #tpu.memory_space<vmem>>
    %dma_start3A_197 = tpu.memref_slice %arg2[%add3A_191] : memref<425984xi32, #tpu.memory_space<hbm>> -> memref<512xi32, #tpu.memory_space<hbm>>
    tpu.enqueue_dma source(%dma_start3A_197 : memref<512xi32, #tpu.memory_space<hbm>>) target(%dma_start3A_196 : memref<512xi32, #tpu.memory_space<vmem>>) target_semaphore(%arg31 : memref<!tpu.dma_semaphore, #tpu.memory_space<semaphore_mem>>)
    %add3A_198 = arith.constant 393216 : i32
    %add3A_199 = arith.addi %add3A_198, %mul3A_2 : i32
    %dma_start3A_200 = arith.constant 12288 : i32
    %dma_start3A_201 = tpu.memref_slice %arg6[%dma_start3A_200] : memref<13312xi32, #tpu.memory_space<vmem>> -> memref<512xi32, #tpu.memory_space<vmem>>
    %dma_start3A_202 = tpu.memref_slice %arg2[%add3A_199] : memref<425984xi32, #tpu.memory_space<hbm>> -> memref<512xi32, #tpu.memory_space<hbm>>
    %dma_start3A_203 = arith.constant 12288 : i32
    %dma_start3A_204 = tpu.memref_slice %arg6[%dma_start3A_203] : memref<13312xi32, #tpu.memory_space<vmem>> -> memref<512xi32, #tpu.memory_space<vmem>>
    %dma_start3A_205 = tpu.memref_slice %arg2[%add3A_199] : memref<425984xi32, #tpu.memory_space<hbm>> -> memref<512xi32, #tpu.memory_space<hbm>>
    tpu.enqueue_dma source(%dma_start3A_205 : memref<512xi32, #tpu.memory_space<hbm>>) target(%dma_start3A_204 : memref<512xi32, #tpu.memory_space<vmem>>) target_semaphore(%arg32 : memref<!tpu.dma_semaphore, #tpu.memory_space<semaphore_mem>>)
    %add3A_206 = arith.constant 409600 : i32
    %add3A_207 = arith.addi %add3A_206, %mul3A_2 : i32
    %dma_start3A_208 = arith.constant 12800 : i32
    %dma_start3A_209 = tpu.memref_slice %arg6[%dma_start3A_208] : memref<13312xi32, #tpu.memory_space<vmem>> -> memref<512xi32, #tpu.memory_space<vmem>>
    %dma_start3A_210 = tpu.memref_slice %arg2[%add3A_207] : memref<425984xi32, #tpu.memory_space<hbm>> -> memref<512xi32, #tpu.memory_space<hbm>>
    %dma_start3A_211 = arith.constant 12800 : i32
    %dma_start3A_212 = tpu.memref_slice %arg6[%dma_start3A_211] : memref<13312xi32, #tpu.memory_space<vmem>> -> memref<512xi32, #tpu.memory_space<vmem>>
    %dma_start3A_213 = tpu.memref_slice %arg2[%add3A_207] : memref<425984xi32, #tpu.memory_space<hbm>> -> memref<512xi32, #tpu.memory_space<hbm>>
    tpu.enqueue_dma source(%dma_start3A_213 : memref<512xi32, #tpu.memory_space<hbm>>) target(%dma_start3A_212 : memref<512xi32, #tpu.memory_space<vmem>>) target_semaphore(%arg33 : memref<!tpu.dma_semaphore, #tpu.memory_space<semaphore_mem>>)
    %add3A_214 = arith.constant 0 : i32
    %add3A_215 = arith.addi %add3A_214, %mul3A_2 : i32
    %dma_wait3A = arith.constant 0 : i32
    %dma_wait3A_216 = tpu.memref_slice %arg6[%dma_wait3A] : memref<13312xi32, #tpu.memory_space<vmem>> -> memref<512xi32, #tpu.memory_space<vmem>>
    %dma_wait3A_217 = tpu.memref_slice %arg2[%add3A_215] : memref<425984xi32, #tpu.memory_space<hbm>> -> memref<512xi32, #tpu.memory_space<hbm>>
    %dma_wait3A_218 = arith.constant 0 : i32
    %dma_wait3A_219 = tpu.memref_slice %arg6[%dma_wait3A_218] : memref<13312xi32, #tpu.memory_space<vmem>> -> memref<512xi32, #tpu.memory_space<vmem>>
    %dma_wait3A_220 = tpu.memref_slice %arg2[%add3A_215] : memref<425984xi32, #tpu.memory_space<hbm>> -> memref<512xi32, #tpu.memory_space<hbm>>
    tpu.wait_dma2 semaphore(%arg21 : memref<!tpu.dma_semaphore, #tpu.memory_space<semaphore_mem>>) src(%dma_wait3A_220 : memref<512xi32, #tpu.memory_space<hbm>>) dst(%dma_wait3A_219 : memref<512xi32, #tpu.memory_space<vmem>>)
    %add3A_221 = arith.constant 16384 : i32
    %add3A_222 = arith.addi %add3A_221, %mul3A_2 : i32
    %dma_wait3A_223 = arith.constant 512 : i32
    %dma_wait3A_224 = tpu.memref_slice %arg6[%dma_wait3A_223] : memref<13312xi32, #tpu.memory_space<vmem>> -> memref<512xi32, #tpu.memory_space<vmem>>
    %dma_wait3A_225 = tpu.memref_slice %arg2[%add3A_222] : memref<425984xi32, #tpu.memory_space<hbm>> -> memref<512xi32, #tpu.memory_space<hbm>>
    %dma_wait3A_226 = arith.constant 512 : i32
    %dma_wait3A_227 = tpu.memref_slice %arg6[%dma_wait3A_226] : memref<13312xi32, #tpu.memory_space<vmem>> -> memref<512xi32, #tpu.memory_space<vmem>>
    %dma_wait3A_228 = tpu.memref_slice %arg2[%add3A_222] : memref<425984xi32, #tpu.memory_space<hbm>> -> memref<512xi32, #tpu.memory_space<hbm>>
    tpu.wait_dma2 semaphore(%arg22 : memref<!tpu.dma_semaphore, #tpu.memory_space<semaphore_mem>>) src(%dma_wait3A_228 : memref<512xi32, #tpu.memory_space<hbm>>) dst(%dma_wait3A_227 : memref<512xi32, #tpu.memory_space<vmem>>)
    %add3A_229 = arith.constant 32768 : i32
    %add3A_230 = arith.addi %add3A_229, %mul3A_2 : i32
    %dma_wait3A_231 = arith.constant 1024 : i32
    %dma_wait3A_232 = tpu.memref_slice %arg6[%dma_wait3A_231] : memref<13312xi32, #tpu.memory_space<vmem>> -> memref<512xi32, #tpu.memory_space<vmem>>
    %dma_wait3A_233 = tpu.memref_slice %arg2[%add3A_230] : memref<425984xi32, #tpu.memory_space<hbm>> -> memref<512xi32, #tpu.memory_space<hbm>>
    %dma_wait3A_234 = arith.constant 1024 : i32
    %dma_wait3A_235 = tpu.memref_slice %arg6[%dma_wait3A_234] : memref<13312xi32, #tpu.memory_space<vmem>> -> memref<512xi32, #tpu.memory_space<vmem>>
    %dma_wait3A_236 = tpu.memref_slice %arg2[%add3A_230] : memref<425984xi32, #tpu.memory_space<hbm>> -> memref<512xi32, #tpu.memory_space<hbm>>
    tpu.wait_dma2 semaphore(%arg23 : memref<!tpu.dma_semaphore, #tpu.memory_space<semaphore_mem>>) src(%dma_wait3A_236 : memref<512xi32, #tpu.memory_space<hbm>>) dst(%dma_wait3A_235 : memref<512xi32, #tpu.memory_space<vmem>>)
    %add3A_237 = arith.constant 49152 : i32
    %add3A_238 = arith.addi %add3A_237, %mul3A_2 : i32
    %dma_wait3A_239 = arith.constant 1536 : i32
    %dma_wait3A_240 = tpu.memref_slice %arg6[%dma_wait3A_239] : memref<13312xi32, #tpu.memory_space<vmem>> -> memref<512xi32, #tpu.memory_space<vmem>>
    %dma_wait3A_241 = tpu.memref_slice %arg2[%add3A_238] : memref<425984xi32, #tpu.memory_space<hbm>> -> memref<512xi32, #tpu.memory_space<hbm>>
    %dma_wait3A_242 = arith.constant 1536 : i32
    %dma_wait3A_243 = tpu.memref_slice %arg6[%dma_wait3A_242] : memref<13312xi32, #tpu.memory_space<vmem>> -> memref<512xi32, #tpu.memory_space<vmem>>
    %dma_wait3A_244 = tpu.memref_slice %arg2[%add3A_238] : memref<425984xi32, #tpu.memory_space<hbm>> -> memref<512xi32, #tpu.memory_space<hbm>>
    tpu.wait_dma2 semaphore(%arg24 : memref<!tpu.dma_semaphore, #tpu.memory_space<semaphore_mem>>) src(%dma_wait3A_244 : memref<512xi32, #tpu.memory_space<hbm>>) dst(%dma_wait3A_243 : memref<512xi32, #tpu.memory_space<vmem>>)
    %add3A_245 = arith.constant 65536 : i32
    %add3A_246 = arith.addi %add3A_245, %mul3A_2 : i32
    %dma_wait3A_247 = arith.constant 2048 : i32
    %dma_wait3A_248 = tpu.memref_slice %arg6[%dma_wait3A_247] : memref<13312xi32, #tpu.memory_space<vmem>> -> memref<512xi32, #tpu.memory_space<vmem>>
    %dma_wait3A_249 = tpu.memref_slice %arg2[%add3A_246] : memref<425984xi32, #tpu.memory_space<hbm>> -> memref<512xi32, #tpu.memory_space<hbm>>
    %dma_wait3A_250 = arith.constant 2048 : i32
    %dma_wait3A_251 = tpu.memref_slice %arg6[%dma_wait3A_250] : memref<13312xi32, #tpu.memory_space<vmem>> -> memref<512xi32, #tpu.memory_space<vmem>>
    %dma_wait3A_252 = tpu.memref_slice %arg2[%add3A_246] : memref<425984xi32, #tpu.memory_space<hbm>> -> memref<512xi32, #tpu.memory_space<hbm>>
    tpu.wait_dma2 semaphore(%arg25 : memref<!tpu.dma_semaphore, #tpu.memory_space<semaphore_mem>>) src(%dma_wait3A_252 : memref<512xi32, #tpu.memory_space<hbm>>) dst(%dma_wait3A_251 : memref<512xi32, #tpu.memory_space<vmem>>)
    %add3A_253 = arith.constant 81920 : i32
    %add3A_254 = arith.addi %add3A_253, %mul3A_2 : i32
    %dma_wait3A_255 = arith.constant 2560 : i32
    %dma_wait3A_256 = tpu.memref_slice %arg6[%dma_wait3A_255] : memref<13312xi32, #tpu.memory_space<vmem>> -> memref<512xi32, #tpu.memory_space<vmem>>
    %dma_wait3A_257 = tpu.memref_slice %arg2[%add3A_254] : memref<425984xi32, #tpu.memory_space<hbm>> -> memref<512xi32, #tpu.memory_space<hbm>>
    %dma_wait3A_258 = arith.constant 2560 : i32
    %dma_wait3A_259 = tpu.memref_slice %arg6[%dma_wait3A_258] : memref<13312xi32, #tpu.memory_space<vmem>> -> memref<512xi32, #tpu.memory_space<vmem>>
    %dma_wait3A_260 = tpu.memref_slice %arg2[%add3A_254] : memref<425984xi32, #tpu.memory_space<hbm>> -> memref<512xi32, #tpu.memory_space<hbm>>
    tpu.wait_dma2 semaphore(%arg26 : memref<!tpu.dma_semaphore, #tpu.memory_space<semaphore_mem>>) src(%dma_wait3A_260 : memref<512xi32, #tpu.memory_space<hbm>>) dst(%dma_wait3A_259 : memref<512xi32, #tpu.memory_space<vmem>>)
    %add3A_261 = arith.constant 98304 : i32
    %add3A_262 = arith.addi %add3A_261, %mul3A_2 : i32
    %dma_wait3A_263 = arith.constant 3072 : i32
    %dma_wait3A_264 = tpu.memref_slice %arg6[%dma_wait3A_263] : memref<13312xi32, #tpu.memory_space<vmem>> -> memref<512xi32, #tpu.memory_space<vmem>>
    %dma_wait3A_265 = tpu.memref_slice %arg2[%add3A_262] : memref<425984xi32, #tpu.memory_space<hbm>> -> memref<512xi32, #tpu.memory_space<hbm>>
    %dma_wait3A_266 = arith.constant 3072 : i32
    %dma_wait3A_267 = tpu.memref_slice %arg6[%dma_wait3A_266] : memref<13312xi32, #tpu.memory_space<vmem>> -> memref<512xi32, #tpu.memory_space<vmem>>
    %dma_wait3A_268 = tpu.memref_slice %arg2[%add3A_262] : memref<425984xi32, #tpu.memory_space<hbm>> -> memref<512xi32, #tpu.memory_space<hbm>>
    tpu.wait_dma2 semaphore(%arg27 : memref<!tpu.dma_semaphore, #tpu.memory_space<semaphore_mem>>) src(%dma_wait3A_268 : memref<512xi32, #tpu.memory_space<hbm>>) dst(%dma_wait3A_267 : memref<512xi32, #tpu.memory_space<vmem>>)
    %add3A_269 = arith.constant 114688 : i32
    %add3A_270 = arith.addi %add3A_269, %mul3A_2 : i32
    %dma_wait3A_271 = arith.constant 3584 : i32
    %dma_wait3A_272 = tpu.memref_slice %arg6[%dma_wait3A_271] : memref<13312xi32, #tpu.memory_space<vmem>> -> memref<512xi32, #tpu.memory_space<vmem>>
    %dma_wait3A_273 = tpu.memref_slice %arg2[%add3A_270] : memref<425984xi32, #tpu.memory_space<hbm>> -> memref<512xi32, #tpu.memory_space<hbm>>
    %dma_wait3A_274 = arith.constant 3584 : i32
    %dma_wait3A_275 = tpu.memref_slice %arg6[%dma_wait3A_274] : memref<13312xi32, #tpu.memory_space<vmem>> -> memref<512xi32, #tpu.memory_space<vmem>>
    %dma_wait3A_276 = tpu.memref_slice %arg2[%add3A_270] : memref<425984xi32, #tpu.memory_space<hbm>> -> memref<512xi32, #tpu.memory_space<hbm>>
    tpu.wait_dma2 semaphore(%arg28 : memref<!tpu.dma_semaphore, #tpu.memory_space<semaphore_mem>>) src(%dma_wait3A_276 : memref<512xi32, #tpu.memory_space<hbm>>) dst(%dma_wait3A_275 : memref<512xi32, #tpu.memory_space<vmem>>)
    %add3A_277 = arith.constant 131072 : i32
    %add3A_278 = arith.addi %add3A_277, %mul3A_2 : i32
    %dma_wait3A_279 = arith.constant 4096 : i32
    %dma_wait3A_280 = tpu.memref_slice %arg6[%dma_wait3A_279] : memref<13312xi32, #tpu.memory_space<vmem>> -> memref<512xi32, #tpu.memory_space<vmem>>
    %dma_wait3A_281 = tpu.memref_slice %arg2[%add3A_278] : memref<425984xi32, #tpu.memory_space<hbm>> -> memref<512xi32, #tpu.memory_space<hbm>>
    %dma_wait3A_282 = arith.constant 4096 : i32
    %dma_wait3A_283 = tpu.memref_slice %arg6[%dma_wait3A_282] : memref<13312xi32, #tpu.memory_space<vmem>> -> memref<512xi32, #tpu.memory_space<vmem>>
    %dma_wait3A_284 = tpu.memref_slice %arg2[%add3A_278] : memref<425984xi32, #tpu.memory_space<hbm>> -> memref<512xi32, #tpu.memory_space<hbm>>
    tpu.wait_dma2 semaphore(%arg29 : memref<!tpu.dma_semaphore, #tpu.memory_space<semaphore_mem>>) src(%dma_wait3A_284 : memref<512xi32, #tpu.memory_space<hbm>>) dst(%dma_wait3A_283 : memref<512xi32, #tpu.memory_space<vmem>>)
    %add3A_285 = arith.constant 147456 : i32
    %add3A_286 = arith.addi %add3A_285, %mul3A_2 : i32
    %dma_wait3A_287 = arith.constant 4608 : i32
    %dma_wait3A_288 = tpu.memref_slice %arg6[%dma_wait3A_287] : memref<13312xi32, #tpu.memory_space<vmem>> -> memref<512xi32, #tpu.memory_space<vmem>>
    %dma_wait3A_289 = tpu.memref_slice %arg2[%add3A_286] : memref<425984xi32, #tpu.memory_space<hbm>> -> memref<512xi32, #tpu.memory_space<hbm>>
    %dma_wait3A_290 = arith.constant 4608 : i32
    %dma_wait3A_291 = tpu.memref_slice %arg6[%dma_wait3A_290] : memref<13312xi32, #tpu.memory_space<vmem>> -> memref<512xi32, #tpu.memory_space<vmem>>
    %dma_wait3A_292 = tpu.memref_slice %arg2[%add3A_286] : memref<425984xi32, #tpu.memory_space<hbm>> -> memref<512xi32, #tpu.memory_space<hbm>>
    tpu.wait_dma2 semaphore(%arg30 : memref<!tpu.dma_semaphore, #tpu.memory_space<semaphore_mem>>) src(%dma_wait3A_292 : memref<512xi32, #tpu.memory_space<hbm>>) dst(%dma_wait3A_291 : memref<512xi32, #tpu.memory_space<vmem>>)
    %add3A_293 = arith.constant 163840 : i32
    %add3A_294 = arith.addi %add3A_293, %mul3A_2 : i32
    %dma_wait3A_295 = arith.constant 5120 : i32
    %dma_wait3A_296 = tpu.memref_slice %arg6[%dma_wait3A_295] : memref<13312xi32, #tpu.memory_space<vmem>> -> memref<512xi32, #tpu.memory_space<vmem>>
    %dma_wait3A_297 = tpu.memref_slice %arg2[%add3A_294] : memref<425984xi32, #tpu.memory_space<hbm>> -> memref<512xi32, #tpu.memory_space<hbm>>
    %dma_wait3A_298 = arith.constant 5120 : i32
    %dma_wait3A_299 = tpu.memref_slice %arg6[%dma_wait3A_298] : memref<13312xi32, #tpu.memory_space<vmem>> -> memref<512xi32, #tpu.memory_space<vmem>>
    %dma_wait3A_300 = tpu.memref_slice %arg2[%add3A_294] : memref<425984xi32, #tpu.memory_space<hbm>> -> memref<512xi32, #tpu.memory_space<hbm>>
    tpu.wait_dma2 semaphore(%arg31 : memref<!tpu.dma_semaphore, #tpu.memory_space<semaphore_mem>>) src(%dma_wait3A_300 : memref<512xi32, #tpu.memory_space<hbm>>) dst(%dma_wait3A_299 : memref<512xi32, #tpu.memory_space<vmem>>)
    %add3A_301 = arith.constant 180224 : i32
    %add3A_302 = arith.addi %add3A_301, %mul3A_2 : i32
    %dma_wait3A_303 = arith.constant 5632 : i32
    %dma_wait3A_304 = tpu.memref_slice %arg6[%dma_wait3A_303] : memref<13312xi32, #tpu.memory_space<vmem>> -> memref<512xi32, #tpu.memory_space<vmem>>
    %dma_wait3A_305 = tpu.memref_slice %arg2[%add3A_302] : memref<425984xi32, #tpu.memory_space<hbm>> -> memref<512xi32, #tpu.memory_space<hbm>>
    %dma_wait3A_306 = arith.constant 5632 : i32
    %dma_wait3A_307 = tpu.memref_slice %arg6[%dma_wait3A_306] : memref<13312xi32, #tpu.memory_space<vmem>> -> memref<512xi32, #tpu.memory_space<vmem>>
    %dma_wait3A_308 = tpu.memref_slice %arg2[%add3A_302] : memref<425984xi32, #tpu.memory_space<hbm>> -> memref<512xi32, #tpu.memory_space<hbm>>
    tpu.wait_dma2 semaphore(%arg32 : memref<!tpu.dma_semaphore, #tpu.memory_space<semaphore_mem>>) src(%dma_wait3A_308 : memref<512xi32, #tpu.memory_space<hbm>>) dst(%dma_wait3A_307 : memref<512xi32, #tpu.memory_space<vmem>>)
    %add3A_309 = arith.constant 196608 : i32
    %add3A_310 = arith.addi %add3A_309, %mul3A_2 : i32
    %dma_wait3A_311 = arith.constant 6144 : i32
    %dma_wait3A_312 = tpu.memref_slice %arg6[%dma_wait3A_311] : memref<13312xi32, #tpu.memory_space<vmem>> -> memref<512xi32, #tpu.memory_space<vmem>>
    %dma_wait3A_313 = tpu.memref_slice %arg2[%add3A_310] : memref<425984xi32, #tpu.memory_space<hbm>> -> memref<512xi32, #tpu.memory_space<hbm>>
    %dma_wait3A_314 = arith.constant 6144 : i32
    %dma_wait3A_315 = tpu.memref_slice %arg6[%dma_wait3A_314] : memref<13312xi32, #tpu.memory_space<vmem>> -> memref<512xi32, #tpu.memory_space<vmem>>
    %dma_wait3A_316 = tpu.memref_slice %arg2[%add3A_310] : memref<425984xi32, #tpu.memory_space<hbm>> -> memref<512xi32, #tpu.memory_space<hbm>>
    tpu.wait_dma2 semaphore(%arg33 : memref<!tpu.dma_semaphore, #tpu.memory_space<semaphore_mem>>) src(%dma_wait3A_316 : memref<512xi32, #tpu.memory_space<hbm>>) dst(%dma_wait3A_315 : memref<512xi32, #tpu.memory_space<vmem>>)
    %add3A_317 = arith.constant 212992 : i32
    %add3A_318 = arith.addi %add3A_317, %mul3A_2 : i32
    %dma_wait3A_319 = arith.constant 6656 : i32
    %dma_wait3A_320 = tpu.memref_slice %arg6[%dma_wait3A_319] : memref<13312xi32, #tpu.memory_space<vmem>> -> memref<512xi32, #tpu.memory_space<vmem>>
    %dma_wait3A_321 = tpu.memref_slice %arg2[%add3A_318] : memref<425984xi32, #tpu.memory_space<hbm>> -> memref<512xi32, #tpu.memory_space<hbm>>
    %dma_wait3A_322 = arith.constant 6656 : i32
    %dma_wait3A_323 = tpu.memref_slice %arg6[%dma_wait3A_322] : memref<13312xi32, #tpu.memory_space<vmem>> -> memref<512xi32, #tpu.memory_space<vmem>>
    %dma_wait3A_324 = tpu.memref_slice %arg2[%add3A_318] : memref<425984xi32, #tpu.memory_space<hbm>> -> memref<512xi32, #tpu.memory_space<hbm>>
    tpu.wait_dma2 semaphore(%arg21 : memref<!tpu.dma_semaphore, #tpu.memory_space<semaphore_mem>>) src(%dma_wait3A_324 : memref<512xi32, #tpu.memory_space<hbm>>) dst(%dma_wait3A_323 : memref<512xi32, #tpu.memory_space<vmem>>)
    %add3A_325 = arith.constant 229376 : i32
    %add3A_326 = arith.addi %add3A_325, %mul3A_2 : i32
    %dma_wait3A_327 = arith.constant 7168 : i32
    %dma_wait3A_328 = tpu.memref_slice %arg6[%dma_wait3A_327] : memref<13312xi32, #tpu.memory_space<vmem>> -> memref<512xi32, #tpu.memory_space<vmem>>
    %dma_wait3A_329 = tpu.memref_slice %arg2[%add3A_326] : memref<425984xi32, #tpu.memory_space<hbm>> -> memref<512xi32, #tpu.memory_space<hbm>>
    %dma_wait3A_330 = arith.constant 7168 : i32
    %dma_wait3A_331 = tpu.memref_slice %arg6[%dma_wait3A_330] : memref<13312xi32, #tpu.memory_space<vmem>> -> memref<512xi32, #tpu.memory_space<vmem>>
    %dma_wait3A_332 = tpu.memref_slice %arg2[%add3A_326] : memref<425984xi32, #tpu.memory_space<hbm>> -> memref<512xi32, #tpu.memory_space<hbm>>
    tpu.wait_dma2 semaphore(%arg22 : memref<!tpu.dma_semaphore, #tpu.memory_space<semaphore_mem>>) src(%dma_wait3A_332 : memref<512xi32, #tpu.memory_space<hbm>>) dst(%dma_wait3A_331 : memref<512xi32, #tpu.memory_space<vmem>>)
    %add3A_333 = arith.constant 245760 : i32
    %add3A_334 = arith.addi %add3A_333, %mul3A_2 : i32
    %dma_wait3A_335 = arith.constant 7680 : i32
    %dma_wait3A_336 = tpu.memref_slice %arg6[%dma_wait3A_335] : memref<13312xi32, #tpu.memory_space<vmem>> -> memref<512xi32, #tpu.memory_space<vmem>>
    %dma_wait3A_337 = tpu.memref_slice %arg2[%add3A_334] : memref<425984xi32, #tpu.memory_space<hbm>> -> memref<512xi32, #tpu.memory_space<hbm>>
    %dma_wait3A_338 = arith.constant 7680 : i32
    %dma_wait3A_339 = tpu.memref_slice %arg6[%dma_wait3A_338] : memref<13312xi32, #tpu.memory_space<vmem>> -> memref<512xi32, #tpu.memory_space<vmem>>
    %dma_wait3A_340 = tpu.memref_slice %arg2[%add3A_334] : memref<425984xi32, #tpu.memory_space<hbm>> -> memref<512xi32, #tpu.memory_space<hbm>>
    tpu.wait_dma2 semaphore(%arg23 : memref<!tpu.dma_semaphore, #tpu.memory_space<semaphore_mem>>) src(%dma_wait3A_340 : memref<512xi32, #tpu.memory_space<hbm>>) dst(%dma_wait3A_339 : memref<512xi32, #tpu.memory_space<vmem>>)
    %add3A_341 = arith.constant 262144 : i32
    %add3A_342 = arith.addi %add3A_341, %mul3A_2 : i32
    %dma_wait3A_343 = arith.constant 8192 : i32
    %dma_wait3A_344 = tpu.memref_slice %arg6[%dma_wait3A_343] : memref<13312xi32, #tpu.memory_space<vmem>> -> memref<512xi32, #tpu.memory_space<vmem>>
    %dma_wait3A_345 = tpu.memref_slice %arg2[%add3A_342] : memref<425984xi32, #tpu.memory_space<hbm>> -> memref<512xi32, #tpu.memory_space<hbm>>
    %dma_wait3A_346 = arith.constant 8192 : i32
    %dma_wait3A_347 = tpu.memref_slice %arg6[%dma_wait3A_346] : memref<13312xi32, #tpu.memory_space<vmem>> -> memref<512xi32, #tpu.memory_space<vmem>>
    %dma_wait3A_348 = tpu.memref_slice %arg2[%add3A_342] : memref<425984xi32, #tpu.memory_space<hbm>> -> memref<512xi32, #tpu.memory_space<hbm>>
    tpu.wait_dma2 semaphore(%arg24 : memref<!tpu.dma_semaphore, #tpu.memory_space<semaphore_mem>>) src(%dma_wait3A_348 : memref<512xi32, #tpu.memory_space<hbm>>) dst(%dma_wait3A_347 : memref<512xi32, #tpu.memory_space<vmem>>)
    %add3A_349 = arith.constant 278528 : i32
    %add3A_350 = arith.addi %add3A_349, %mul3A_2 : i32
    %dma_wait3A_351 = arith.constant 8704 : i32
    %dma_wait3A_352 = tpu.memref_slice %arg6[%dma_wait3A_351] : memref<13312xi32, #tpu.memory_space<vmem>> -> memref<512xi32, #tpu.memory_space<vmem>>
    %dma_wait3A_353 = tpu.memref_slice %arg2[%add3A_350] : memref<425984xi32, #tpu.memory_space<hbm>> -> memref<512xi32, #tpu.memory_space<hbm>>
    %dma_wait3A_354 = arith.constant 8704 : i32
    %dma_wait3A_355 = tpu.memref_slice %arg6[%dma_wait3A_354] : memref<13312xi32, #tpu.memory_space<vmem>> -> memref<512xi32, #tpu.memory_space<vmem>>
    %dma_wait3A_356 = tpu.memref_slice %arg2[%add3A_350] : memref<425984xi32, #tpu.memory_space<hbm>> -> memref<512xi32, #tpu.memory_space<hbm>>
    tpu.wait_dma2 semaphore(%arg25 : memref<!tpu.dma_semaphore, #tpu.memory_space<semaphore_mem>>) src(%dma_wait3A_356 : memref<512xi32, #tpu.memory_space<hbm>>) dst(%dma_wait3A_355 : memref<512xi32, #tpu.memory_space<vmem>>)
    %add3A_357 = arith.constant 294912 : i32
    %add3A_358 = arith.addi %add3A_357, %mul3A_2 : i32
    %dma_wait3A_359 = arith.constant 9216 : i32
    %dma_wait3A_360 = tpu.memref_slice %arg6[%dma_wait3A_359] : memref<13312xi32, #tpu.memory_space<vmem>> -> memref<512xi32, #tpu.memory_space<vmem>>
    %dma_wait3A_361 = tpu.memref_slice %arg2[%add3A_358] : memref<425984xi32, #tpu.memory_space<hbm>> -> memref<512xi32, #tpu.memory_space<hbm>>
    %dma_wait3A_362 = arith.constant 9216 : i32
    %dma_wait3A_363 = tpu.memref_slice %arg6[%dma_wait3A_362] : memref<13312xi32, #tpu.memory_space<vmem>> -> memref<512xi32, #tpu.memory_space<vmem>>
    %dma_wait3A_364 = tpu.memref_slice %arg2[%add3A_358] : memref<425984xi32, #tpu.memory_space<hbm>> -> memref<512xi32, #tpu.memory_space<hbm>>
    tpu.wait_dma2 semaphore(%arg26 : memref<!tpu.dma_semaphore, #tpu.memory_space<semaphore_mem>>) src(%dma_wait3A_364 : memref<512xi32, #tpu.memory_space<hbm>>) dst(%dma_wait3A_363 : memref<512xi32, #tpu.memory_space<vmem>>)
    %add3A_365 = arith.constant 311296 : i32
    %add3A_366 = arith.addi %add3A_365, %mul3A_2 : i32
    %dma_wait3A_367 = arith.constant 9728 : i32
    %dma_wait3A_368 = tpu.memref_slice %arg6[%dma_wait3A_367] : memref<13312xi32, #tpu.memory_space<vmem>> -> memref<512xi32, #tpu.memory_space<vmem>>
    %dma_wait3A_369 = tpu.memref_slice %arg2[%add3A_366] : memref<425984xi32, #tpu.memory_space<hbm>> -> memref<512xi32, #tpu.memory_space<hbm>>
    %dma_wait3A_370 = arith.constant 9728 : i32
    %dma_wait3A_371 = tpu.memref_slice %arg6[%dma_wait3A_370] : memref<13312xi32, #tpu.memory_space<vmem>> -> memref<512xi32, #tpu.memory_space<vmem>>
    %dma_wait3A_372 = tpu.memref_slice %arg2[%add3A_366] : memref<425984xi32, #tpu.memory_space<hbm>> -> memref<512xi32, #tpu.memory_space<hbm>>
    tpu.wait_dma2 semaphore(%arg27 : memref<!tpu.dma_semaphore, #tpu.memory_space<semaphore_mem>>) src(%dma_wait3A_372 : memref<512xi32, #tpu.memory_space<hbm>>) dst(%dma_wait3A_371 : memref<512xi32, #tpu.memory_space<vmem>>)
    %add3A_373 = arith.constant 327680 : i32
    %add3A_374 = arith.addi %add3A_373, %mul3A_2 : i32
    %dma_wait3A_375 = arith.constant 10240 : i32
    %dma_wait3A_376 = tpu.memref_slice %arg6[%dma_wait3A_375] : memref<13312xi32, #tpu.memory_space<vmem>> -> memref<512xi32, #tpu.memory_space<vmem>>
    %dma_wait3A_377 = tpu.memref_slice %arg2[%add3A_374] : memref<425984xi32, #tpu.memory_space<hbm>> -> memref<512xi32, #tpu.memory_space<hbm>>
    %dma_wait3A_378 = arith.constant 10240 : i32
    %dma_wait3A_379 = tpu.memref_slice %arg6[%dma_wait3A_378] : memref<13312xi32, #tpu.memory_space<vmem>> -> memref<512xi32, #tpu.memory_space<vmem>>
    %dma_wait3A_380 = tpu.memref_slice %arg2[%add3A_374] : memref<425984xi32, #tpu.memory_space<hbm>> -> memref<512xi32, #tpu.memory_space<hbm>>
    tpu.wait_dma2 semaphore(%arg28 : memref<!tpu.dma_semaphore, #tpu.memory_space<semaphore_mem>>) src(%dma_wait3A_380 : memref<512xi32, #tpu.memory_space<hbm>>) dst(%dma_wait3A_379 : memref<512xi32, #tpu.memory_space<vmem>>)
    %add3A_381 = arith.constant 344064 : i32
    %add3A_382 = arith.addi %add3A_381, %mul3A_2 : i32
    %dma_wait3A_383 = arith.constant 10752 : i32
    %dma_wait3A_384 = tpu.memref_slice %arg6[%dma_wait3A_383] : memref<13312xi32, #tpu.memory_space<vmem>> -> memref<512xi32, #tpu.memory_space<vmem>>
    %dma_wait3A_385 = tpu.memref_slice %arg2[%add3A_382] : memref<425984xi32, #tpu.memory_space<hbm>> -> memref<512xi32, #tpu.memory_space<hbm>>
    %dma_wait3A_386 = arith.constant 10752 : i32
    %dma_wait3A_387 = tpu.memref_slice %arg6[%dma_wait3A_386] : memref<13312xi32, #tpu.memory_space<vmem>> -> memref<512xi32, #tpu.memory_space<vmem>>
    %dma_wait3A_388 = tpu.memref_slice %arg2[%add3A_382] : memref<425984xi32, #tpu.memory_space<hbm>> -> memref<512xi32, #tpu.memory_space<hbm>>
    tpu.wait_dma2 semaphore(%arg29 : memref<!tpu.dma_semaphore, #tpu.memory_space<semaphore_mem>>) src(%dma_wait3A_388 : memref<512xi32, #tpu.memory_space<hbm>>) dst(%dma_wait3A_387 : memref<512xi32, #tpu.memory_space<vmem>>)
    %add3A_389 = arith.constant 360448 : i32
    %add3A_390 = arith.addi %add3A_389, %mul3A_2 : i32
    %dma_wait3A_391 = arith.constant 11264 : i32
    %dma_wait3A_392 = tpu.memref_slice %arg6[%dma_wait3A_391] : memref<13312xi32, #tpu.memory_space<vmem>> -> memref<512xi32, #tpu.memory_space<vmem>>
    %dma_wait3A_393 = tpu.memref_slice %arg2[%add3A_390] : memref<425984xi32, #tpu.memory_space<hbm>> -> memref<512xi32, #tpu.memory_space<hbm>>
    %dma_wait3A_394 = arith.constant 11264 : i32
    %dma_wait3A_395 = tpu.memref_slice %arg6[%dma_wait3A_394] : memref<13312xi32, #tpu.memory_space<vmem>> -> memref<512xi32, #tpu.memory_space<vmem>>
    %dma_wait3A_396 = tpu.memref_slice %arg2[%add3A_390] : memref<425984xi32, #tpu.memory_space<hbm>> -> memref<512xi32, #tpu.memory_space<hbm>>
    tpu.wait_dma2 semaphore(%arg30 : memref<!tpu.dma_semaphore, #tpu.memory_space<semaphore_mem>>) src(%dma_wait3A_396 : memref<512xi32, #tpu.memory_space<hbm>>) dst(%dma_wait3A_395 : memref<512xi32, #tpu.memory_space<vmem>>)
    %add3A_397 = arith.constant 376832 : i32
    %add3A_398 = arith.addi %add3A_397, %mul3A_2 : i32
    %dma_wait3A_399 = arith.constant 11776 : i32
    %dma_wait3A_400 = tpu.memref_slice %arg6[%dma_wait3A_399] : memref<13312xi32, #tpu.memory_space<vmem>> -> memref<512xi32, #tpu.memory_space<vmem>>
    %dma_wait3A_401 = tpu.memref_slice %arg2[%add3A_398] : memref<425984xi32, #tpu.memory_space<hbm>> -> memref<512xi32, #tpu.memory_space<hbm>>
    %dma_wait3A_402 = arith.constant 11776 : i32
    %dma_wait3A_403 = tpu.memref_slice %arg6[%dma_wait3A_402] : memref<13312xi32, #tpu.memory_space<vmem>> -> memref<512xi32, #tpu.memory_space<vmem>>
    %dma_wait3A_404 = tpu.memref_slice %arg2[%add3A_398] : memref<425984xi32, #tpu.memory_space<hbm>> -> memref<512xi32, #tpu.memory_space<hbm>>
    tpu.wait_dma2 semaphore(%arg31 : memref<!tpu.dma_semaphore, #tpu.memory_space<semaphore_mem>>) src(%dma_wait3A_404 : memref<512xi32, #tpu.memory_space<hbm>>) dst(%dma_wait3A_403 : memref<512xi32, #tpu.memory_space<vmem>>)
    %add3A_405 = arith.constant 393216 : i32
    %add3A_406 = arith.addi %add3A_405, %mul3A_2 : i32
    %dma_wait3A_407 = arith.constant 12288 : i32
    %dma_wait3A_408 = tpu.memref_slice %arg6[%dma_wait3A_407] : memref<13312xi32, #tpu.memory_space<vmem>> -> memref<512xi32, #tpu.memory_space<vmem>>
    %dma_wait3A_409 = tpu.memref_slice %arg2[%add3A_406] : memref<425984xi32, #tpu.memory_space<hbm>> -> memref<512xi32, #tpu.memory_space<hbm>>
    %dma_wait3A_410 = arith.constant 12288 : i32
    %dma_wait3A_411 = tpu.memref_slice %arg6[%dma_wait3A_410] : memref<13312xi32, #tpu.memory_space<vmem>> -> memref<512xi32, #tpu.memory_space<vmem>>
    %dma_wait3A_412 = tpu.memref_slice %arg2[%add3A_406] : memref<425984xi32, #tpu.memory_space<hbm>> -> memref<512xi32, #tpu.memory_space<hbm>>
    tpu.wait_dma2 semaphore(%arg32 : memref<!tpu.dma_semaphore, #tpu.memory_space<semaphore_mem>>) src(%dma_wait3A_412 : memref<512xi32, #tpu.memory_space<hbm>>) dst(%dma_wait3A_411 : memref<512xi32, #tpu.memory_space<vmem>>)
    %add3A_413 = arith.constant 409600 : i32
    %add3A_414 = arith.addi %add3A_413, %mul3A_2 : i32
    %dma_wait3A_415 = arith.constant 12800 : i32
    %dma_wait3A_416 = tpu.memref_slice %arg6[%dma_wait3A_415] : memref<13312xi32, #tpu.memory_space<vmem>> -> memref<512xi32, #tpu.memory_space<vmem>>
    %dma_wait3A_417 = tpu.memref_slice %arg2[%add3A_414] : memref<425984xi32, #tpu.memory_space<hbm>> -> memref<512xi32, #tpu.memory_space<hbm>>
    %dma_wait3A_418 = arith.constant 12800 : i32
    %dma_wait3A_419 = tpu.memref_slice %arg6[%dma_wait3A_418] : memref<13312xi32, #tpu.memory_space<vmem>> -> memref<512xi32, #tpu.memory_space<vmem>>
    %dma_wait3A_420 = tpu.memref_slice %arg2[%add3A_414] : memref<425984xi32, #tpu.memory_space<hbm>> -> memref<512xi32, #tpu.memory_space<hbm>>
    tpu.wait_dma2 semaphore(%arg33 : memref<!tpu.dma_semaphore, #tpu.memory_space<semaphore_mem>>) src(%dma_wait3A_420 : memref<512xi32, #tpu.memory_space<hbm>>) dst(%dma_wait3A_419 : memref<512xi32, #tpu.memory_space<vmem>>)
    %dma_wait3A_421 = arith.constant 0 : i32
    %dma_wait3A_422 = tpu.memref_slice %arg3[%mul3A_2, %dma_wait3A_421] : memref<16384x13xf32, #tpu.memory_space<hbm>> -> memref<512x13xf32, #tpu.memory_space<hbm>>
    %dma_wait3A_423 = arith.constant 0 : i32
    %dma_wait3A_424 = tpu.memref_slice %arg3[%mul3A_2, %dma_wait3A_423] : memref<16384x13xf32, #tpu.memory_space<hbm>> -> memref<512x13xf32, #tpu.memory_space<hbm>>
    tpu.wait_dma2 semaphore(%arg35 : memref<!tpu.dma_semaphore, #tpu.memory_space<semaphore_mem>>) src(%dma_wait3A_424 : memref<512x13xf32, #tpu.memory_space<hbm>>) dst(%arg20 : memref<512x13xf32, #tpu.memory_space<vmem>>)
    %dma_start3A_425 = arith.constant 416 : i32
    %dma_start3A_426 = tpu.memref_slice %arg5[%mul3A_2, %dma_start3A_425] : memref<16384x429xf32, #tpu.memory_space<hbm>> -> memref<512x13xf32, #tpu.memory_space<hbm>>
    %dma_start3A_427 = arith.constant 416 : i32
    %dma_start3A_428 = tpu.memref_slice %arg5[%mul3A_2, %dma_start3A_427] : memref<16384x429xf32, #tpu.memory_space<hbm>> -> memref<512x13xf32, #tpu.memory_space<hbm>>
    tpu.enqueue_dma source(%arg20 : memref<512x13xf32, #tpu.memory_space<vmem>>) target(%dma_start3A_428 : memref<512x13xf32, #tpu.memory_space<hbm>>) target_semaphore(%arg35 : memref<!tpu.dma_semaphore, #tpu.memory_space<semaphore_mem>>)
    %dma_start3A_429 = arith.constant 0 : i32
    %dma_start3A_430 = arith.constant 0 : i32
    %dma_start3A_431 = tpu.memref_slice %arg6[%dma_start3A_430] : memref<13312xi32, #tpu.memory_space<vmem>> -> memref<512xi32, #tpu.memory_space<vmem>>
    %dma_start3A_432 = arith.constant 0 : i32
    %dma_start3A_433 = arith.constant 0 : i32
    %dma_start3A_434 = tpu.memref_slice %arg4[%dma_start3A_429, %dma_start3A_432, %dma_start3A_433] : memref<26x100000x16xf32, #tpu.memory_space<hbm>> -> memref<1x100000x16xf32, #tpu.memory_space<hbm>>
    %dma_start3A_435 = tpu.memref_squeeze %dma_start3A_434 : memref<1x100000x16xf32, #tpu.memory_space<hbm>> -> memref<100000x16xf32, #tpu.memory_space<hbm>>
    %dma_start3A_436 = arith.constant 0 : i32
    %dma_start3A_437 = arith.constant 0 : i32
    %dma_start3A_438 = tpu.memref_slice %dma_start3A_435[%dma_start3A_436, %dma_start3A_437] : memref<100000x16xf32, #tpu.memory_space<hbm>> -> memref<100000x16xf32, #tpu.memory_space<hbm>>
    tpu.enqueue_indirect_dma source(%dma_start3A_438 : memref<100000x16xf32, #tpu.memory_space<hbm>>) target(%arg7 : memref<512x16xf32, #tpu.memory_space<vmem>>) offsets(%dma_start3A_431 : memref<512xi32, #tpu.memory_space<vmem>>) semaphore(%arg21 : memref<!tpu.dma_semaphore, #tpu.memory_space<semaphore_mem>>)
    %dma_start3A_439 = arith.constant 1 : i32
    %dma_start3A_440 = arith.constant 512 : i32
    %dma_start3A_441 = tpu.memref_slice %arg6[%dma_start3A_440] : memref<13312xi32, #tpu.memory_space<vmem>> -> memref<512xi32, #tpu.memory_space<vmem>>
    %dma_start3A_442 = arith.constant 0 : i32
    %dma_start3A_443 = arith.constant 0 : i32
    %dma_start3A_444 = tpu.memref_slice %arg4[%dma_start3A_439, %dma_start3A_442, %dma_start3A_443] : memref<26x100000x16xf32, #tpu.memory_space<hbm>> -> memref<1x100000x16xf32, #tpu.memory_space<hbm>>
    %dma_start3A_445 = tpu.memref_squeeze %dma_start3A_444 : memref<1x100000x16xf32, #tpu.memory_space<hbm>> -> memref<100000x16xf32, #tpu.memory_space<hbm>>
    %dma_start3A_446 = arith.constant 0 : i32
    %dma_start3A_447 = arith.constant 0 : i32
    %dma_start3A_448 = tpu.memref_slice %dma_start3A_445[%dma_start3A_446, %dma_start3A_447] : memref<100000x16xf32, #tpu.memory_space<hbm>> -> memref<100000x16xf32, #tpu.memory_space<hbm>>
    tpu.enqueue_indirect_dma source(%dma_start3A_448 : memref<100000x16xf32, #tpu.memory_space<hbm>>) target(%arg8 : memref<512x16xf32, #tpu.memory_space<vmem>>) offsets(%dma_start3A_441 : memref<512xi32, #tpu.memory_space<vmem>>) semaphore(%arg22 : memref<!tpu.dma_semaphore, #tpu.memory_space<semaphore_mem>>)
    %dma_start3A_449 = arith.constant 2 : i32
    %dma_start3A_450 = arith.constant 1024 : i32
    %dma_start3A_451 = tpu.memref_slice %arg6[%dma_start3A_450] : memref<13312xi32, #tpu.memory_space<vmem>> -> memref<512xi32, #tpu.memory_space<vmem>>
    %dma_start3A_452 = arith.constant 0 : i32
    %dma_start3A_453 = arith.constant 0 : i32
    %dma_start3A_454 = tpu.memref_slice %arg4[%dma_start3A_449, %dma_start3A_452, %dma_start3A_453] : memref<26x100000x16xf32, #tpu.memory_space<hbm>> -> memref<1x100000x16xf32, #tpu.memory_space<hbm>>
    %dma_start3A_455 = tpu.memref_squeeze %dma_start3A_454 : memref<1x100000x16xf32, #tpu.memory_space<hbm>> -> memref<100000x16xf32, #tpu.memory_space<hbm>>
    %dma_start3A_456 = arith.constant 0 : i32
    %dma_start3A_457 = arith.constant 0 : i32
    %dma_start3A_458 = tpu.memref_slice %dma_start3A_455[%dma_start3A_456, %dma_start3A_457] : memref<100000x16xf32, #tpu.memory_space<hbm>> -> memref<100000x16xf32, #tpu.memory_space<hbm>>
    tpu.enqueue_indirect_dma source(%dma_start3A_458 : memref<100000x16xf32, #tpu.memory_space<hbm>>) target(%arg9 : memref<512x16xf32, #tpu.memory_space<vmem>>) offsets(%dma_start3A_451 : memref<512xi32, #tpu.memory_space<vmem>>) semaphore(%arg23 : memref<!tpu.dma_semaphore, #tpu.memory_space<semaphore_mem>>)
    %dma_start3A_459 = arith.constant 3 : i32
    %dma_start3A_460 = arith.constant 1536 : i32
    %dma_start3A_461 = tpu.memref_slice %arg6[%dma_start3A_460] : memref<13312xi32, #tpu.memory_space<vmem>> -> memref<512xi32, #tpu.memory_space<vmem>>
    %dma_start3A_462 = arith.constant 0 : i32
    %dma_start3A_463 = arith.constant 0 : i32
    %dma_start3A_464 = tpu.memref_slice %arg4[%dma_start3A_459, %dma_start3A_462, %dma_start3A_463] : memref<26x100000x16xf32, #tpu.memory_space<hbm>> -> memref<1x100000x16xf32, #tpu.memory_space<hbm>>
    %dma_start3A_465 = tpu.memref_squeeze %dma_start3A_464 : memref<1x100000x16xf32, #tpu.memory_space<hbm>> -> memref<100000x16xf32, #tpu.memory_space<hbm>>
    %dma_start3A_466 = arith.constant 0 : i32
    %dma_start3A_467 = arith.constant 0 : i32
    %dma_start3A_468 = tpu.memref_slice %dma_start3A_465[%dma_start3A_466, %dma_start3A_467] : memref<100000x16xf32, #tpu.memory_space<hbm>> -> memref<100000x16xf32, #tpu.memory_space<hbm>>
    tpu.enqueue_indirect_dma source(%dma_start3A_468 : memref<100000x16xf32, #tpu.memory_space<hbm>>) target(%arg10 : memref<512x16xf32, #tpu.memory_space<vmem>>) offsets(%dma_start3A_461 : memref<512xi32, #tpu.memory_space<vmem>>) semaphore(%arg24 : memref<!tpu.dma_semaphore, #tpu.memory_space<semaphore_mem>>)
    %dma_start3A_469 = arith.constant 4 : i32
    %dma_start3A_470 = arith.constant 2048 : i32
    %dma_start3A_471 = tpu.memref_slice %arg6[%dma_start3A_470] : memref<13312xi32, #tpu.memory_space<vmem>> -> memref<512xi32, #tpu.memory_space<vmem>>
    %dma_start3A_472 = arith.constant 0 : i32
    %dma_start3A_473 = arith.constant 0 : i32
    %dma_start3A_474 = tpu.memref_slice %arg4[%dma_start3A_469, %dma_start3A_472, %dma_start3A_473] : memref<26x100000x16xf32, #tpu.memory_space<hbm>> -> memref<1x100000x16xf32, #tpu.memory_space<hbm>>
    %dma_start3A_475 = tpu.memref_squeeze %dma_start3A_474 : memref<1x100000x16xf32, #tpu.memory_space<hbm>> -> memref<100000x16xf32, #tpu.memory_space<hbm>>
    %dma_start3A_476 = arith.constant 0 : i32
    %dma_start3A_477 = arith.constant 0 : i32
    %dma_start3A_478 = tpu.memref_slice %dma_start3A_475[%dma_start3A_476, %dma_start3A_477] : memref<100000x16xf32, #tpu.memory_space<hbm>> -> memref<100000x16xf32, #tpu.memory_space<hbm>>
    tpu.enqueue_indirect_dma source(%dma_start3A_478 : memref<100000x16xf32, #tpu.memory_space<hbm>>) target(%arg11 : memref<512x16xf32, #tpu.memory_space<vmem>>) offsets(%dma_start3A_471 : memref<512xi32, #tpu.memory_space<vmem>>) semaphore(%arg25 : memref<!tpu.dma_semaphore, #tpu.memory_space<semaphore_mem>>)
    %dma_start3A_479 = arith.constant 5 : i32
    %dma_start3A_480 = arith.constant 2560 : i32
    %dma_start3A_481 = tpu.memref_slice %arg6[%dma_start3A_480] : memref<13312xi32, #tpu.memory_space<vmem>> -> memref<512xi32, #tpu.memory_space<vmem>>
    %dma_start3A_482 = arith.constant 0 : i32
    %dma_start3A_483 = arith.constant 0 : i32
    %dma_start3A_484 = tpu.memref_slice %arg4[%dma_start3A_479, %dma_start3A_482, %dma_start3A_483] : memref<26x100000x16xf32, #tpu.memory_space<hbm>> -> memref<1x100000x16xf32, #tpu.memory_space<hbm>>
    %dma_start3A_485 = tpu.memref_squeeze %dma_start3A_484 : memref<1x100000x16xf32, #tpu.memory_space<hbm>> -> memref<100000x16xf32, #tpu.memory_space<hbm>>
    %dma_start3A_486 = arith.constant 0 : i32
    %dma_start3A_487 = arith.constant 0 : i32
    %dma_start3A_488 = tpu.memref_slice %dma_start3A_485[%dma_start3A_486, %dma_start3A_487] : memref<100000x16xf32, #tpu.memory_space<hbm>> -> memref<100000x16xf32, #tpu.memory_space<hbm>>
    tpu.enqueue_indirect_dma source(%dma_start3A_488 : memref<100000x16xf32, #tpu.memory_space<hbm>>) target(%arg12 : memref<512x16xf32, #tpu.memory_space<vmem>>) offsets(%dma_start3A_481 : memref<512xi32, #tpu.memory_space<vmem>>) semaphore(%arg26 : memref<!tpu.dma_semaphore, #tpu.memory_space<semaphore_mem>>)
    %dma_start3A_489 = arith.constant 6 : i32
    %dma_start3A_490 = arith.constant 3072 : i32
    %dma_start3A_491 = tpu.memref_slice %arg6[%dma_start3A_490] : memref<13312xi32, #tpu.memory_space<vmem>> -> memref<512xi32, #tpu.memory_space<vmem>>
    %dma_start3A_492 = arith.constant 0 : i32
    %dma_start3A_493 = arith.constant 0 : i32
    %dma_start3A_494 = tpu.memref_slice %arg4[%dma_start3A_489, %dma_start3A_492, %dma_start3A_493] : memref<26x100000x16xf32, #tpu.memory_space<hbm>> -> memref<1x100000x16xf32, #tpu.memory_space<hbm>>
    %dma_start3A_495 = tpu.memref_squeeze %dma_start3A_494 : memref<1x100000x16xf32, #tpu.memory_space<hbm>> -> memref<100000x16xf32, #tpu.memory_space<hbm>>
    %dma_start3A_496 = arith.constant 0 : i32
    %dma_start3A_497 = arith.constant 0 : i32
    %dma_start3A_498 = tpu.memref_slice %dma_start3A_495[%dma_start3A_496, %dma_start3A_497] : memref<100000x16xf32, #tpu.memory_space<hbm>> -> memref<100000x16xf32, #tpu.memory_space<hbm>>
    tpu.enqueue_indirect_dma source(%dma_start3A_498 : memref<100000x16xf32, #tpu.memory_space<hbm>>) target(%arg13 : memref<512x16xf32, #tpu.memory_space<vmem>>) offsets(%dma_start3A_491 : memref<512xi32, #tpu.memory_space<vmem>>) semaphore(%arg27 : memref<!tpu.dma_semaphore, #tpu.memory_space<semaphore_mem>>)
    %dma_start3A_499 = arith.constant 7 : i32
    %dma_start3A_500 = arith.constant 3584 : i32
    %dma_start3A_501 = tpu.memref_slice %arg6[%dma_start3A_500] : memref<13312xi32, #tpu.memory_space<vmem>> -> memref<512xi32, #tpu.memory_space<vmem>>
    %dma_start3A_502 = arith.constant 0 : i32
    %dma_start3A_503 = arith.constant 0 : i32
    %dma_start3A_504 = tpu.memref_slice %arg4[%dma_start3A_499, %dma_start3A_502, %dma_start3A_503] : memref<26x100000x16xf32, #tpu.memory_space<hbm>> -> memref<1x100000x16xf32, #tpu.memory_space<hbm>>
    %dma_start3A_505 = tpu.memref_squeeze %dma_start3A_504 : memref<1x100000x16xf32, #tpu.memory_space<hbm>> -> memref<100000x16xf32, #tpu.memory_space<hbm>>
    %dma_start3A_506 = arith.constant 0 : i32
    %dma_start3A_507 = arith.constant 0 : i32
    %dma_start3A_508 = tpu.memref_slice %dma_start3A_505[%dma_start3A_506, %dma_start3A_507] : memref<100000x16xf32, #tpu.memory_space<hbm>> -> memref<100000x16xf32, #tpu.memory_space<hbm>>
    tpu.enqueue_indirect_dma source(%dma_start3A_508 : memref<100000x16xf32, #tpu.memory_space<hbm>>) target(%arg14 : memref<512x16xf32, #tpu.memory_space<vmem>>) offsets(%dma_start3A_501 : memref<512xi32, #tpu.memory_space<vmem>>) semaphore(%arg28 : memref<!tpu.dma_semaphore, #tpu.memory_space<semaphore_mem>>)
    %dma_start3A_509 = arith.constant 8 : i32
    %dma_start3A_510 = arith.constant 4096 : i32
    %dma_start3A_511 = tpu.memref_slice %arg6[%dma_start3A_510] : memref<13312xi32, #tpu.memory_space<vmem>> -> memref<512xi32, #tpu.memory_space<vmem>>
    %dma_start3A_512 = arith.constant 0 : i32
    %dma_start3A_513 = arith.constant 0 : i32
    %dma_start3A_514 = tpu.memref_slice %arg4[%dma_start3A_509, %dma_start3A_512, %dma_start3A_513] : memref<26x100000x16xf32, #tpu.memory_space<hbm>> -> memref<1x100000x16xf32, #tpu.memory_space<hbm>>
    %dma_start3A_515 = tpu.memref_squeeze %dma_start3A_514 : memref<1x100000x16xf32, #tpu.memory_space<hbm>> -> memref<100000x16xf32, #tpu.memory_space<hbm>>
    %dma_start3A_516 = arith.constant 0 : i32
    %dma_start3A_517 = arith.constant 0 : i32
    %dma_start3A_518 = tpu.memref_slice %dma_start3A_515[%dma_start3A_516, %dma_start3A_517] : memref<100000x16xf32, #tpu.memory_space<hbm>> -> memref<100000x16xf32, #tpu.memory_space<hbm>>
    tpu.enqueue_indirect_dma source(%dma_start3A_518 : memref<100000x16xf32, #tpu.memory_space<hbm>>) target(%arg15 : memref<512x16xf32, #tpu.memory_space<vmem>>) offsets(%dma_start3A_511 : memref<512xi32, #tpu.memory_space<vmem>>) semaphore(%arg29 : memref<!tpu.dma_semaphore, #tpu.memory_space<semaphore_mem>>)
    %dma_start3A_519 = arith.constant 9 : i32
    %dma_start3A_520 = arith.constant 4608 : i32
    %dma_start3A_521 = tpu.memref_slice %arg6[%dma_start3A_520] : memref<13312xi32, #tpu.memory_space<vmem>> -> memref<512xi32, #tpu.memory_space<vmem>>
    %dma_start3A_522 = arith.constant 0 : i32
    %dma_start3A_523 = arith.constant 0 : i32
    %dma_start3A_524 = tpu.memref_slice %arg4[%dma_start3A_519, %dma_start3A_522, %dma_start3A_523] : memref<26x100000x16xf32, #tpu.memory_space<hbm>> -> memref<1x100000x16xf32, #tpu.memory_space<hbm>>
    %dma_start3A_525 = tpu.memref_squeeze %dma_start3A_524 : memref<1x100000x16xf32, #tpu.memory_space<hbm>> -> memref<100000x16xf32, #tpu.memory_space<hbm>>
    %dma_start3A_526 = arith.constant 0 : i32
    %dma_start3A_527 = arith.constant 0 : i32
    %dma_start3A_528 = tpu.memref_slice %dma_start3A_525[%dma_start3A_526, %dma_start3A_527] : memref<100000x16xf32, #tpu.memory_space<hbm>> -> memref<100000x16xf32, #tpu.memory_space<hbm>>
    tpu.enqueue_indirect_dma source(%dma_start3A_528 : memref<100000x16xf32, #tpu.memory_space<hbm>>) target(%arg16 : memref<512x16xf32, #tpu.memory_space<vmem>>) offsets(%dma_start3A_521 : memref<512xi32, #tpu.memory_space<vmem>>) semaphore(%arg30 : memref<!tpu.dma_semaphore, #tpu.memory_space<semaphore_mem>>)
    %dma_start3A_529 = arith.constant 10 : i32
    %dma_start3A_530 = arith.constant 5120 : i32
    %dma_start3A_531 = tpu.memref_slice %arg6[%dma_start3A_530] : memref<13312xi32, #tpu.memory_space<vmem>> -> memref<512xi32, #tpu.memory_space<vmem>>
    %dma_start3A_532 = arith.constant 0 : i32
    %dma_start3A_533 = arith.constant 0 : i32
    %dma_start3A_534 = tpu.memref_slice %arg4[%dma_start3A_529, %dma_start3A_532, %dma_start3A_533] : memref<26x100000x16xf32, #tpu.memory_space<hbm>> -> memref<1x100000x16xf32, #tpu.memory_space<hbm>>
    %dma_start3A_535 = tpu.memref_squeeze %dma_start3A_534 : memref<1x100000x16xf32, #tpu.memory_space<hbm>> -> memref<100000x16xf32, #tpu.memory_space<hbm>>
    %dma_start3A_536 = arith.constant 0 : i32
    %dma_start3A_537 = arith.constant 0 : i32
    %dma_start3A_538 = tpu.memref_slice %dma_start3A_535[%dma_start3A_536, %dma_start3A_537] : memref<100000x16xf32, #tpu.memory_space<hbm>> -> memref<100000x16xf32, #tpu.memory_space<hbm>>
    tpu.enqueue_indirect_dma source(%dma_start3A_538 : memref<100000x16xf32, #tpu.memory_space<hbm>>) target(%arg17 : memref<512x16xf32, #tpu.memory_space<vmem>>) offsets(%dma_start3A_531 : memref<512xi32, #tpu.memory_space<vmem>>) semaphore(%arg31 : memref<!tpu.dma_semaphore, #tpu.memory_space<semaphore_mem>>)
    %dma_start3A_539 = arith.constant 11 : i32
    %dma_start3A_540 = arith.constant 5632 : i32
    %dma_start3A_541 = tpu.memref_slice %arg6[%dma_start3A_540] : memref<13312xi32, #tpu.memory_space<vmem>> -> memref<512xi32, #tpu.memory_space<vmem>>
    %dma_start3A_542 = arith.constant 0 : i32
    %dma_start3A_543 = arith.constant 0 : i32
    %dma_start3A_544 = tpu.memref_slice %arg4[%dma_start3A_539, %dma_start3A_542, %dma_start3A_543] : memref<26x100000x16xf32, #tpu.memory_space<hbm>> -> memref<1x100000x16xf32, #tpu.memory_space<hbm>>
    %dma_start3A_545 = tpu.memref_squeeze %dma_start3A_544 : memref<1x100000x16xf32, #tpu.memory_space<hbm>> -> memref<100000x16xf32, #tpu.memory_space<hbm>>
    %dma_start3A_546 = arith.constant 0 : i32
    %dma_start3A_547 = arith.constant 0 : i32
    %dma_start3A_548 = tpu.memref_slice %dma_start3A_545[%dma_start3A_546, %dma_start3A_547] : memref<100000x16xf32, #tpu.memory_space<hbm>> -> memref<100000x16xf32, #tpu.memory_space<hbm>>
    tpu.enqueue_indirect_dma source(%dma_start3A_548 : memref<100000x16xf32, #tpu.memory_space<hbm>>) target(%arg18 : memref<512x16xf32, #tpu.memory_space<vmem>>) offsets(%dma_start3A_541 : memref<512xi32, #tpu.memory_space<vmem>>) semaphore(%arg32 : memref<!tpu.dma_semaphore, #tpu.memory_space<semaphore_mem>>)
    %dma_start3A_549 = arith.constant 12 : i32
    %dma_start3A_550 = arith.constant 6144 : i32
    %dma_start3A_551 = tpu.memref_slice %arg6[%dma_start3A_550] : memref<13312xi32, #tpu.memory_space<vmem>> -> memref<512xi32, #tpu.memory_space<vmem>>
    %dma_start3A_552 = arith.constant 0 : i32
    %dma_start3A_553 = arith.constant 0 : i32
    %dma_start3A_554 = tpu.memref_slice %arg4[%dma_start3A_549, %dma_start3A_552, %dma_start3A_553] : memref<26x100000x16xf32, #tpu.memory_space<hbm>> -> memref<1x100000x16xf32, #tpu.memory_space<hbm>>
    %dma_start3A_555 = tpu.memref_squeeze %dma_start3A_554 : memref<1x100000x16xf32, #tpu.memory_space<hbm>> -> memref<100000x16xf32, #tpu.memory_space<hbm>>
    %dma_start3A_556 = arith.constant 0 : i32
    %dma_start3A_557 = arith.constant 0 : i32
    %dma_start3A_558 = tpu.memref_slice %dma_start3A_555[%dma_start3A_556, %dma_start3A_557] : memref<100000x16xf32, #tpu.memory_space<hbm>> -> memref<100000x16xf32, #tpu.memory_space<hbm>>
    tpu.enqueue_indirect_dma source(%dma_start3A_558 : memref<100000x16xf32, #tpu.memory_space<hbm>>) target(%arg19 : memref<512x16xf32, #tpu.memory_space<vmem>>) offsets(%dma_start3A_551 : memref<512xi32, #tpu.memory_space<vmem>>) semaphore(%arg33 : memref<!tpu.dma_semaphore, #tpu.memory_space<semaphore_mem>>)
    %dma_wait3A_559 = arith.constant 0 : i32
    %dma_wait3A_560 = arith.constant 0 : i32
    %dma_wait3A_561 = tpu.memref_slice %arg6[%dma_wait3A_560] : memref<13312xi32, #tpu.memory_space<vmem>> -> memref<512xi32, #tpu.memory_space<vmem>>
    %dma_wait3A_562 = arith.constant 0 : i32
    %dma_wait3A_563 = arith.constant 0 : i32
    %dma_wait3A_564 = tpu.memref_slice %arg4[%dma_wait3A_559, %dma_wait3A_562, %dma_wait3A_563] : memref<26x100000x16xf32, #tpu.memory_space<hbm>> -> memref<1x100000x16xf32, #tpu.memory_space<hbm>>
    %dma_wait3A_565 = tpu.memref_squeeze %dma_wait3A_564 : memref<1x100000x16xf32, #tpu.memory_space<hbm>> -> memref<100000x16xf32, #tpu.memory_space<hbm>>
    %dma_wait3A_566 = arith.constant 0 : i32
    %dma_wait3A_567 = arith.constant 0 : i32
    %dma_wait3A_568 = tpu.memref_slice %dma_wait3A_565[%dma_wait3A_566, %dma_wait3A_567] : memref<100000x16xf32, #tpu.memory_space<hbm>> -> memref<100000x16xf32, #tpu.memory_space<hbm>>
    tpu.wait_indirect_dma semaphore(%arg21 : memref<!tpu.dma_semaphore, #tpu.memory_space<semaphore_mem>>) src(%dma_wait3A_568 : memref<100000x16xf32, #tpu.memory_space<hbm>>) dst(%arg7 : memref<512x16xf32, #tpu.memory_space<vmem>>)
    %dma_start3A_569 = arith.constant 0 : i32
    %dma_start3A_570 = tpu.memref_slice %arg5[%mul3A_2, %dma_start3A_569] : memref<16384x429xf32, #tpu.memory_space<hbm>> -> memref<512x16xf32, #tpu.memory_space<hbm>>
    %dma_start3A_571 = arith.constant 0 : i32
    %dma_start3A_572 = tpu.memref_slice %arg5[%mul3A_2, %dma_start3A_571] : memref<16384x429xf32, #tpu.memory_space<hbm>> -> memref<512x16xf32, #tpu.memory_space<hbm>>
    tpu.enqueue_dma source(%arg7 : memref<512x16xf32, #tpu.memory_space<vmem>>) target(%dma_start3A_572 : memref<512x16xf32, #tpu.memory_space<hbm>>) target_semaphore(%arg34 : memref<!tpu.dma_semaphore, #tpu.memory_space<semaphore_mem>>)
    %dma_wait3A_573 = arith.constant 0 : i32
    %dma_wait3A_574 = tpu.memref_slice %arg5[%mul3A_2, %dma_wait3A_573] : memref<16384x429xf32, #tpu.memory_space<hbm>> -> memref<512x16xf32, #tpu.memory_space<hbm>>
    %dma_wait3A_575 = arith.constant 0 : i32
    %dma_wait3A_576 = tpu.memref_slice %arg5[%mul3A_2, %dma_wait3A_575] : memref<16384x429xf32, #tpu.memory_space<hbm>> -> memref<512x16xf32, #tpu.memory_space<hbm>>
    tpu.wait_dma2 semaphore(%arg34 : memref<!tpu.dma_semaphore, #tpu.memory_space<semaphore_mem>>) src(%arg7 : memref<512x16xf32, #tpu.memory_space<vmem>>) dst(%dma_wait3A_576 : memref<512x16xf32, #tpu.memory_space<hbm>>)
    %dma_start3A_577 = arith.constant 13 : i32
    %dma_start3A_578 = arith.constant 6656 : i32
    %dma_start3A_579 = tpu.memref_slice %arg6[%dma_start3A_578] : memref<13312xi32, #tpu.memory_space<vmem>> -> memref<512xi32, #tpu.memory_space<vmem>>
    %dma_start3A_580 = arith.constant 0 : i32
    %dma_start3A_581 = arith.constant 0 : i32
    %dma_start3A_582 = tpu.memref_slice %arg4[%dma_start3A_577, %dma_start3A_580, %dma_start3A_581] : memref<26x100000x16xf32, #tpu.memory_space<hbm>> -> memref<1x100000x16xf32, #tpu.memory_space<hbm>>
    %dma_start3A_583 = tpu.memref_squeeze %dma_start3A_582 : memref<1x100000x16xf32, #tpu.memory_space<hbm>> -> memref<100000x16xf32, #tpu.memory_space<hbm>>
    %dma_start3A_584 = arith.constant 0 : i32
    %dma_start3A_585 = arith.constant 0 : i32
    %dma_start3A_586 = tpu.memref_slice %dma_start3A_583[%dma_start3A_584, %dma_start3A_585] : memref<100000x16xf32, #tpu.memory_space<hbm>> -> memref<100000x16xf32, #tpu.memory_space<hbm>>
    tpu.enqueue_indirect_dma source(%dma_start3A_586 : memref<100000x16xf32, #tpu.memory_space<hbm>>) target(%arg7 : memref<512x16xf32, #tpu.memory_space<vmem>>) offsets(%dma_start3A_579 : memref<512xi32, #tpu.memory_space<vmem>>) semaphore(%arg21 : memref<!tpu.dma_semaphore, #tpu.memory_space<semaphore_mem>>)
    %dma_wait3A_587 = arith.constant 1 : i32
    %dma_wait3A_588 = arith.constant 512 : i32
    %dma_wait3A_589 = tpu.memref_slice %arg6[%dma_wait3A_588] : memref<13312xi32, #tpu.memory_space<vmem>> -> memref<512xi32, #tpu.memory_space<vmem>>
    %dma_wait3A_590 = arith.constant 0 : i32
    %dma_wait3A_591 = arith.constant 0 : i32
    %dma_wait3A_592 = tpu.memref_slice %arg4[%dma_wait3A_587, %dma_wait3A_590, %dma_wait3A_591] : memref<26x100000x16xf32, #tpu.memory_space<hbm>> -> memref<1x100000x16xf32, #tpu.memory_space<hbm>>
    %dma_wait3A_593 = tpu.memref_squeeze %dma_wait3A_592 : memref<1x100000x16xf32, #tpu.memory_space<hbm>> -> memref<100000x16xf32, #tpu.memory_space<hbm>>
    %dma_wait3A_594 = arith.constant 0 : i32
    %dma_wait3A_595 = arith.constant 0 : i32
    %dma_wait3A_596 = tpu.memref_slice %dma_wait3A_593[%dma_wait3A_594, %dma_wait3A_595] : memref<100000x16xf32, #tpu.memory_space<hbm>> -> memref<100000x16xf32, #tpu.memory_space<hbm>>
    tpu.wait_indirect_dma semaphore(%arg22 : memref<!tpu.dma_semaphore, #tpu.memory_space<semaphore_mem>>) src(%dma_wait3A_596 : memref<100000x16xf32, #tpu.memory_space<hbm>>) dst(%arg8 : memref<512x16xf32, #tpu.memory_space<vmem>>)
    %dma_start3A_597 = arith.constant 16 : i32
    %dma_start3A_598 = tpu.memref_slice %arg5[%mul3A_2, %dma_start3A_597] : memref<16384x429xf32, #tpu.memory_space<hbm>> -> memref<512x16xf32, #tpu.memory_space<hbm>>
    %dma_start3A_599 = arith.constant 16 : i32
    %dma_start3A_600 = tpu.memref_slice %arg5[%mul3A_2, %dma_start3A_599] : memref<16384x429xf32, #tpu.memory_space<hbm>> -> memref<512x16xf32, #tpu.memory_space<hbm>>
    tpu.enqueue_dma source(%arg8 : memref<512x16xf32, #tpu.memory_space<vmem>>) target(%dma_start3A_600 : memref<512x16xf32, #tpu.memory_space<hbm>>) target_semaphore(%arg34 : memref<!tpu.dma_semaphore, #tpu.memory_space<semaphore_mem>>)
    %dma_wait3A_601 = arith.constant 16 : i32
    %dma_wait3A_602 = tpu.memref_slice %arg5[%mul3A_2, %dma_wait3A_601] : memref<16384x429xf32, #tpu.memory_space<hbm>> -> memref<512x16xf32, #tpu.memory_space<hbm>>
    %dma_wait3A_603 = arith.constant 16 : i32
    %dma_wait3A_604 = tpu.memref_slice %arg5[%mul3A_2, %dma_wait3A_603] : memref<16384x429xf32, #tpu.memory_space<hbm>> -> memref<512x16xf32, #tpu.memory_space<hbm>>
    tpu.wait_dma2 semaphore(%arg34 : memref<!tpu.dma_semaphore, #tpu.memory_space<semaphore_mem>>) src(%arg8 : memref<512x16xf32, #tpu.memory_space<vmem>>) dst(%dma_wait3A_604 : memref<512x16xf32, #tpu.memory_space<hbm>>)
    %dma_start3A_605 = arith.constant 14 : i32
    %dma_start3A_606 = arith.constant 7168 : i32
    %dma_start3A_607 = tpu.memref_slice %arg6[%dma_start3A_606] : memref<13312xi32, #tpu.memory_space<vmem>> -> memref<512xi32, #tpu.memory_space<vmem>>
    %dma_start3A_608 = arith.constant 0 : i32
    %dma_start3A_609 = arith.constant 0 : i32
    %dma_start3A_610 = tpu.memref_slice %arg4[%dma_start3A_605, %dma_start3A_608, %dma_start3A_609] : memref<26x100000x16xf32, #tpu.memory_space<hbm>> -> memref<1x100000x16xf32, #tpu.memory_space<hbm>>
    %dma_start3A_611 = tpu.memref_squeeze %dma_start3A_610 : memref<1x100000x16xf32, #tpu.memory_space<hbm>> -> memref<100000x16xf32, #tpu.memory_space<hbm>>
    %dma_start3A_612 = arith.constant 0 : i32
    %dma_start3A_613 = arith.constant 0 : i32
    %dma_start3A_614 = tpu.memref_slice %dma_start3A_611[%dma_start3A_612, %dma_start3A_613] : memref<100000x16xf32, #tpu.memory_space<hbm>> -> memref<100000x16xf32, #tpu.memory_space<hbm>>
    tpu.enqueue_indirect_dma source(%dma_start3A_614 : memref<100000x16xf32, #tpu.memory_space<hbm>>) target(%arg8 : memref<512x16xf32, #tpu.memory_space<vmem>>) offsets(%dma_start3A_607 : memref<512xi32, #tpu.memory_space<vmem>>) semaphore(%arg22 : memref<!tpu.dma_semaphore, #tpu.memory_space<semaphore_mem>>)
    %dma_wait3A_615 = arith.constant 2 : i32
    %dma_wait3A_616 = arith.constant 1024 : i32
    %dma_wait3A_617 = tpu.memref_slice %arg6[%dma_wait3A_616] : memref<13312xi32, #tpu.memory_space<vmem>> -> memref<512xi32, #tpu.memory_space<vmem>>
    %dma_wait3A_618 = arith.constant 0 : i32
    %dma_wait3A_619 = arith.constant 0 : i32
    %dma_wait3A_620 = tpu.memref_slice %arg4[%dma_wait3A_615, %dma_wait3A_618, %dma_wait3A_619] : memref<26x100000x16xf32, #tpu.memory_space<hbm>> -> memref<1x100000x16xf32, #tpu.memory_space<hbm>>
    %dma_wait3A_621 = tpu.memref_squeeze %dma_wait3A_620 : memref<1x100000x16xf32, #tpu.memory_space<hbm>> -> memref<100000x16xf32, #tpu.memory_space<hbm>>
    %dma_wait3A_622 = arith.constant 0 : i32
    %dma_wait3A_623 = arith.constant 0 : i32
    %dma_wait3A_624 = tpu.memref_slice %dma_wait3A_621[%dma_wait3A_622, %dma_wait3A_623] : memref<100000x16xf32, #tpu.memory_space<hbm>> -> memref<100000x16xf32, #tpu.memory_space<hbm>>
    tpu.wait_indirect_dma semaphore(%arg23 : memref<!tpu.dma_semaphore, #tpu.memory_space<semaphore_mem>>) src(%dma_wait3A_624 : memref<100000x16xf32, #tpu.memory_space<hbm>>) dst(%arg9 : memref<512x16xf32, #tpu.memory_space<vmem>>)
    %dma_start3A_625 = arith.constant 32 : i32
    %dma_start3A_626 = tpu.memref_slice %arg5[%mul3A_2, %dma_start3A_625] : memref<16384x429xf32, #tpu.memory_space<hbm>> -> memref<512x16xf32, #tpu.memory_space<hbm>>
    %dma_start3A_627 = arith.constant 32 : i32
    %dma_start3A_628 = tpu.memref_slice %arg5[%mul3A_2, %dma_start3A_627] : memref<16384x429xf32, #tpu.memory_space<hbm>> -> memref<512x16xf32, #tpu.memory_space<hbm>>
    tpu.enqueue_dma source(%arg9 : memref<512x16xf32, #tpu.memory_space<vmem>>) target(%dma_start3A_628 : memref<512x16xf32, #tpu.memory_space<hbm>>) target_semaphore(%arg34 : memref<!tpu.dma_semaphore, #tpu.memory_space<semaphore_mem>>)
    %dma_wait3A_629 = arith.constant 32 : i32
    %dma_wait3A_630 = tpu.memref_slice %arg5[%mul3A_2, %dma_wait3A_629] : memref<16384x429xf32, #tpu.memory_space<hbm>> -> memref<512x16xf32, #tpu.memory_space<hbm>>
    %dma_wait3A_631 = arith.constant 32 : i32
    %dma_wait3A_632 = tpu.memref_slice %arg5[%mul3A_2, %dma_wait3A_631] : memref<16384x429xf32, #tpu.memory_space<hbm>> -> memref<512x16xf32, #tpu.memory_space<hbm>>
    tpu.wait_dma2 semaphore(%arg34 : memref<!tpu.dma_semaphore, #tpu.memory_space<semaphore_mem>>) src(%arg9 : memref<512x16xf32, #tpu.memory_space<vmem>>) dst(%dma_wait3A_632 : memref<512x16xf32, #tpu.memory_space<hbm>>)
    %dma_start3A_633 = arith.constant 15 : i32
    %dma_start3A_634 = arith.constant 7680 : i32
    %dma_start3A_635 = tpu.memref_slice %arg6[%dma_start3A_634] : memref<13312xi32, #tpu.memory_space<vmem>> -> memref<512xi32, #tpu.memory_space<vmem>>
    %dma_start3A_636 = arith.constant 0 : i32
    %dma_start3A_637 = arith.constant 0 : i32
    %dma_start3A_638 = tpu.memref_slice %arg4[%dma_start3A_633, %dma_start3A_636, %dma_start3A_637] : memref<26x100000x16xf32, #tpu.memory_space<hbm>> -> memref<1x100000x16xf32, #tpu.memory_space<hbm>>
    %dma_start3A_639 = tpu.memref_squeeze %dma_start3A_638 : memref<1x100000x16xf32, #tpu.memory_space<hbm>> -> memref<100000x16xf32, #tpu.memory_space<hbm>>
    %dma_start3A_640 = arith.constant 0 : i32
    %dma_start3A_641 = arith.constant 0 : i32
    %dma_start3A_642 = tpu.memref_slice %dma_start3A_639[%dma_start3A_640, %dma_start3A_641] : memref<100000x16xf32, #tpu.memory_space<hbm>> -> memref<100000x16xf32, #tpu.memory_space<hbm>>
    tpu.enqueue_indirect_dma source(%dma_start3A_642 : memref<100000x16xf32, #tpu.memory_space<hbm>>) target(%arg9 : memref<512x16xf32, #tpu.memory_space<vmem>>) offsets(%dma_start3A_635 : memref<512xi32, #tpu.memory_space<vmem>>) semaphore(%arg23 : memref<!tpu.dma_semaphore, #tpu.memory_space<semaphore_mem>>)
    %dma_wait3A_643 = arith.constant 3 : i32
    %dma_wait3A_644 = arith.constant 1536 : i32
    %dma_wait3A_645 = tpu.memref_slice %arg6[%dma_wait3A_644] : memref<13312xi32, #tpu.memory_space<vmem>> -> memref<512xi32, #tpu.memory_space<vmem>>
    %dma_wait3A_646 = arith.constant 0 : i32
    %dma_wait3A_647 = arith.constant 0 : i32
    %dma_wait3A_648 = tpu.memref_slice %arg4[%dma_wait3A_643, %dma_wait3A_646, %dma_wait3A_647] : memref<26x100000x16xf32, #tpu.memory_space<hbm>> -> memref<1x100000x16xf32, #tpu.memory_space<hbm>>
    %dma_wait3A_649 = tpu.memref_squeeze %dma_wait3A_648 : memref<1x100000x16xf32, #tpu.memory_space<hbm>> -> memref<100000x16xf32, #tpu.memory_space<hbm>>
    %dma_wait3A_650 = arith.constant 0 : i32
    %dma_wait3A_651 = arith.constant 0 : i32
    %dma_wait3A_652 = tpu.memref_slice %dma_wait3A_649[%dma_wait3A_650, %dma_wait3A_651] : memref<100000x16xf32, #tpu.memory_space<hbm>> -> memref<100000x16xf32, #tpu.memory_space<hbm>>
    tpu.wait_indirect_dma semaphore(%arg24 : memref<!tpu.dma_semaphore, #tpu.memory_space<semaphore_mem>>) src(%dma_wait3A_652 : memref<100000x16xf32, #tpu.memory_space<hbm>>) dst(%arg10 : memref<512x16xf32, #tpu.memory_space<vmem>>)
    %dma_start3A_653 = arith.constant 48 : i32
    %dma_start3A_654 = tpu.memref_slice %arg5[%mul3A_2, %dma_start3A_653] : memref<16384x429xf32, #tpu.memory_space<hbm>> -> memref<512x16xf32, #tpu.memory_space<hbm>>
    %dma_start3A_655 = arith.constant 48 : i32
    %dma_start3A_656 = tpu.memref_slice %arg5[%mul3A_2, %dma_start3A_655] : memref<16384x429xf32, #tpu.memory_space<hbm>> -> memref<512x16xf32, #tpu.memory_space<hbm>>
    tpu.enqueue_dma source(%arg10 : memref<512x16xf32, #tpu.memory_space<vmem>>) target(%dma_start3A_656 : memref<512x16xf32, #tpu.memory_space<hbm>>) target_semaphore(%arg34 : memref<!tpu.dma_semaphore, #tpu.memory_space<semaphore_mem>>)
    %dma_wait3A_657 = arith.constant 48 : i32
    %dma_wait3A_658 = tpu.memref_slice %arg5[%mul3A_2, %dma_wait3A_657] : memref<16384x429xf32, #tpu.memory_space<hbm>> -> memref<512x16xf32, #tpu.memory_space<hbm>>
    %dma_wait3A_659 = arith.constant 48 : i32
    %dma_wait3A_660 = tpu.memref_slice %arg5[%mul3A_2, %dma_wait3A_659] : memref<16384x429xf32, #tpu.memory_space<hbm>> -> memref<512x16xf32, #tpu.memory_space<hbm>>
    tpu.wait_dma2 semaphore(%arg34 : memref<!tpu.dma_semaphore, #tpu.memory_space<semaphore_mem>>) src(%arg10 : memref<512x16xf32, #tpu.memory_space<vmem>>) dst(%dma_wait3A_660 : memref<512x16xf32, #tpu.memory_space<hbm>>)
    %dma_start3A_661 = arith.constant 16 : i32
    %dma_start3A_662 = arith.constant 8192 : i32
    %dma_start3A_663 = tpu.memref_slice %arg6[%dma_start3A_662] : memref<13312xi32, #tpu.memory_space<vmem>> -> memref<512xi32, #tpu.memory_space<vmem>>
    %dma_start3A_664 = arith.constant 0 : i32
    %dma_start3A_665 = arith.constant 0 : i32
    %dma_start3A_666 = tpu.memref_slice %arg4[%dma_start3A_661, %dma_start3A_664, %dma_start3A_665] : memref<26x100000x16xf32, #tpu.memory_space<hbm>> -> memref<1x100000x16xf32, #tpu.memory_space<hbm>>
    %dma_start3A_667 = tpu.memref_squeeze %dma_start3A_666 : memref<1x100000x16xf32, #tpu.memory_space<hbm>> -> memref<100000x16xf32, #tpu.memory_space<hbm>>
    %dma_start3A_668 = arith.constant 0 : i32
    %dma_start3A_669 = arith.constant 0 : i32
    %dma_start3A_670 = tpu.memref_slice %dma_start3A_667[%dma_start3A_668, %dma_start3A_669] : memref<100000x16xf32, #tpu.memory_space<hbm>> -> memref<100000x16xf32, #tpu.memory_space<hbm>>
    tpu.enqueue_indirect_dma source(%dma_start3A_670 : memref<100000x16xf32, #tpu.memory_space<hbm>>) target(%arg10 : memref<512x16xf32, #tpu.memory_space<vmem>>) offsets(%dma_start3A_663 : memref<512xi32, #tpu.memory_space<vmem>>) semaphore(%arg24 : memref<!tpu.dma_semaphore, #tpu.memory_space<semaphore_mem>>)
    %dma_wait3A_671 = arith.constant 4 : i32
    %dma_wait3A_672 = arith.constant 2048 : i32
    %dma_wait3A_673 = tpu.memref_slice %arg6[%dma_wait3A_672] : memref<13312xi32, #tpu.memory_space<vmem>> -> memref<512xi32, #tpu.memory_space<vmem>>
    %dma_wait3A_674 = arith.constant 0 : i32
    %dma_wait3A_675 = arith.constant 0 : i32
    %dma_wait3A_676 = tpu.memref_slice %arg4[%dma_wait3A_671, %dma_wait3A_674, %dma_wait3A_675] : memref<26x100000x16xf32, #tpu.memory_space<hbm>> -> memref<1x100000x16xf32, #tpu.memory_space<hbm>>
    %dma_wait3A_677 = tpu.memref_squeeze %dma_wait3A_676 : memref<1x100000x16xf32, #tpu.memory_space<hbm>> -> memref<100000x16xf32, #tpu.memory_space<hbm>>
    %dma_wait3A_678 = arith.constant 0 : i32
    %dma_wait3A_679 = arith.constant 0 : i32
    %dma_wait3A_680 = tpu.memref_slice %dma_wait3A_677[%dma_wait3A_678, %dma_wait3A_679] : memref<100000x16xf32, #tpu.memory_space<hbm>> -> memref<100000x16xf32, #tpu.memory_space<hbm>>
    tpu.wait_indirect_dma semaphore(%arg25 : memref<!tpu.dma_semaphore, #tpu.memory_space<semaphore_mem>>) src(%dma_wait3A_680 : memref<100000x16xf32, #tpu.memory_space<hbm>>) dst(%arg11 : memref<512x16xf32, #tpu.memory_space<vmem>>)
    %dma_start3A_681 = arith.constant 64 : i32
    %dma_start3A_682 = tpu.memref_slice %arg5[%mul3A_2, %dma_start3A_681] : memref<16384x429xf32, #tpu.memory_space<hbm>> -> memref<512x16xf32, #tpu.memory_space<hbm>>
    %dma_start3A_683 = arith.constant 64 : i32
    %dma_start3A_684 = tpu.memref_slice %arg5[%mul3A_2, %dma_start3A_683] : memref<16384x429xf32, #tpu.memory_space<hbm>> -> memref<512x16xf32, #tpu.memory_space<hbm>>
    tpu.enqueue_dma source(%arg11 : memref<512x16xf32, #tpu.memory_space<vmem>>) target(%dma_start3A_684 : memref<512x16xf32, #tpu.memory_space<hbm>>) target_semaphore(%arg34 : memref<!tpu.dma_semaphore, #tpu.memory_space<semaphore_mem>>)
    %dma_wait3A_685 = arith.constant 64 : i32
    %dma_wait3A_686 = tpu.memref_slice %arg5[%mul3A_2, %dma_wait3A_685] : memref<16384x429xf32, #tpu.memory_space<hbm>> -> memref<512x16xf32, #tpu.memory_space<hbm>>
    %dma_wait3A_687 = arith.constant 64 : i32
    %dma_wait3A_688 = tpu.memref_slice %arg5[%mul3A_2, %dma_wait3A_687] : memref<16384x429xf32, #tpu.memory_space<hbm>> -> memref<512x16xf32, #tpu.memory_space<hbm>>
    tpu.wait_dma2 semaphore(%arg34 : memref<!tpu.dma_semaphore, #tpu.memory_space<semaphore_mem>>) src(%arg11 : memref<512x16xf32, #tpu.memory_space<vmem>>) dst(%dma_wait3A_688 : memref<512x16xf32, #tpu.memory_space<hbm>>)
    %dma_start3A_689 = arith.constant 17 : i32
    %dma_start3A_690 = arith.constant 8704 : i32
    %dma_start3A_691 = tpu.memref_slice %arg6[%dma_start3A_690] : memref<13312xi32, #tpu.memory_space<vmem>> -> memref<512xi32, #tpu.memory_space<vmem>>
    %dma_start3A_692 = arith.constant 0 : i32
    %dma_start3A_693 = arith.constant 0 : i32
    %dma_start3A_694 = tpu.memref_slice %arg4[%dma_start3A_689, %dma_start3A_692, %dma_start3A_693] : memref<26x100000x16xf32, #tpu.memory_space<hbm>> -> memref<1x100000x16xf32, #tpu.memory_space<hbm>>
    %dma_start3A_695 = tpu.memref_squeeze %dma_start3A_694 : memref<1x100000x16xf32, #tpu.memory_space<hbm>> -> memref<100000x16xf32, #tpu.memory_space<hbm>>
    %dma_start3A_696 = arith.constant 0 : i32
    %dma_start3A_697 = arith.constant 0 : i32
    %dma_start3A_698 = tpu.memref_slice %dma_start3A_695[%dma_start3A_696, %dma_start3A_697] : memref<100000x16xf32, #tpu.memory_space<hbm>> -> memref<100000x16xf32, #tpu.memory_space<hbm>>
    tpu.enqueue_indirect_dma source(%dma_start3A_698 : memref<100000x16xf32, #tpu.memory_space<hbm>>) target(%arg11 : memref<512x16xf32, #tpu.memory_space<vmem>>) offsets(%dma_start3A_691 : memref<512xi32, #tpu.memory_space<vmem>>) semaphore(%arg25 : memref<!tpu.dma_semaphore, #tpu.memory_space<semaphore_mem>>)
    %dma_wait3A_699 = arith.constant 5 : i32
    %dma_wait3A_700 = arith.constant 2560 : i32
    %dma_wait3A_701 = tpu.memref_slice %arg6[%dma_wait3A_700] : memref<13312xi32, #tpu.memory_space<vmem>> -> memref<512xi32, #tpu.memory_space<vmem>>
    %dma_wait3A_702 = arith.constant 0 : i32
    %dma_wait3A_703 = arith.constant 0 : i32
    %dma_wait3A_704 = tpu.memref_slice %arg4[%dma_wait3A_699, %dma_wait3A_702, %dma_wait3A_703] : memref<26x100000x16xf32, #tpu.memory_space<hbm>> -> memref<1x100000x16xf32, #tpu.memory_space<hbm>>
    %dma_wait3A_705 = tpu.memref_squeeze %dma_wait3A_704 : memref<1x100000x16xf32, #tpu.memory_space<hbm>> -> memref<100000x16xf32, #tpu.memory_space<hbm>>
    %dma_wait3A_706 = arith.constant 0 : i32
    %dma_wait3A_707 = arith.constant 0 : i32
    %dma_wait3A_708 = tpu.memref_slice %dma_wait3A_705[%dma_wait3A_706, %dma_wait3A_707] : memref<100000x16xf32, #tpu.memory_space<hbm>> -> memref<100000x16xf32, #tpu.memory_space<hbm>>
    tpu.wait_indirect_dma semaphore(%arg26 : memref<!tpu.dma_semaphore, #tpu.memory_space<semaphore_mem>>) src(%dma_wait3A_708 : memref<100000x16xf32, #tpu.memory_space<hbm>>) dst(%arg12 : memref<512x16xf32, #tpu.memory_space<vmem>>)
    %dma_start3A_709 = arith.constant 80 : i32
    %dma_start3A_710 = tpu.memref_slice %arg5[%mul3A_2, %dma_start3A_709] : memref<16384x429xf32, #tpu.memory_space<hbm>> -> memref<512x16xf32, #tpu.memory_space<hbm>>
    %dma_start3A_711 = arith.constant 80 : i32
    %dma_start3A_712 = tpu.memref_slice %arg5[%mul3A_2, %dma_start3A_711] : memref<16384x429xf32, #tpu.memory_space<hbm>> -> memref<512x16xf32, #tpu.memory_space<hbm>>
    tpu.enqueue_dma source(%arg12 : memref<512x16xf32, #tpu.memory_space<vmem>>) target(%dma_start3A_712 : memref<512x16xf32, #tpu.memory_space<hbm>>) target_semaphore(%arg34 : memref<!tpu.dma_semaphore, #tpu.memory_space<semaphore_mem>>)
    %dma_wait3A_713 = arith.constant 80 : i32
    %dma_wait3A_714 = tpu.memref_slice %arg5[%mul3A_2, %dma_wait3A_713] : memref<16384x429xf32, #tpu.memory_space<hbm>> -> memref<512x16xf32, #tpu.memory_space<hbm>>
    %dma_wait3A_715 = arith.constant 80 : i32
    %dma_wait3A_716 = tpu.memref_slice %arg5[%mul3A_2, %dma_wait3A_715] : memref<16384x429xf32, #tpu.memory_space<hbm>> -> memref<512x16xf32, #tpu.memory_space<hbm>>
    tpu.wait_dma2 semaphore(%arg34 : memref<!tpu.dma_semaphore, #tpu.memory_space<semaphore_mem>>) src(%arg12 : memref<512x16xf32, #tpu.memory_space<vmem>>) dst(%dma_wait3A_716 : memref<512x16xf32, #tpu.memory_space<hbm>>)
    %dma_start3A_717 = arith.constant 18 : i32
    %dma_start3A_718 = arith.constant 9216 : i32
    %dma_start3A_719 = tpu.memref_slice %arg6[%dma_start3A_718] : memref<13312xi32, #tpu.memory_space<vmem>> -> memref<512xi32, #tpu.memory_space<vmem>>
    %dma_start3A_720 = arith.constant 0 : i32
    %dma_start3A_721 = arith.constant 0 : i32
    %dma_start3A_722 = tpu.memref_slice %arg4[%dma_start3A_717, %dma_start3A_720, %dma_start3A_721] : memref<26x100000x16xf32, #tpu.memory_space<hbm>> -> memref<1x100000x16xf32, #tpu.memory_space<hbm>>
    %dma_start3A_723 = tpu.memref_squeeze %dma_start3A_722 : memref<1x100000x16xf32, #tpu.memory_space<hbm>> -> memref<100000x16xf32, #tpu.memory_space<hbm>>
    %dma_start3A_724 = arith.constant 0 : i32
    %dma_start3A_725 = arith.constant 0 : i32
    %dma_start3A_726 = tpu.memref_slice %dma_start3A_723[%dma_start3A_724, %dma_start3A_725] : memref<100000x16xf32, #tpu.memory_space<hbm>> -> memref<100000x16xf32, #tpu.memory_space<hbm>>
    tpu.enqueue_indirect_dma source(%dma_start3A_726 : memref<100000x16xf32, #tpu.memory_space<hbm>>) target(%arg12 : memref<512x16xf32, #tpu.memory_space<vmem>>) offsets(%dma_start3A_719 : memref<512xi32, #tpu.memory_space<vmem>>) semaphore(%arg26 : memref<!tpu.dma_semaphore, #tpu.memory_space<semaphore_mem>>)
    %dma_wait3A_727 = arith.constant 6 : i32
    %dma_wait3A_728 = arith.constant 3072 : i32
    %dma_wait3A_729 = tpu.memref_slice %arg6[%dma_wait3A_728] : memref<13312xi32, #tpu.memory_space<vmem>> -> memref<512xi32, #tpu.memory_space<vmem>>
    %dma_wait3A_730 = arith.constant 0 : i32
    %dma_wait3A_731 = arith.constant 0 : i32
    %dma_wait3A_732 = tpu.memref_slice %arg4[%dma_wait3A_727, %dma_wait3A_730, %dma_wait3A_731] : memref<26x100000x16xf32, #tpu.memory_space<hbm>> -> memref<1x100000x16xf32, #tpu.memory_space<hbm>>
    %dma_wait3A_733 = tpu.memref_squeeze %dma_wait3A_732 : memref<1x100000x16xf32, #tpu.memory_space<hbm>> -> memref<100000x16xf32, #tpu.memory_space<hbm>>
    %dma_wait3A_734 = arith.constant 0 : i32
    %dma_wait3A_735 = arith.constant 0 : i32
    %dma_wait3A_736 = tpu.memref_slice %dma_wait3A_733[%dma_wait3A_734, %dma_wait3A_735] : memref<100000x16xf32, #tpu.memory_space<hbm>> -> memref<100000x16xf32, #tpu.memory_space<hbm>>
    tpu.wait_indirect_dma semaphore(%arg27 : memref<!tpu.dma_semaphore, #tpu.memory_space<semaphore_mem>>) src(%dma_wait3A_736 : memref<100000x16xf32, #tpu.memory_space<hbm>>) dst(%arg13 : memref<512x16xf32, #tpu.memory_space<vmem>>)
    %dma_start3A_737 = arith.constant 96 : i32
    %dma_start3A_738 = tpu.memref_slice %arg5[%mul3A_2, %dma_start3A_737] : memref<16384x429xf32, #tpu.memory_space<hbm>> -> memref<512x16xf32, #tpu.memory_space<hbm>>
    %dma_start3A_739 = arith.constant 96 : i32
    %dma_start3A_740 = tpu.memref_slice %arg5[%mul3A_2, %dma_start3A_739] : memref<16384x429xf32, #tpu.memory_space<hbm>> -> memref<512x16xf32, #tpu.memory_space<hbm>>
    tpu.enqueue_dma source(%arg13 : memref<512x16xf32, #tpu.memory_space<vmem>>) target(%dma_start3A_740 : memref<512x16xf32, #tpu.memory_space<hbm>>) target_semaphore(%arg34 : memref<!tpu.dma_semaphore, #tpu.memory_space<semaphore_mem>>)
    %dma_wait3A_741 = arith.constant 96 : i32
    %dma_wait3A_742 = tpu.memref_slice %arg5[%mul3A_2, %dma_wait3A_741] : memref<16384x429xf32, #tpu.memory_space<hbm>> -> memref<512x16xf32, #tpu.memory_space<hbm>>
    %dma_wait3A_743 = arith.constant 96 : i32
    %dma_wait3A_744 = tpu.memref_slice %arg5[%mul3A_2, %dma_wait3A_743] : memref<16384x429xf32, #tpu.memory_space<hbm>> -> memref<512x16xf32, #tpu.memory_space<hbm>>
    tpu.wait_dma2 semaphore(%arg34 : memref<!tpu.dma_semaphore, #tpu.memory_space<semaphore_mem>>) src(%arg13 : memref<512x16xf32, #tpu.memory_space<vmem>>) dst(%dma_wait3A_744 : memref<512x16xf32, #tpu.memory_space<hbm>>)
    %dma_start3A_745 = arith.constant 19 : i32
    %dma_start3A_746 = arith.constant 9728 : i32
    %dma_start3A_747 = tpu.memref_slice %arg6[%dma_start3A_746] : memref<13312xi32, #tpu.memory_space<vmem>> -> memref<512xi32, #tpu.memory_space<vmem>>
    %dma_start3A_748 = arith.constant 0 : i32
    %dma_start3A_749 = arith.constant 0 : i32
    %dma_start3A_750 = tpu.memref_slice %arg4[%dma_start3A_745, %dma_start3A_748, %dma_start3A_749] : memref<26x100000x16xf32, #tpu.memory_space<hbm>> -> memref<1x100000x16xf32, #tpu.memory_space<hbm>>
    %dma_start3A_751 = tpu.memref_squeeze %dma_start3A_750 : memref<1x100000x16xf32, #tpu.memory_space<hbm>> -> memref<100000x16xf32, #tpu.memory_space<hbm>>
    %dma_start3A_752 = arith.constant 0 : i32
    %dma_start3A_753 = arith.constant 0 : i32
    %dma_start3A_754 = tpu.memref_slice %dma_start3A_751[%dma_start3A_752, %dma_start3A_753] : memref<100000x16xf32, #tpu.memory_space<hbm>> -> memref<100000x16xf32, #tpu.memory_space<hbm>>
    tpu.enqueue_indirect_dma source(%dma_start3A_754 : memref<100000x16xf32, #tpu.memory_space<hbm>>) target(%arg13 : memref<512x16xf32, #tpu.memory_space<vmem>>) offsets(%dma_start3A_747 : memref<512xi32, #tpu.memory_space<vmem>>) semaphore(%arg27 : memref<!tpu.dma_semaphore, #tpu.memory_space<semaphore_mem>>)
    %dma_wait3A_755 = arith.constant 7 : i32
    %dma_wait3A_756 = arith.constant 3584 : i32
    %dma_wait3A_757 = tpu.memref_slice %arg6[%dma_wait3A_756] : memref<13312xi32, #tpu.memory_space<vmem>> -> memref<512xi32, #tpu.memory_space<vmem>>
    %dma_wait3A_758 = arith.constant 0 : i32
    %dma_wait3A_759 = arith.constant 0 : i32
    %dma_wait3A_760 = tpu.memref_slice %arg4[%dma_wait3A_755, %dma_wait3A_758, %dma_wait3A_759] : memref<26x100000x16xf32, #tpu.memory_space<hbm>> -> memref<1x100000x16xf32, #tpu.memory_space<hbm>>
    %dma_wait3A_761 = tpu.memref_squeeze %dma_wait3A_760 : memref<1x100000x16xf32, #tpu.memory_space<hbm>> -> memref<100000x16xf32, #tpu.memory_space<hbm>>
    %dma_wait3A_762 = arith.constant 0 : i32
    %dma_wait3A_763 = arith.constant 0 : i32
    %dma_wait3A_764 = tpu.memref_slice %dma_wait3A_761[%dma_wait3A_762, %dma_wait3A_763] : memref<100000x16xf32, #tpu.memory_space<hbm>> -> memref<100000x16xf32, #tpu.memory_space<hbm>>
    tpu.wait_indirect_dma semaphore(%arg28 : memref<!tpu.dma_semaphore, #tpu.memory_space<semaphore_mem>>) src(%dma_wait3A_764 : memref<100000x16xf32, #tpu.memory_space<hbm>>) dst(%arg14 : memref<512x16xf32, #tpu.memory_space<vmem>>)
    %dma_start3A_765 = arith.constant 112 : i32
    %dma_start3A_766 = tpu.memref_slice %arg5[%mul3A_2, %dma_start3A_765] : memref<16384x429xf32, #tpu.memory_space<hbm>> -> memref<512x16xf32, #tpu.memory_space<hbm>>
    %dma_start3A_767 = arith.constant 112 : i32
    %dma_start3A_768 = tpu.memref_slice %arg5[%mul3A_2, %dma_start3A_767] : memref<16384x429xf32, #tpu.memory_space<hbm>> -> memref<512x16xf32, #tpu.memory_space<hbm>>
    tpu.enqueue_dma source(%arg14 : memref<512x16xf32, #tpu.memory_space<vmem>>) target(%dma_start3A_768 : memref<512x16xf32, #tpu.memory_space<hbm>>) target_semaphore(%arg34 : memref<!tpu.dma_semaphore, #tpu.memory_space<semaphore_mem>>)
    %dma_wait3A_769 = arith.constant 112 : i32
    %dma_wait3A_770 = tpu.memref_slice %arg5[%mul3A_2, %dma_wait3A_769] : memref<16384x429xf32, #tpu.memory_space<hbm>> -> memref<512x16xf32, #tpu.memory_space<hbm>>
    %dma_wait3A_771 = arith.constant 112 : i32
    %dma_wait3A_772 = tpu.memref_slice %arg5[%mul3A_2, %dma_wait3A_771] : memref<16384x429xf32, #tpu.memory_space<hbm>> -> memref<512x16xf32, #tpu.memory_space<hbm>>
    tpu.wait_dma2 semaphore(%arg34 : memref<!tpu.dma_semaphore, #tpu.memory_space<semaphore_mem>>) src(%arg14 : memref<512x16xf32, #tpu.memory_space<vmem>>) dst(%dma_wait3A_772 : memref<512x16xf32, #tpu.memory_space<hbm>>)
    %dma_start3A_773 = arith.constant 20 : i32
    %dma_start3A_774 = arith.constant 10240 : i32
    %dma_start3A_775 = tpu.memref_slice %arg6[%dma_start3A_774] : memref<13312xi32, #tpu.memory_space<vmem>> -> memref<512xi32, #tpu.memory_space<vmem>>
    %dma_start3A_776 = arith.constant 0 : i32
    %dma_start3A_777 = arith.constant 0 : i32
    %dma_start3A_778 = tpu.memref_slice %arg4[%dma_start3A_773, %dma_start3A_776, %dma_start3A_777] : memref<26x100000x16xf32, #tpu.memory_space<hbm>> -> memref<1x100000x16xf32, #tpu.memory_space<hbm>>
    %dma_start3A_779 = tpu.memref_squeeze %dma_start3A_778 : memref<1x100000x16xf32, #tpu.memory_space<hbm>> -> memref<100000x16xf32, #tpu.memory_space<hbm>>
    %dma_start3A_780 = arith.constant 0 : i32
    %dma_start3A_781 = arith.constant 0 : i32
    %dma_start3A_782 = tpu.memref_slice %dma_start3A_779[%dma_start3A_780, %dma_start3A_781] : memref<100000x16xf32, #tpu.memory_space<hbm>> -> memref<100000x16xf32, #tpu.memory_space<hbm>>
    tpu.enqueue_indirect_dma source(%dma_start3A_782 : memref<100000x16xf32, #tpu.memory_space<hbm>>) target(%arg14 : memref<512x16xf32, #tpu.memory_space<vmem>>) offsets(%dma_start3A_775 : memref<512xi32, #tpu.memory_space<vmem>>) semaphore(%arg28 : memref<!tpu.dma_semaphore, #tpu.memory_space<semaphore_mem>>)
    %dma_wait3A_783 = arith.constant 8 : i32
    %dma_wait3A_784 = arith.constant 4096 : i32
    %dma_wait3A_785 = tpu.memref_slice %arg6[%dma_wait3A_784] : memref<13312xi32, #tpu.memory_space<vmem>> -> memref<512xi32, #tpu.memory_space<vmem>>
    %dma_wait3A_786 = arith.constant 0 : i32
    %dma_wait3A_787 = arith.constant 0 : i32
    %dma_wait3A_788 = tpu.memref_slice %arg4[%dma_wait3A_783, %dma_wait3A_786, %dma_wait3A_787] : memref<26x100000x16xf32, #tpu.memory_space<hbm>> -> memref<1x100000x16xf32, #tpu.memory_space<hbm>>
    %dma_wait3A_789 = tpu.memref_squeeze %dma_wait3A_788 : memref<1x100000x16xf32, #tpu.memory_space<hbm>> -> memref<100000x16xf32, #tpu.memory_space<hbm>>
    %dma_wait3A_790 = arith.constant 0 : i32
    %dma_wait3A_791 = arith.constant 0 : i32
    %dma_wait3A_792 = tpu.memref_slice %dma_wait3A_789[%dma_wait3A_790, %dma_wait3A_791] : memref<100000x16xf32, #tpu.memory_space<hbm>> -> memref<100000x16xf32, #tpu.memory_space<hbm>>
    tpu.wait_indirect_dma semaphore(%arg29 : memref<!tpu.dma_semaphore, #tpu.memory_space<semaphore_mem>>) src(%dma_wait3A_792 : memref<100000x16xf32, #tpu.memory_space<hbm>>) dst(%arg15 : memref<512x16xf32, #tpu.memory_space<vmem>>)
    %dma_start3A_793 = arith.constant 128 : i32
    %dma_start3A_794 = tpu.memref_slice %arg5[%mul3A_2, %dma_start3A_793] : memref<16384x429xf32, #tpu.memory_space<hbm>> -> memref<512x16xf32, #tpu.memory_space<hbm>>
    %dma_start3A_795 = arith.constant 128 : i32
    %dma_start3A_796 = tpu.memref_slice %arg5[%mul3A_2, %dma_start3A_795] : memref<16384x429xf32, #tpu.memory_space<hbm>> -> memref<512x16xf32, #tpu.memory_space<hbm>>
    tpu.enqueue_dma source(%arg15 : memref<512x16xf32, #tpu.memory_space<vmem>>) target(%dma_start3A_796 : memref<512x16xf32, #tpu.memory_space<hbm>>) target_semaphore(%arg34 : memref<!tpu.dma_semaphore, #tpu.memory_space<semaphore_mem>>)
    %dma_wait3A_797 = arith.constant 128 : i32
    %dma_wait3A_798 = tpu.memref_slice %arg5[%mul3A_2, %dma_wait3A_797] : memref<16384x429xf32, #tpu.memory_space<hbm>> -> memref<512x16xf32, #tpu.memory_space<hbm>>
    %dma_wait3A_799 = arith.constant 128 : i32
    %dma_wait3A_800 = tpu.memref_slice %arg5[%mul3A_2, %dma_wait3A_799] : memref<16384x429xf32, #tpu.memory_space<hbm>> -> memref<512x16xf32, #tpu.memory_space<hbm>>
    tpu.wait_dma2 semaphore(%arg34 : memref<!tpu.dma_semaphore, #tpu.memory_space<semaphore_mem>>) src(%arg15 : memref<512x16xf32, #tpu.memory_space<vmem>>) dst(%dma_wait3A_800 : memref<512x16xf32, #tpu.memory_space<hbm>>)
    %dma_start3A_801 = arith.constant 21 : i32
    %dma_start3A_802 = arith.constant 10752 : i32
    %dma_start3A_803 = tpu.memref_slice %arg6[%dma_start3A_802] : memref<13312xi32, #tpu.memory_space<vmem>> -> memref<512xi32, #tpu.memory_space<vmem>>
    %dma_start3A_804 = arith.constant 0 : i32
    %dma_start3A_805 = arith.constant 0 : i32
    %dma_start3A_806 = tpu.memref_slice %arg4[%dma_start3A_801, %dma_start3A_804, %dma_start3A_805] : memref<26x100000x16xf32, #tpu.memory_space<hbm>> -> memref<1x100000x16xf32, #tpu.memory_space<hbm>>
    %dma_start3A_807 = tpu.memref_squeeze %dma_start3A_806 : memref<1x100000x16xf32, #tpu.memory_space<hbm>> -> memref<100000x16xf32, #tpu.memory_space<hbm>>
    %dma_start3A_808 = arith.constant 0 : i32
    %dma_start3A_809 = arith.constant 0 : i32
    %dma_start3A_810 = tpu.memref_slice %dma_start3A_807[%dma_start3A_808, %dma_start3A_809] : memref<100000x16xf32, #tpu.memory_space<hbm>> -> memref<100000x16xf32, #tpu.memory_space<hbm>>
    tpu.enqueue_indirect_dma source(%dma_start3A_810 : memref<100000x16xf32, #tpu.memory_space<hbm>>) target(%arg15 : memref<512x16xf32, #tpu.memory_space<vmem>>) offsets(%dma_start3A_803 : memref<512xi32, #tpu.memory_space<vmem>>) semaphore(%arg29 : memref<!tpu.dma_semaphore, #tpu.memory_space<semaphore_mem>>)
    %dma_wait3A_811 = arith.constant 9 : i32
    %dma_wait3A_812 = arith.constant 4608 : i32
    %dma_wait3A_813 = tpu.memref_slice %arg6[%dma_wait3A_812] : memref<13312xi32, #tpu.memory_space<vmem>> -> memref<512xi32, #tpu.memory_space<vmem>>
    %dma_wait3A_814 = arith.constant 0 : i32
    %dma_wait3A_815 = arith.constant 0 : i32
    %dma_wait3A_816 = tpu.memref_slice %arg4[%dma_wait3A_811, %dma_wait3A_814, %dma_wait3A_815] : memref<26x100000x16xf32, #tpu.memory_space<hbm>> -> memref<1x100000x16xf32, #tpu.memory_space<hbm>>
    %dma_wait3A_817 = tpu.memref_squeeze %dma_wait3A_816 : memref<1x100000x16xf32, #tpu.memory_space<hbm>> -> memref<100000x16xf32, #tpu.memory_space<hbm>>
    %dma_wait3A_818 = arith.constant 0 : i32
    %dma_wait3A_819 = arith.constant 0 : i32
    %dma_wait3A_820 = tpu.memref_slice %dma_wait3A_817[%dma_wait3A_818, %dma_wait3A_819] : memref<100000x16xf32, #tpu.memory_space<hbm>> -> memref<100000x16xf32, #tpu.memory_space<hbm>>
    tpu.wait_indirect_dma semaphore(%arg30 : memref<!tpu.dma_semaphore, #tpu.memory_space<semaphore_mem>>) src(%dma_wait3A_820 : memref<100000x16xf32, #tpu.memory_space<hbm>>) dst(%arg16 : memref<512x16xf32, #tpu.memory_space<vmem>>)
    %dma_start3A_821 = arith.constant 144 : i32
    %dma_start3A_822 = tpu.memref_slice %arg5[%mul3A_2, %dma_start3A_821] : memref<16384x429xf32, #tpu.memory_space<hbm>> -> memref<512x16xf32, #tpu.memory_space<hbm>>
    %dma_start3A_823 = arith.constant 144 : i32
    %dma_start3A_824 = tpu.memref_slice %arg5[%mul3A_2, %dma_start3A_823] : memref<16384x429xf32, #tpu.memory_space<hbm>> -> memref<512x16xf32, #tpu.memory_space<hbm>>
    tpu.enqueue_dma source(%arg16 : memref<512x16xf32, #tpu.memory_space<vmem>>) target(%dma_start3A_824 : memref<512x16xf32, #tpu.memory_space<hbm>>) target_semaphore(%arg34 : memref<!tpu.dma_semaphore, #tpu.memory_space<semaphore_mem>>)
    %dma_wait3A_825 = arith.constant 144 : i32
    %dma_wait3A_826 = tpu.memref_slice %arg5[%mul3A_2, %dma_wait3A_825] : memref<16384x429xf32, #tpu.memory_space<hbm>> -> memref<512x16xf32, #tpu.memory_space<hbm>>
    %dma_wait3A_827 = arith.constant 144 : i32
    %dma_wait3A_828 = tpu.memref_slice %arg5[%mul3A_2, %dma_wait3A_827] : memref<16384x429xf32, #tpu.memory_space<hbm>> -> memref<512x16xf32, #tpu.memory_space<hbm>>
    tpu.wait_dma2 semaphore(%arg34 : memref<!tpu.dma_semaphore, #tpu.memory_space<semaphore_mem>>) src(%arg16 : memref<512x16xf32, #tpu.memory_space<vmem>>) dst(%dma_wait3A_828 : memref<512x16xf32, #tpu.memory_space<hbm>>)
    %dma_start3A_829 = arith.constant 22 : i32
    %dma_start3A_830 = arith.constant 11264 : i32
    %dma_start3A_831 = tpu.memref_slice %arg6[%dma_start3A_830] : memref<13312xi32, #tpu.memory_space<vmem>> -> memref<512xi32, #tpu.memory_space<vmem>>
    %dma_start3A_832 = arith.constant 0 : i32
    %dma_start3A_833 = arith.constant 0 : i32
    %dma_start3A_834 = tpu.memref_slice %arg4[%dma_start3A_829, %dma_start3A_832, %dma_start3A_833] : memref<26x100000x16xf32, #tpu.memory_space<hbm>> -> memref<1x100000x16xf32, #tpu.memory_space<hbm>>
    %dma_start3A_835 = tpu.memref_squeeze %dma_start3A_834 : memref<1x100000x16xf32, #tpu.memory_space<hbm>> -> memref<100000x16xf32, #tpu.memory_space<hbm>>
    %dma_start3A_836 = arith.constant 0 : i32
    %dma_start3A_837 = arith.constant 0 : i32
    %dma_start3A_838 = tpu.memref_slice %dma_start3A_835[%dma_start3A_836, %dma_start3A_837] : memref<100000x16xf32, #tpu.memory_space<hbm>> -> memref<100000x16xf32, #tpu.memory_space<hbm>>
    tpu.enqueue_indirect_dma source(%dma_start3A_838 : memref<100000x16xf32, #tpu.memory_space<hbm>>) target(%arg16 : memref<512x16xf32, #tpu.memory_space<vmem>>) offsets(%dma_start3A_831 : memref<512xi32, #tpu.memory_space<vmem>>) semaphore(%arg30 : memref<!tpu.dma_semaphore, #tpu.memory_space<semaphore_mem>>)
    %dma_wait3A_839 = arith.constant 10 : i32
    %dma_wait3A_840 = arith.constant 5120 : i32
    %dma_wait3A_841 = tpu.memref_slice %arg6[%dma_wait3A_840] : memref<13312xi32, #tpu.memory_space<vmem>> -> memref<512xi32, #tpu.memory_space<vmem>>
    %dma_wait3A_842 = arith.constant 0 : i32
    %dma_wait3A_843 = arith.constant 0 : i32
    %dma_wait3A_844 = tpu.memref_slice %arg4[%dma_wait3A_839, %dma_wait3A_842, %dma_wait3A_843] : memref<26x100000x16xf32, #tpu.memory_space<hbm>> -> memref<1x100000x16xf32, #tpu.memory_space<hbm>>
    %dma_wait3A_845 = tpu.memref_squeeze %dma_wait3A_844 : memref<1x100000x16xf32, #tpu.memory_space<hbm>> -> memref<100000x16xf32, #tpu.memory_space<hbm>>
    %dma_wait3A_846 = arith.constant 0 : i32
    %dma_wait3A_847 = arith.constant 0 : i32
    %dma_wait3A_848 = tpu.memref_slice %dma_wait3A_845[%dma_wait3A_846, %dma_wait3A_847] : memref<100000x16xf32, #tpu.memory_space<hbm>> -> memref<100000x16xf32, #tpu.memory_space<hbm>>
    tpu.wait_indirect_dma semaphore(%arg31 : memref<!tpu.dma_semaphore, #tpu.memory_space<semaphore_mem>>) src(%dma_wait3A_848 : memref<100000x16xf32, #tpu.memory_space<hbm>>) dst(%arg17 : memref<512x16xf32, #tpu.memory_space<vmem>>)
    %dma_start3A_849 = arith.constant 160 : i32
    %dma_start3A_850 = tpu.memref_slice %arg5[%mul3A_2, %dma_start3A_849] : memref<16384x429xf32, #tpu.memory_space<hbm>> -> memref<512x16xf32, #tpu.memory_space<hbm>>
    %dma_start3A_851 = arith.constant 160 : i32
    %dma_start3A_852 = tpu.memref_slice %arg5[%mul3A_2, %dma_start3A_851] : memref<16384x429xf32, #tpu.memory_space<hbm>> -> memref<512x16xf32, #tpu.memory_space<hbm>>
    tpu.enqueue_dma source(%arg17 : memref<512x16xf32, #tpu.memory_space<vmem>>) target(%dma_start3A_852 : memref<512x16xf32, #tpu.memory_space<hbm>>) target_semaphore(%arg34 : memref<!tpu.dma_semaphore, #tpu.memory_space<semaphore_mem>>)
    %dma_wait3A_853 = arith.constant 160 : i32
    %dma_wait3A_854 = tpu.memref_slice %arg5[%mul3A_2, %dma_wait3A_853] : memref<16384x429xf32, #tpu.memory_space<hbm>> -> memref<512x16xf32, #tpu.memory_space<hbm>>
    %dma_wait3A_855 = arith.constant 160 : i32
    %dma_wait3A_856 = tpu.memref_slice %arg5[%mul3A_2, %dma_wait3A_855] : memref<16384x429xf32, #tpu.memory_space<hbm>> -> memref<512x16xf32, #tpu.memory_space<hbm>>
    tpu.wait_dma2 semaphore(%arg34 : memref<!tpu.dma_semaphore, #tpu.memory_space<semaphore_mem>>) src(%arg17 : memref<512x16xf32, #tpu.memory_space<vmem>>) dst(%dma_wait3A_856 : memref<512x16xf32, #tpu.memory_space<hbm>>)
    %dma_start3A_857 = arith.constant 23 : i32
    %dma_start3A_858 = arith.constant 11776 : i32
    %dma_start3A_859 = tpu.memref_slice %arg6[%dma_start3A_858] : memref<13312xi32, #tpu.memory_space<vmem>> -> memref<512xi32, #tpu.memory_space<vmem>>
    %dma_start3A_860 = arith.constant 0 : i32
    %dma_start3A_861 = arith.constant 0 : i32
    %dma_start3A_862 = tpu.memref_slice %arg4[%dma_start3A_857, %dma_start3A_860, %dma_start3A_861] : memref<26x100000x16xf32, #tpu.memory_space<hbm>> -> memref<1x100000x16xf32, #tpu.memory_space<hbm>>
    %dma_start3A_863 = tpu.memref_squeeze %dma_start3A_862 : memref<1x100000x16xf32, #tpu.memory_space<hbm>> -> memref<100000x16xf32, #tpu.memory_space<hbm>>
    %dma_start3A_864 = arith.constant 0 : i32
    %dma_start3A_865 = arith.constant 0 : i32
    %dma_start3A_866 = tpu.memref_slice %dma_start3A_863[%dma_start3A_864, %dma_start3A_865] : memref<100000x16xf32, #tpu.memory_space<hbm>> -> memref<100000x16xf32, #tpu.memory_space<hbm>>
    tpu.enqueue_indirect_dma source(%dma_start3A_866 : memref<100000x16xf32, #tpu.memory_space<hbm>>) target(%arg17 : memref<512x16xf32, #tpu.memory_space<vmem>>) offsets(%dma_start3A_859 : memref<512xi32, #tpu.memory_space<vmem>>) semaphore(%arg31 : memref<!tpu.dma_semaphore, #tpu.memory_space<semaphore_mem>>)
    %dma_wait3A_867 = arith.constant 11 : i32
    %dma_wait3A_868 = arith.constant 5632 : i32
    %dma_wait3A_869 = tpu.memref_slice %arg6[%dma_wait3A_868] : memref<13312xi32, #tpu.memory_space<vmem>> -> memref<512xi32, #tpu.memory_space<vmem>>
    %dma_wait3A_870 = arith.constant 0 : i32
    %dma_wait3A_871 = arith.constant 0 : i32
    %dma_wait3A_872 = tpu.memref_slice %arg4[%dma_wait3A_867, %dma_wait3A_870, %dma_wait3A_871] : memref<26x100000x16xf32, #tpu.memory_space<hbm>> -> memref<1x100000x16xf32, #tpu.memory_space<hbm>>
    %dma_wait3A_873 = tpu.memref_squeeze %dma_wait3A_872 : memref<1x100000x16xf32, #tpu.memory_space<hbm>> -> memref<100000x16xf32, #tpu.memory_space<hbm>>
    %dma_wait3A_874 = arith.constant 0 : i32
    %dma_wait3A_875 = arith.constant 0 : i32
    %dma_wait3A_876 = tpu.memref_slice %dma_wait3A_873[%dma_wait3A_874, %dma_wait3A_875] : memref<100000x16xf32, #tpu.memory_space<hbm>> -> memref<100000x16xf32, #tpu.memory_space<hbm>>
    tpu.wait_indirect_dma semaphore(%arg32 : memref<!tpu.dma_semaphore, #tpu.memory_space<semaphore_mem>>) src(%dma_wait3A_876 : memref<100000x16xf32, #tpu.memory_space<hbm>>) dst(%arg18 : memref<512x16xf32, #tpu.memory_space<vmem>>)
    %dma_start3A_877 = arith.constant 176 : i32
    %dma_start3A_878 = tpu.memref_slice %arg5[%mul3A_2, %dma_start3A_877] : memref<16384x429xf32, #tpu.memory_space<hbm>> -> memref<512x16xf32, #tpu.memory_space<hbm>>
    %dma_start3A_879 = arith.constant 176 : i32
    %dma_start3A_880 = tpu.memref_slice %arg5[%mul3A_2, %dma_start3A_879] : memref<16384x429xf32, #tpu.memory_space<hbm>> -> memref<512x16xf32, #tpu.memory_space<hbm>>
    tpu.enqueue_dma source(%arg18 : memref<512x16xf32, #tpu.memory_space<vmem>>) target(%dma_start3A_880 : memref<512x16xf32, #tpu.memory_space<hbm>>) target_semaphore(%arg34 : memref<!tpu.dma_semaphore, #tpu.memory_space<semaphore_mem>>)
    %dma_wait3A_881 = arith.constant 176 : i32
    %dma_wait3A_882 = tpu.memref_slice %arg5[%mul3A_2, %dma_wait3A_881] : memref<16384x429xf32, #tpu.memory_space<hbm>> -> memref<512x16xf32, #tpu.memory_space<hbm>>
    %dma_wait3A_883 = arith.constant 176 : i32
    %dma_wait3A_884 = tpu.memref_slice %arg5[%mul3A_2, %dma_wait3A_883] : memref<16384x429xf32, #tpu.memory_space<hbm>> -> memref<512x16xf32, #tpu.memory_space<hbm>>
    tpu.wait_dma2 semaphore(%arg34 : memref<!tpu.dma_semaphore, #tpu.memory_space<semaphore_mem>>) src(%arg18 : memref<512x16xf32, #tpu.memory_space<vmem>>) dst(%dma_wait3A_884 : memref<512x16xf32, #tpu.memory_space<hbm>>)
    %dma_start3A_885 = arith.constant 24 : i32
    %dma_start3A_886 = arith.constant 12288 : i32
    %dma_start3A_887 = tpu.memref_slice %arg6[%dma_start3A_886] : memref<13312xi32, #tpu.memory_space<vmem>> -> memref<512xi32, #tpu.memory_space<vmem>>
    %dma_start3A_888 = arith.constant 0 : i32
    %dma_start3A_889 = arith.constant 0 : i32
    %dma_start3A_890 = tpu.memref_slice %arg4[%dma_start3A_885, %dma_start3A_888, %dma_start3A_889] : memref<26x100000x16xf32, #tpu.memory_space<hbm>> -> memref<1x100000x16xf32, #tpu.memory_space<hbm>>
    %dma_start3A_891 = tpu.memref_squeeze %dma_start3A_890 : memref<1x100000x16xf32, #tpu.memory_space<hbm>> -> memref<100000x16xf32, #tpu.memory_space<hbm>>
    %dma_start3A_892 = arith.constant 0 : i32
    %dma_start3A_893 = arith.constant 0 : i32
    %dma_start3A_894 = tpu.memref_slice %dma_start3A_891[%dma_start3A_892, %dma_start3A_893] : memref<100000x16xf32, #tpu.memory_space<hbm>> -> memref<100000x16xf32, #tpu.memory_space<hbm>>
    tpu.enqueue_indirect_dma source(%dma_start3A_894 : memref<100000x16xf32, #tpu.memory_space<hbm>>) target(%arg18 : memref<512x16xf32, #tpu.memory_space<vmem>>) offsets(%dma_start3A_887 : memref<512xi32, #tpu.memory_space<vmem>>) semaphore(%arg32 : memref<!tpu.dma_semaphore, #tpu.memory_space<semaphore_mem>>)
    %dma_wait3A_895 = arith.constant 12 : i32
    %dma_wait3A_896 = arith.constant 6144 : i32
    %dma_wait3A_897 = tpu.memref_slice %arg6[%dma_wait3A_896] : memref<13312xi32, #tpu.memory_space<vmem>> -> memref<512xi32, #tpu.memory_space<vmem>>
    %dma_wait3A_898 = arith.constant 0 : i32
    %dma_wait3A_899 = arith.constant 0 : i32
    %dma_wait3A_900 = tpu.memref_slice %arg4[%dma_wait3A_895, %dma_wait3A_898, %dma_wait3A_899] : memref<26x100000x16xf32, #tpu.memory_space<hbm>> -> memref<1x100000x16xf32, #tpu.memory_space<hbm>>
    %dma_wait3A_901 = tpu.memref_squeeze %dma_wait3A_900 : memref<1x100000x16xf32, #tpu.memory_space<hbm>> -> memref<100000x16xf32, #tpu.memory_space<hbm>>
    %dma_wait3A_902 = arith.constant 0 : i32
    %dma_wait3A_903 = arith.constant 0 : i32
    %dma_wait3A_904 = tpu.memref_slice %dma_wait3A_901[%dma_wait3A_902, %dma_wait3A_903] : memref<100000x16xf32, #tpu.memory_space<hbm>> -> memref<100000x16xf32, #tpu.memory_space<hbm>>
    tpu.wait_indirect_dma semaphore(%arg33 : memref<!tpu.dma_semaphore, #tpu.memory_space<semaphore_mem>>) src(%dma_wait3A_904 : memref<100000x16xf32, #tpu.memory_space<hbm>>) dst(%arg19 : memref<512x16xf32, #tpu.memory_space<vmem>>)
    %dma_start3A_905 = arith.constant 192 : i32
    %dma_start3A_906 = tpu.memref_slice %arg5[%mul3A_2, %dma_start3A_905] : memref<16384x429xf32, #tpu.memory_space<hbm>> -> memref<512x16xf32, #tpu.memory_space<hbm>>
    %dma_start3A_907 = arith.constant 192 : i32
    %dma_start3A_908 = tpu.memref_slice %arg5[%mul3A_2, %dma_start3A_907] : memref<16384x429xf32, #tpu.memory_space<hbm>> -> memref<512x16xf32, #tpu.memory_space<hbm>>
    tpu.enqueue_dma source(%arg19 : memref<512x16xf32, #tpu.memory_space<vmem>>) target(%dma_start3A_908 : memref<512x16xf32, #tpu.memory_space<hbm>>) target_semaphore(%arg34 : memref<!tpu.dma_semaphore, #tpu.memory_space<semaphore_mem>>)
    %dma_wait3A_909 = arith.constant 192 : i32
    %dma_wait3A_910 = tpu.memref_slice %arg5[%mul3A_2, %dma_wait3A_909] : memref<16384x429xf32, #tpu.memory_space<hbm>> -> memref<512x16xf32, #tpu.memory_space<hbm>>
    %dma_wait3A_911 = arith.constant 192 : i32
    %dma_wait3A_912 = tpu.memref_slice %arg5[%mul3A_2, %dma_wait3A_911] : memref<16384x429xf32, #tpu.memory_space<hbm>> -> memref<512x16xf32, #tpu.memory_space<hbm>>
    tpu.wait_dma2 semaphore(%arg34 : memref<!tpu.dma_semaphore, #tpu.memory_space<semaphore_mem>>) src(%arg19 : memref<512x16xf32, #tpu.memory_space<vmem>>) dst(%dma_wait3A_912 : memref<512x16xf32, #tpu.memory_space<hbm>>)
    %dma_start3A_913 = arith.constant 25 : i32
    %dma_start3A_914 = arith.constant 12800 : i32
    %dma_start3A_915 = tpu.memref_slice %arg6[%dma_start3A_914] : memref<13312xi32, #tpu.memory_space<vmem>> -> memref<512xi32, #tpu.memory_space<vmem>>
    %dma_start3A_916 = arith.constant 0 : i32
    %dma_start3A_917 = arith.constant 0 : i32
    %dma_start3A_918 = tpu.memref_slice %arg4[%dma_start3A_913, %dma_start3A_916, %dma_start3A_917] : memref<26x100000x16xf32, #tpu.memory_space<hbm>> -> memref<1x100000x16xf32, #tpu.memory_space<hbm>>
    %dma_start3A_919 = tpu.memref_squeeze %dma_start3A_918 : memref<1x100000x16xf32, #tpu.memory_space<hbm>> -> memref<100000x16xf32, #tpu.memory_space<hbm>>
    %dma_start3A_920 = arith.constant 0 : i32
    %dma_start3A_921 = arith.constant 0 : i32
    %dma_start3A_922 = tpu.memref_slice %dma_start3A_919[%dma_start3A_920, %dma_start3A_921] : memref<100000x16xf32, #tpu.memory_space<hbm>> -> memref<100000x16xf32, #tpu.memory_space<hbm>>
    tpu.enqueue_indirect_dma source(%dma_start3A_922 : memref<100000x16xf32, #tpu.memory_space<hbm>>) target(%arg19 : memref<512x16xf32, #tpu.memory_space<vmem>>) offsets(%dma_start3A_915 : memref<512xi32, #tpu.memory_space<vmem>>) semaphore(%arg33 : memref<!tpu.dma_semaphore, #tpu.memory_space<semaphore_mem>>)
    %dma_wait3A_923 = arith.constant 13 : i32
    %dma_wait3A_924 = arith.constant 6656 : i32
    %dma_wait3A_925 = tpu.memref_slice %arg6[%dma_wait3A_924] : memref<13312xi32, #tpu.memory_space<vmem>> -> memref<512xi32, #tpu.memory_space<vmem>>
    %dma_wait3A_926 = arith.constant 0 : i32
    %dma_wait3A_927 = arith.constant 0 : i32
    %dma_wait3A_928 = tpu.memref_slice %arg4[%dma_wait3A_923, %dma_wait3A_926, %dma_wait3A_927] : memref<26x100000x16xf32, #tpu.memory_space<hbm>> -> memref<1x100000x16xf32, #tpu.memory_space<hbm>>
    %dma_wait3A_929 = tpu.memref_squeeze %dma_wait3A_928 : memref<1x100000x16xf32, #tpu.memory_space<hbm>> -> memref<100000x16xf32, #tpu.memory_space<hbm>>
    %dma_wait3A_930 = arith.constant 0 : i32
    %dma_wait3A_931 = arith.constant 0 : i32
    %dma_wait3A_932 = tpu.memref_slice %dma_wait3A_929[%dma_wait3A_930, %dma_wait3A_931] : memref<100000x16xf32, #tpu.memory_space<hbm>> -> memref<100000x16xf32, #tpu.memory_space<hbm>>
    tpu.wait_indirect_dma semaphore(%arg21 : memref<!tpu.dma_semaphore, #tpu.memory_space<semaphore_mem>>) src(%dma_wait3A_932 : memref<100000x16xf32, #tpu.memory_space<hbm>>) dst(%arg7 : memref<512x16xf32, #tpu.memory_space<vmem>>)
    %dma_start3A_933 = arith.constant 208 : i32
    %dma_start3A_934 = tpu.memref_slice %arg5[%mul3A_2, %dma_start3A_933] : memref<16384x429xf32, #tpu.memory_space<hbm>> -> memref<512x16xf32, #tpu.memory_space<hbm>>
    %dma_start3A_935 = arith.constant 208 : i32
    %dma_start3A_936 = tpu.memref_slice %arg5[%mul3A_2, %dma_start3A_935] : memref<16384x429xf32, #tpu.memory_space<hbm>> -> memref<512x16xf32, #tpu.memory_space<hbm>>
    tpu.enqueue_dma source(%arg7 : memref<512x16xf32, #tpu.memory_space<vmem>>) target(%dma_start3A_936 : memref<512x16xf32, #tpu.memory_space<hbm>>) target_semaphore(%arg34 : memref<!tpu.dma_semaphore, #tpu.memory_space<semaphore_mem>>)
    %dma_wait3A_937 = arith.constant 14 : i32
    %dma_wait3A_938 = arith.constant 7168 : i32
    %dma_wait3A_939 = tpu.memref_slice %arg6[%dma_wait3A_938] : memref<13312xi32, #tpu.memory_space<vmem>> -> memref<512xi32, #tpu.memory_space<vmem>>
    %dma_wait3A_940 = arith.constant 0 : i32
    %dma_wait3A_941 = arith.constant 0 : i32
    %dma_wait3A_942 = tpu.memref_slice %arg4[%dma_wait3A_937, %dma_wait3A_940, %dma_wait3A_941] : memref<26x100000x16xf32, #tpu.memory_space<hbm>> -> memref<1x100000x16xf32, #tpu.memory_space<hbm>>
    %dma_wait3A_943 = tpu.memref_squeeze %dma_wait3A_942 : memref<1x100000x16xf32, #tpu.memory_space<hbm>> -> memref<100000x16xf32, #tpu.memory_space<hbm>>
    %dma_wait3A_944 = arith.constant 0 : i32
    %dma_wait3A_945 = arith.constant 0 : i32
    %dma_wait3A_946 = tpu.memref_slice %dma_wait3A_943[%dma_wait3A_944, %dma_wait3A_945] : memref<100000x16xf32, #tpu.memory_space<hbm>> -> memref<100000x16xf32, #tpu.memory_space<hbm>>
    tpu.wait_indirect_dma semaphore(%arg22 : memref<!tpu.dma_semaphore, #tpu.memory_space<semaphore_mem>>) src(%dma_wait3A_946 : memref<100000x16xf32, #tpu.memory_space<hbm>>) dst(%arg8 : memref<512x16xf32, #tpu.memory_space<vmem>>)
    %dma_start3A_947 = arith.constant 224 : i32
    %dma_start3A_948 = tpu.memref_slice %arg5[%mul3A_2, %dma_start3A_947] : memref<16384x429xf32, #tpu.memory_space<hbm>> -> memref<512x16xf32, #tpu.memory_space<hbm>>
    %dma_start3A_949 = arith.constant 224 : i32
    %dma_start3A_950 = tpu.memref_slice %arg5[%mul3A_2, %dma_start3A_949] : memref<16384x429xf32, #tpu.memory_space<hbm>> -> memref<512x16xf32, #tpu.memory_space<hbm>>
    tpu.enqueue_dma source(%arg8 : memref<512x16xf32, #tpu.memory_space<vmem>>) target(%dma_start3A_950 : memref<512x16xf32, #tpu.memory_space<hbm>>) target_semaphore(%arg34 : memref<!tpu.dma_semaphore, #tpu.memory_space<semaphore_mem>>)
    %dma_wait3A_951 = arith.constant 15 : i32
    %dma_wait3A_952 = arith.constant 7680 : i32
    %dma_wait3A_953 = tpu.memref_slice %arg6[%dma_wait3A_952] : memref<13312xi32, #tpu.memory_space<vmem>> -> memref<512xi32, #tpu.memory_space<vmem>>
    %dma_wait3A_954 = arith.constant 0 : i32
    %dma_wait3A_955 = arith.constant 0 : i32
    %dma_wait3A_956 = tpu.memref_slice %arg4[%dma_wait3A_951, %dma_wait3A_954, %dma_wait3A_955] : memref<26x100000x16xf32, #tpu.memory_space<hbm>> -> memref<1x100000x16xf32, #tpu.memory_space<hbm>>
    %dma_wait3A_957 = tpu.memref_squeeze %dma_wait3A_956 : memref<1x100000x16xf32, #tpu.memory_space<hbm>> -> memref<100000x16xf32, #tpu.memory_space<hbm>>
    %dma_wait3A_958 = arith.constant 0 : i32
    %dma_wait3A_959 = arith.constant 0 : i32
    %dma_wait3A_960 = tpu.memref_slice %dma_wait3A_957[%dma_wait3A_958, %dma_wait3A_959] : memref<100000x16xf32, #tpu.memory_space<hbm>> -> memref<100000x16xf32, #tpu.memory_space<hbm>>
    tpu.wait_indirect_dma semaphore(%arg23 : memref<!tpu.dma_semaphore, #tpu.memory_space<semaphore_mem>>) src(%dma_wait3A_960 : memref<100000x16xf32, #tpu.memory_space<hbm>>) dst(%arg9 : memref<512x16xf32, #tpu.memory_space<vmem>>)
    %dma_start3A_961 = arith.constant 240 : i32
    %dma_start3A_962 = tpu.memref_slice %arg5[%mul3A_2, %dma_start3A_961] : memref<16384x429xf32, #tpu.memory_space<hbm>> -> memref<512x16xf32, #tpu.memory_space<hbm>>
    %dma_start3A_963 = arith.constant 240 : i32
    %dma_start3A_964 = tpu.memref_slice %arg5[%mul3A_2, %dma_start3A_963] : memref<16384x429xf32, #tpu.memory_space<hbm>> -> memref<512x16xf32, #tpu.memory_space<hbm>>
    tpu.enqueue_dma source(%arg9 : memref<512x16xf32, #tpu.memory_space<vmem>>) target(%dma_start3A_964 : memref<512x16xf32, #tpu.memory_space<hbm>>) target_semaphore(%arg34 : memref<!tpu.dma_semaphore, #tpu.memory_space<semaphore_mem>>)
    %dma_wait3A_965 = arith.constant 16 : i32
    %dma_wait3A_966 = arith.constant 8192 : i32
    %dma_wait3A_967 = tpu.memref_slice %arg6[%dma_wait3A_966] : memref<13312xi32, #tpu.memory_space<vmem>> -> memref<512xi32, #tpu.memory_space<vmem>>
    %dma_wait3A_968 = arith.constant 0 : i32
    %dma_wait3A_969 = arith.constant 0 : i32
    %dma_wait3A_970 = tpu.memref_slice %arg4[%dma_wait3A_965, %dma_wait3A_968, %dma_wait3A_969] : memref<26x100000x16xf32, #tpu.memory_space<hbm>> -> memref<1x100000x16xf32, #tpu.memory_space<hbm>>
    %dma_wait3A_971 = tpu.memref_squeeze %dma_wait3A_970 : memref<1x100000x16xf32, #tpu.memory_space<hbm>> -> memref<100000x16xf32, #tpu.memory_space<hbm>>
    %dma_wait3A_972 = arith.constant 0 : i32
    %dma_wait3A_973 = arith.constant 0 : i32
    %dma_wait3A_974 = tpu.memref_slice %dma_wait3A_971[%dma_wait3A_972, %dma_wait3A_973] : memref<100000x16xf32, #tpu.memory_space<hbm>> -> memref<100000x16xf32, #tpu.memory_space<hbm>>
    tpu.wait_indirect_dma semaphore(%arg24 : memref<!tpu.dma_semaphore, #tpu.memory_space<semaphore_mem>>) src(%dma_wait3A_974 : memref<100000x16xf32, #tpu.memory_space<hbm>>) dst(%arg10 : memref<512x16xf32, #tpu.memory_space<vmem>>)
    %dma_start3A_975 = arith.constant 256 : i32
    %dma_start3A_976 = tpu.memref_slice %arg5[%mul3A_2, %dma_start3A_975] : memref<16384x429xf32, #tpu.memory_space<hbm>> -> memref<512x16xf32, #tpu.memory_space<hbm>>
    %dma_start3A_977 = arith.constant 256 : i32
    %dma_start3A_978 = tpu.memref_slice %arg5[%mul3A_2, %dma_start3A_977] : memref<16384x429xf32, #tpu.memory_space<hbm>> -> memref<512x16xf32, #tpu.memory_space<hbm>>
    tpu.enqueue_dma source(%arg10 : memref<512x16xf32, #tpu.memory_space<vmem>>) target(%dma_start3A_978 : memref<512x16xf32, #tpu.memory_space<hbm>>) target_semaphore(%arg34 : memref<!tpu.dma_semaphore, #tpu.memory_space<semaphore_mem>>)
    %dma_wait3A_979 = arith.constant 17 : i32
    %dma_wait3A_980 = arith.constant 8704 : i32
    %dma_wait3A_981 = tpu.memref_slice %arg6[%dma_wait3A_980] : memref<13312xi32, #tpu.memory_space<vmem>> -> memref<512xi32, #tpu.memory_space<vmem>>
    %dma_wait3A_982 = arith.constant 0 : i32
    %dma_wait3A_983 = arith.constant 0 : i32
    %dma_wait3A_984 = tpu.memref_slice %arg4[%dma_wait3A_979, %dma_wait3A_982, %dma_wait3A_983] : memref<26x100000x16xf32, #tpu.memory_space<hbm>> -> memref<1x100000x16xf32, #tpu.memory_space<hbm>>
    %dma_wait3A_985 = tpu.memref_squeeze %dma_wait3A_984 : memref<1x100000x16xf32, #tpu.memory_space<hbm>> -> memref<100000x16xf32, #tpu.memory_space<hbm>>
    %dma_wait3A_986 = arith.constant 0 : i32
    %dma_wait3A_987 = arith.constant 0 : i32
    %dma_wait3A_988 = tpu.memref_slice %dma_wait3A_985[%dma_wait3A_986, %dma_wait3A_987] : memref<100000x16xf32, #tpu.memory_space<hbm>> -> memref<100000x16xf32, #tpu.memory_space<hbm>>
    tpu.wait_indirect_dma semaphore(%arg25 : memref<!tpu.dma_semaphore, #tpu.memory_space<semaphore_mem>>) src(%dma_wait3A_988 : memref<100000x16xf32, #tpu.memory_space<hbm>>) dst(%arg11 : memref<512x16xf32, #tpu.memory_space<vmem>>)
    %dma_start3A_989 = arith.constant 272 : i32
    %dma_start3A_990 = tpu.memref_slice %arg5[%mul3A_2, %dma_start3A_989] : memref<16384x429xf32, #tpu.memory_space<hbm>> -> memref<512x16xf32, #tpu.memory_space<hbm>>
    %dma_start3A_991 = arith.constant 272 : i32
    %dma_start3A_992 = tpu.memref_slice %arg5[%mul3A_2, %dma_start3A_991] : memref<16384x429xf32, #tpu.memory_space<hbm>> -> memref<512x16xf32, #tpu.memory_space<hbm>>
    tpu.enqueue_dma source(%arg11 : memref<512x16xf32, #tpu.memory_space<vmem>>) target(%dma_start3A_992 : memref<512x16xf32, #tpu.memory_space<hbm>>) target_semaphore(%arg34 : memref<!tpu.dma_semaphore, #tpu.memory_space<semaphore_mem>>)
    %dma_wait3A_993 = arith.constant 18 : i32
    %dma_wait3A_994 = arith.constant 9216 : i32
    %dma_wait3A_995 = tpu.memref_slice %arg6[%dma_wait3A_994] : memref<13312xi32, #tpu.memory_space<vmem>> -> memref<512xi32, #tpu.memory_space<vmem>>
    %dma_wait3A_996 = arith.constant 0 : i32
    %dma_wait3A_997 = arith.constant 0 : i32
    %dma_wait3A_998 = tpu.memref_slice %arg4[%dma_wait3A_993, %dma_wait3A_996, %dma_wait3A_997] : memref<26x100000x16xf32, #tpu.memory_space<hbm>> -> memref<1x100000x16xf32, #tpu.memory_space<hbm>>
    %dma_wait3A_999 = tpu.memref_squeeze %dma_wait3A_998 : memref<1x100000x16xf32, #tpu.memory_space<hbm>> -> memref<100000x16xf32, #tpu.memory_space<hbm>>
    %dma_wait3A_1000 = arith.constant 0 : i32
    %dma_wait3A_1001 = arith.constant 0 : i32
    %dma_wait3A_1002 = tpu.memref_slice %dma_wait3A_999[%dma_wait3A_1000, %dma_wait3A_1001] : memref<100000x16xf32, #tpu.memory_space<hbm>> -> memref<100000x16xf32, #tpu.memory_space<hbm>>
    tpu.wait_indirect_dma semaphore(%arg26 : memref<!tpu.dma_semaphore, #tpu.memory_space<semaphore_mem>>) src(%dma_wait3A_1002 : memref<100000x16xf32, #tpu.memory_space<hbm>>) dst(%arg12 : memref<512x16xf32, #tpu.memory_space<vmem>>)
    %dma_start3A_1003 = arith.constant 288 : i32
    %dma_start3A_1004 = tpu.memref_slice %arg5[%mul3A_2, %dma_start3A_1003] : memref<16384x429xf32, #tpu.memory_space<hbm>> -> memref<512x16xf32, #tpu.memory_space<hbm>>
    %dma_start3A_1005 = arith.constant 288 : i32
    %dma_start3A_1006 = tpu.memref_slice %arg5[%mul3A_2, %dma_start3A_1005] : memref<16384x429xf32, #tpu.memory_space<hbm>> -> memref<512x16xf32, #tpu.memory_space<hbm>>
    tpu.enqueue_dma source(%arg12 : memref<512x16xf32, #tpu.memory_space<vmem>>) target(%dma_start3A_1006 : memref<512x16xf32, #tpu.memory_space<hbm>>) target_semaphore(%arg34 : memref<!tpu.dma_semaphore, #tpu.memory_space<semaphore_mem>>)
    %dma_wait3A_1007 = arith.constant 19 : i32
    %dma_wait3A_1008 = arith.constant 9728 : i32
    %dma_wait3A_1009 = tpu.memref_slice %arg6[%dma_wait3A_1008] : memref<13312xi32, #tpu.memory_space<vmem>> -> memref<512xi32, #tpu.memory_space<vmem>>
    %dma_wait3A_1010 = arith.constant 0 : i32
    %dma_wait3A_1011 = arith.constant 0 : i32
    %dma_wait3A_1012 = tpu.memref_slice %arg4[%dma_wait3A_1007, %dma_wait3A_1010, %dma_wait3A_1011] : memref<26x100000x16xf32, #tpu.memory_space<hbm>> -> memref<1x100000x16xf32, #tpu.memory_space<hbm>>
    %dma_wait3A_1013 = tpu.memref_squeeze %dma_wait3A_1012 : memref<1x100000x16xf32, #tpu.memory_space<hbm>> -> memref<100000x16xf32, #tpu.memory_space<hbm>>
    %dma_wait3A_1014 = arith.constant 0 : i32
    %dma_wait3A_1015 = arith.constant 0 : i32
    %dma_wait3A_1016 = tpu.memref_slice %dma_wait3A_1013[%dma_wait3A_1014, %dma_wait3A_1015] : memref<100000x16xf32, #tpu.memory_space<hbm>> -> memref<100000x16xf32, #tpu.memory_space<hbm>>
    tpu.wait_indirect_dma semaphore(%arg27 : memref<!tpu.dma_semaphore, #tpu.memory_space<semaphore_mem>>) src(%dma_wait3A_1016 : memref<100000x16xf32, #tpu.memory_space<hbm>>) dst(%arg13 : memref<512x16xf32, #tpu.memory_space<vmem>>)
    %dma_start3A_1017 = arith.constant 304 : i32
    %dma_start3A_1018 = tpu.memref_slice %arg5[%mul3A_2, %dma_start3A_1017] : memref<16384x429xf32, #tpu.memory_space<hbm>> -> memref<512x16xf32, #tpu.memory_space<hbm>>
    %dma_start3A_1019 = arith.constant 304 : i32
    %dma_start3A_1020 = tpu.memref_slice %arg5[%mul3A_2, %dma_start3A_1019] : memref<16384x429xf32, #tpu.memory_space<hbm>> -> memref<512x16xf32, #tpu.memory_space<hbm>>
    tpu.enqueue_dma source(%arg13 : memref<512x16xf32, #tpu.memory_space<vmem>>) target(%dma_start3A_1020 : memref<512x16xf32, #tpu.memory_space<hbm>>) target_semaphore(%arg34 : memref<!tpu.dma_semaphore, #tpu.memory_space<semaphore_mem>>)
    %dma_wait3A_1021 = arith.constant 20 : i32
    %dma_wait3A_1022 = arith.constant 10240 : i32
    %dma_wait3A_1023 = tpu.memref_slice %arg6[%dma_wait3A_1022] : memref<13312xi32, #tpu.memory_space<vmem>> -> memref<512xi32, #tpu.memory_space<vmem>>
    %dma_wait3A_1024 = arith.constant 0 : i32
    %dma_wait3A_1025 = arith.constant 0 : i32
    %dma_wait3A_1026 = tpu.memref_slice %arg4[%dma_wait3A_1021, %dma_wait3A_1024, %dma_wait3A_1025] : memref<26x100000x16xf32, #tpu.memory_space<hbm>> -> memref<1x100000x16xf32, #tpu.memory_space<hbm>>
    %dma_wait3A_1027 = tpu.memref_squeeze %dma_wait3A_1026 : memref<1x100000x16xf32, #tpu.memory_space<hbm>> -> memref<100000x16xf32, #tpu.memory_space<hbm>>
    %dma_wait3A_1028 = arith.constant 0 : i32
    %dma_wait3A_1029 = arith.constant 0 : i32
    %dma_wait3A_1030 = tpu.memref_slice %dma_wait3A_1027[%dma_wait3A_1028, %dma_wait3A_1029] : memref<100000x16xf32, #tpu.memory_space<hbm>> -> memref<100000x16xf32, #tpu.memory_space<hbm>>
    tpu.wait_indirect_dma semaphore(%arg28 : memref<!tpu.dma_semaphore, #tpu.memory_space<semaphore_mem>>) src(%dma_wait3A_1030 : memref<100000x16xf32, #tpu.memory_space<hbm>>) dst(%arg14 : memref<512x16xf32, #tpu.memory_space<vmem>>)
    %dma_start3A_1031 = arith.constant 320 : i32
    %dma_start3A_1032 = tpu.memref_slice %arg5[%mul3A_2, %dma_start3A_1031] : memref<16384x429xf32, #tpu.memory_space<hbm>> -> memref<512x16xf32, #tpu.memory_space<hbm>>
    %dma_start3A_1033 = arith.constant 320 : i32
    %dma_start3A_1034 = tpu.memref_slice %arg5[%mul3A_2, %dma_start3A_1033] : memref<16384x429xf32, #tpu.memory_space<hbm>> -> memref<512x16xf32, #tpu.memory_space<hbm>>
    tpu.enqueue_dma source(%arg14 : memref<512x16xf32, #tpu.memory_space<vmem>>) target(%dma_start3A_1034 : memref<512x16xf32, #tpu.memory_space<hbm>>) target_semaphore(%arg34 : memref<!tpu.dma_semaphore, #tpu.memory_space<semaphore_mem>>)
    %dma_wait3A_1035 = arith.constant 21 : i32
    %dma_wait3A_1036 = arith.constant 10752 : i32
    %dma_wait3A_1037 = tpu.memref_slice %arg6[%dma_wait3A_1036] : memref<13312xi32, #tpu.memory_space<vmem>> -> memref<512xi32, #tpu.memory_space<vmem>>
    %dma_wait3A_1038 = arith.constant 0 : i32
    %dma_wait3A_1039 = arith.constant 0 : i32
    %dma_wait3A_1040 = tpu.memref_slice %arg4[%dma_wait3A_1035, %dma_wait3A_1038, %dma_wait3A_1039] : memref<26x100000x16xf32, #tpu.memory_space<hbm>> -> memref<1x100000x16xf32, #tpu.memory_space<hbm>>
    %dma_wait3A_1041 = tpu.memref_squeeze %dma_wait3A_1040 : memref<1x100000x16xf32, #tpu.memory_space<hbm>> -> memref<100000x16xf32, #tpu.memory_space<hbm>>
    %dma_wait3A_1042 = arith.constant 0 : i32
    %dma_wait3A_1043 = arith.constant 0 : i32
    %dma_wait3A_1044 = tpu.memref_slice %dma_wait3A_1041[%dma_wait3A_1042, %dma_wait3A_1043] : memref<100000x16xf32, #tpu.memory_space<hbm>> -> memref<100000x16xf32, #tpu.memory_space<hbm>>
    tpu.wait_indirect_dma semaphore(%arg29 : memref<!tpu.dma_semaphore, #tpu.memory_space<semaphore_mem>>) src(%dma_wait3A_1044 : memref<100000x16xf32, #tpu.memory_space<hbm>>) dst(%arg15 : memref<512x16xf32, #tpu.memory_space<vmem>>)
    %dma_start3A_1045 = arith.constant 336 : i32
    %dma_start3A_1046 = tpu.memref_slice %arg5[%mul3A_2, %dma_start3A_1045] : memref<16384x429xf32, #tpu.memory_space<hbm>> -> memref<512x16xf32, #tpu.memory_space<hbm>>
    %dma_start3A_1047 = arith.constant 336 : i32
    %dma_start3A_1048 = tpu.memref_slice %arg5[%mul3A_2, %dma_start3A_1047] : memref<16384x429xf32, #tpu.memory_space<hbm>> -> memref<512x16xf32, #tpu.memory_space<hbm>>
    tpu.enqueue_dma source(%arg15 : memref<512x16xf32, #tpu.memory_space<vmem>>) target(%dma_start3A_1048 : memref<512x16xf32, #tpu.memory_space<hbm>>) target_semaphore(%arg34 : memref<!tpu.dma_semaphore, #tpu.memory_space<semaphore_mem>>)
    %dma_wait3A_1049 = arith.constant 22 : i32
    %dma_wait3A_1050 = arith.constant 11264 : i32
    %dma_wait3A_1051 = tpu.memref_slice %arg6[%dma_wait3A_1050] : memref<13312xi32, #tpu.memory_space<vmem>> -> memref<512xi32, #tpu.memory_space<vmem>>
    %dma_wait3A_1052 = arith.constant 0 : i32
    %dma_wait3A_1053 = arith.constant 0 : i32
    %dma_wait3A_1054 = tpu.memref_slice %arg4[%dma_wait3A_1049, %dma_wait3A_1052, %dma_wait3A_1053] : memref<26x100000x16xf32, #tpu.memory_space<hbm>> -> memref<1x100000x16xf32, #tpu.memory_space<hbm>>
    %dma_wait3A_1055 = tpu.memref_squeeze %dma_wait3A_1054 : memref<1x100000x16xf32, #tpu.memory_space<hbm>> -> memref<100000x16xf32, #tpu.memory_space<hbm>>
    %dma_wait3A_1056 = arith.constant 0 : i32
    %dma_wait3A_1057 = arith.constant 0 : i32
    %dma_wait3A_1058 = tpu.memref_slice %dma_wait3A_1055[%dma_wait3A_1056, %dma_wait3A_1057] : memref<100000x16xf32, #tpu.memory_space<hbm>> -> memref<100000x16xf32, #tpu.memory_space<hbm>>
    tpu.wait_indirect_dma semaphore(%arg30 : memref<!tpu.dma_semaphore, #tpu.memory_space<semaphore_mem>>) src(%dma_wait3A_1058 : memref<100000x16xf32, #tpu.memory_space<hbm>>) dst(%arg16 : memref<512x16xf32, #tpu.memory_space<vmem>>)
    %dma_start3A_1059 = arith.constant 352 : i32
    %dma_start3A_1060 = tpu.memref_slice %arg5[%mul3A_2, %dma_start3A_1059] : memref<16384x429xf32, #tpu.memory_space<hbm>> -> memref<512x16xf32, #tpu.memory_space<hbm>>
    %dma_start3A_1061 = arith.constant 352 : i32
    %dma_start3A_1062 = tpu.memref_slice %arg5[%mul3A_2, %dma_start3A_1061] : memref<16384x429xf32, #tpu.memory_space<hbm>> -> memref<512x16xf32, #tpu.memory_space<hbm>>
    tpu.enqueue_dma source(%arg16 : memref<512x16xf32, #tpu.memory_space<vmem>>) target(%dma_start3A_1062 : memref<512x16xf32, #tpu.memory_space<hbm>>) target_semaphore(%arg34 : memref<!tpu.dma_semaphore, #tpu.memory_space<semaphore_mem>>)
    %dma_wait3A_1063 = arith.constant 23 : i32
    %dma_wait3A_1064 = arith.constant 11776 : i32
    %dma_wait3A_1065 = tpu.memref_slice %arg6[%dma_wait3A_1064] : memref<13312xi32, #tpu.memory_space<vmem>> -> memref<512xi32, #tpu.memory_space<vmem>>
    %dma_wait3A_1066 = arith.constant 0 : i32
    %dma_wait3A_1067 = arith.constant 0 : i32
    %dma_wait3A_1068 = tpu.memref_slice %arg4[%dma_wait3A_1063, %dma_wait3A_1066, %dma_wait3A_1067] : memref<26x100000x16xf32, #tpu.memory_space<hbm>> -> memref<1x100000x16xf32, #tpu.memory_space<hbm>>
    %dma_wait3A_1069 = tpu.memref_squeeze %dma_wait3A_1068 : memref<1x100000x16xf32, #tpu.memory_space<hbm>> -> memref<100000x16xf32, #tpu.memory_space<hbm>>
    %dma_wait3A_1070 = arith.constant 0 : i32
    %dma_wait3A_1071 = arith.constant 0 : i32
    %dma_wait3A_1072 = tpu.memref_slice %dma_wait3A_1069[%dma_wait3A_1070, %dma_wait3A_1071] : memref<100000x16xf32, #tpu.memory_space<hbm>> -> memref<100000x16xf32, #tpu.memory_space<hbm>>
    tpu.wait_indirect_dma semaphore(%arg31 : memref<!tpu.dma_semaphore, #tpu.memory_space<semaphore_mem>>) src(%dma_wait3A_1072 : memref<100000x16xf32, #tpu.memory_space<hbm>>) dst(%arg17 : memref<512x16xf32, #tpu.memory_space<vmem>>)
    %dma_start3A_1073 = arith.constant 368 : i32
    %dma_start3A_1074 = tpu.memref_slice %arg5[%mul3A_2, %dma_start3A_1073] : memref<16384x429xf32, #tpu.memory_space<hbm>> -> memref<512x16xf32, #tpu.memory_space<hbm>>
    %dma_start3A_1075 = arith.constant 368 : i32
    %dma_start3A_1076 = tpu.memref_slice %arg5[%mul3A_2, %dma_start3A_1075] : memref<16384x429xf32, #tpu.memory_space<hbm>> -> memref<512x16xf32, #tpu.memory_space<hbm>>
    tpu.enqueue_dma source(%arg17 : memref<512x16xf32, #tpu.memory_space<vmem>>) target(%dma_start3A_1076 : memref<512x16xf32, #tpu.memory_space<hbm>>) target_semaphore(%arg34 : memref<!tpu.dma_semaphore, #tpu.memory_space<semaphore_mem>>)
    %dma_wait3A_1077 = arith.constant 24 : i32
    %dma_wait3A_1078 = arith.constant 12288 : i32
    %dma_wait3A_1079 = tpu.memref_slice %arg6[%dma_wait3A_1078] : memref<13312xi32, #tpu.memory_space<vmem>> -> memref<512xi32, #tpu.memory_space<vmem>>
    %dma_wait3A_1080 = arith.constant 0 : i32
    %dma_wait3A_1081 = arith.constant 0 : i32
    %dma_wait3A_1082 = tpu.memref_slice %arg4[%dma_wait3A_1077, %dma_wait3A_1080, %dma_wait3A_1081] : memref<26x100000x16xf32, #tpu.memory_space<hbm>> -> memref<1x100000x16xf32, #tpu.memory_space<hbm>>
    %dma_wait3A_1083 = tpu.memref_squeeze %dma_wait3A_1082 : memref<1x100000x16xf32, #tpu.memory_space<hbm>> -> memref<100000x16xf32, #tpu.memory_space<hbm>>
    %dma_wait3A_1084 = arith.constant 0 : i32
    %dma_wait3A_1085 = arith.constant 0 : i32
    %dma_wait3A_1086 = tpu.memref_slice %dma_wait3A_1083[%dma_wait3A_1084, %dma_wait3A_1085] : memref<100000x16xf32, #tpu.memory_space<hbm>> -> memref<100000x16xf32, #tpu.memory_space<hbm>>
    tpu.wait_indirect_dma semaphore(%arg32 : memref<!tpu.dma_semaphore, #tpu.memory_space<semaphore_mem>>) src(%dma_wait3A_1086 : memref<100000x16xf32, #tpu.memory_space<hbm>>) dst(%arg18 : memref<512x16xf32, #tpu.memory_space<vmem>>)
    %dma_start3A_1087 = arith.constant 384 : i32
    %dma_start3A_1088 = tpu.memref_slice %arg5[%mul3A_2, %dma_start3A_1087] : memref<16384x429xf32, #tpu.memory_space<hbm>> -> memref<512x16xf32, #tpu.memory_space<hbm>>
    %dma_start3A_1089 = arith.constant 384 : i32
    %dma_start3A_1090 = tpu.memref_slice %arg5[%mul3A_2, %dma_start3A_1089] : memref<16384x429xf32, #tpu.memory_space<hbm>> -> memref<512x16xf32, #tpu.memory_space<hbm>>
    tpu.enqueue_dma source(%arg18 : memref<512x16xf32, #tpu.memory_space<vmem>>) target(%dma_start3A_1090 : memref<512x16xf32, #tpu.memory_space<hbm>>) target_semaphore(%arg34 : memref<!tpu.dma_semaphore, #tpu.memory_space<semaphore_mem>>)
    %dma_wait3A_1091 = arith.constant 25 : i32
    %dma_wait3A_1092 = arith.constant 12800 : i32
    %dma_wait3A_1093 = tpu.memref_slice %arg6[%dma_wait3A_1092] : memref<13312xi32, #tpu.memory_space<vmem>> -> memref<512xi32, #tpu.memory_space<vmem>>
    %dma_wait3A_1094 = arith.constant 0 : i32
    %dma_wait3A_1095 = arith.constant 0 : i32
    %dma_wait3A_1096 = tpu.memref_slice %arg4[%dma_wait3A_1091, %dma_wait3A_1094, %dma_wait3A_1095] : memref<26x100000x16xf32, #tpu.memory_space<hbm>> -> memref<1x100000x16xf32, #tpu.memory_space<hbm>>
    %dma_wait3A_1097 = tpu.memref_squeeze %dma_wait3A_1096 : memref<1x100000x16xf32, #tpu.memory_space<hbm>> -> memref<100000x16xf32, #tpu.memory_space<hbm>>
    %dma_wait3A_1098 = arith.constant 0 : i32
    %dma_wait3A_1099 = arith.constant 0 : i32
    %dma_wait3A_1100 = tpu.memref_slice %dma_wait3A_1097[%dma_wait3A_1098, %dma_wait3A_1099] : memref<100000x16xf32, #tpu.memory_space<hbm>> -> memref<100000x16xf32, #tpu.memory_space<hbm>>
    tpu.wait_indirect_dma semaphore(%arg33 : memref<!tpu.dma_semaphore, #tpu.memory_space<semaphore_mem>>) src(%dma_wait3A_1100 : memref<100000x16xf32, #tpu.memory_space<hbm>>) dst(%arg19 : memref<512x16xf32, #tpu.memory_space<vmem>>)
    %dma_start3A_1101 = arith.constant 400 : i32
    %dma_start3A_1102 = tpu.memref_slice %arg5[%mul3A_2, %dma_start3A_1101] : memref<16384x429xf32, #tpu.memory_space<hbm>> -> memref<512x16xf32, #tpu.memory_space<hbm>>
    %dma_start3A_1103 = arith.constant 400 : i32
    %dma_start3A_1104 = tpu.memref_slice %arg5[%mul3A_2, %dma_start3A_1103] : memref<16384x429xf32, #tpu.memory_space<hbm>> -> memref<512x16xf32, #tpu.memory_space<hbm>>
    tpu.enqueue_dma source(%arg19 : memref<512x16xf32, #tpu.memory_space<vmem>>) target(%dma_start3A_1104 : memref<512x16xf32, #tpu.memory_space<hbm>>) target_semaphore(%arg34 : memref<!tpu.dma_semaphore, #tpu.memory_space<semaphore_mem>>)
    %dma_wait3A_1105 = arith.constant 208 : i32
    %dma_wait3A_1106 = tpu.memref_slice %arg5[%mul3A_2, %dma_wait3A_1105] : memref<16384x429xf32, #tpu.memory_space<hbm>> -> memref<512x16xf32, #tpu.memory_space<hbm>>
    %dma_wait3A_1107 = arith.constant 208 : i32
    %dma_wait3A_1108 = tpu.memref_slice %arg5[%mul3A_2, %dma_wait3A_1107] : memref<16384x429xf32, #tpu.memory_space<hbm>> -> memref<512x16xf32, #tpu.memory_space<hbm>>
    tpu.wait_dma2 semaphore(%arg34 : memref<!tpu.dma_semaphore, #tpu.memory_space<semaphore_mem>>) src(%arg7 : memref<512x16xf32, #tpu.memory_space<vmem>>) dst(%dma_wait3A_1108 : memref<512x16xf32, #tpu.memory_space<hbm>>)
    %dma_wait3A_1109 = arith.constant 224 : i32
    %dma_wait3A_1110 = tpu.memref_slice %arg5[%mul3A_2, %dma_wait3A_1109] : memref<16384x429xf32, #tpu.memory_space<hbm>> -> memref<512x16xf32, #tpu.memory_space<hbm>>
    %dma_wait3A_1111 = arith.constant 224 : i32
    %dma_wait3A_1112 = tpu.memref_slice %arg5[%mul3A_2, %dma_wait3A_1111] : memref<16384x429xf32, #tpu.memory_space<hbm>> -> memref<512x16xf32, #tpu.memory_space<hbm>>
    tpu.wait_dma2 semaphore(%arg34 : memref<!tpu.dma_semaphore, #tpu.memory_space<semaphore_mem>>) src(%arg8 : memref<512x16xf32, #tpu.memory_space<vmem>>) dst(%dma_wait3A_1112 : memref<512x16xf32, #tpu.memory_space<hbm>>)
    %dma_wait3A_1113 = arith.constant 240 : i32
    %dma_wait3A_1114 = tpu.memref_slice %arg5[%mul3A_2, %dma_wait3A_1113] : memref<16384x429xf32, #tpu.memory_space<hbm>> -> memref<512x16xf32, #tpu.memory_space<hbm>>
    %dma_wait3A_1115 = arith.constant 240 : i32
    %dma_wait3A_1116 = tpu.memref_slice %arg5[%mul3A_2, %dma_wait3A_1115] : memref<16384x429xf32, #tpu.memory_space<hbm>> -> memref<512x16xf32, #tpu.memory_space<hbm>>
    tpu.wait_dma2 semaphore(%arg34 : memref<!tpu.dma_semaphore, #tpu.memory_space<semaphore_mem>>) src(%arg9 : memref<512x16xf32, #tpu.memory_space<vmem>>) dst(%dma_wait3A_1116 : memref<512x16xf32, #tpu.memory_space<hbm>>)
    %dma_wait3A_1117 = arith.constant 256 : i32
    %dma_wait3A_1118 = tpu.memref_slice %arg5[%mul3A_2, %dma_wait3A_1117] : memref<16384x429xf32, #tpu.memory_space<hbm>> -> memref<512x16xf32, #tpu.memory_space<hbm>>
    %dma_wait3A_1119 = arith.constant 256 : i32
    %dma_wait3A_1120 = tpu.memref_slice %arg5[%mul3A_2, %dma_wait3A_1119] : memref<16384x429xf32, #tpu.memory_space<hbm>> -> memref<512x16xf32, #tpu.memory_space<hbm>>
    tpu.wait_dma2 semaphore(%arg34 : memref<!tpu.dma_semaphore, #tpu.memory_space<semaphore_mem>>) src(%arg10 : memref<512x16xf32, #tpu.memory_space<vmem>>) dst(%dma_wait3A_1120 : memref<512x16xf32, #tpu.memory_space<hbm>>)
    %dma_wait3A_1121 = arith.constant 272 : i32
    %dma_wait3A_1122 = tpu.memref_slice %arg5[%mul3A_2, %dma_wait3A_1121] : memref<16384x429xf32, #tpu.memory_space<hbm>> -> memref<512x16xf32, #tpu.memory_space<hbm>>
    %dma_wait3A_1123 = arith.constant 272 : i32
    %dma_wait3A_1124 = tpu.memref_slice %arg5[%mul3A_2, %dma_wait3A_1123] : memref<16384x429xf32, #tpu.memory_space<hbm>> -> memref<512x16xf32, #tpu.memory_space<hbm>>
    tpu.wait_dma2 semaphore(%arg34 : memref<!tpu.dma_semaphore, #tpu.memory_space<semaphore_mem>>) src(%arg11 : memref<512x16xf32, #tpu.memory_space<vmem>>) dst(%dma_wait3A_1124 : memref<512x16xf32, #tpu.memory_space<hbm>>)
    %dma_wait3A_1125 = arith.constant 288 : i32
    %dma_wait3A_1126 = tpu.memref_slice %arg5[%mul3A_2, %dma_wait3A_1125] : memref<16384x429xf32, #tpu.memory_space<hbm>> -> memref<512x16xf32, #tpu.memory_space<hbm>>
    %dma_wait3A_1127 = arith.constant 288 : i32
    %dma_wait3A_1128 = tpu.memref_slice %arg5[%mul3A_2, %dma_wait3A_1127] : memref<16384x429xf32, #tpu.memory_space<hbm>> -> memref<512x16xf32, #tpu.memory_space<hbm>>
    tpu.wait_dma2 semaphore(%arg34 : memref<!tpu.dma_semaphore, #tpu.memory_space<semaphore_mem>>) src(%arg12 : memref<512x16xf32, #tpu.memory_space<vmem>>) dst(%dma_wait3A_1128 : memref<512x16xf32, #tpu.memory_space<hbm>>)
    %dma_wait3A_1129 = arith.constant 304 : i32
    %dma_wait3A_1130 = tpu.memref_slice %arg5[%mul3A_2, %dma_wait3A_1129] : memref<16384x429xf32, #tpu.memory_space<hbm>> -> memref<512x16xf32, #tpu.memory_space<hbm>>
    %dma_wait3A_1131 = arith.constant 304 : i32
    %dma_wait3A_1132 = tpu.memref_slice %arg5[%mul3A_2, %dma_wait3A_1131] : memref<16384x429xf32, #tpu.memory_space<hbm>> -> memref<512x16xf32, #tpu.memory_space<hbm>>
    tpu.wait_dma2 semaphore(%arg34 : memref<!tpu.dma_semaphore, #tpu.memory_space<semaphore_mem>>) src(%arg13 : memref<512x16xf32, #tpu.memory_space<vmem>>) dst(%dma_wait3A_1132 : memref<512x16xf32, #tpu.memory_space<hbm>>)
    %dma_wait3A_1133 = arith.constant 320 : i32
    %dma_wait3A_1134 = tpu.memref_slice %arg5[%mul3A_2, %dma_wait3A_1133] : memref<16384x429xf32, #tpu.memory_space<hbm>> -> memref<512x16xf32, #tpu.memory_space<hbm>>
    %dma_wait3A_1135 = arith.constant 320 : i32
    %dma_wait3A_1136 = tpu.memref_slice %arg5[%mul3A_2, %dma_wait3A_1135] : memref<16384x429xf32, #tpu.memory_space<hbm>> -> memref<512x16xf32, #tpu.memory_space<hbm>>
    tpu.wait_dma2 semaphore(%arg34 : memref<!tpu.dma_semaphore, #tpu.memory_space<semaphore_mem>>) src(%arg14 : memref<512x16xf32, #tpu.memory_space<vmem>>) dst(%dma_wait3A_1136 : memref<512x16xf32, #tpu.memory_space<hbm>>)
    %dma_wait3A_1137 = arith.constant 336 : i32
    %dma_wait3A_1138 = tpu.memref_slice %arg5[%mul3A_2, %dma_wait3A_1137] : memref<16384x429xf32, #tpu.memory_space<hbm>> -> memref<512x16xf32, #tpu.memory_space<hbm>>
    %dma_wait3A_1139 = arith.constant 336 : i32
    %dma_wait3A_1140 = tpu.memref_slice %arg5[%mul3A_2, %dma_wait3A_1139] : memref<16384x429xf32, #tpu.memory_space<hbm>> -> memref<512x16xf32, #tpu.memory_space<hbm>>
    tpu.wait_dma2 semaphore(%arg34 : memref<!tpu.dma_semaphore, #tpu.memory_space<semaphore_mem>>) src(%arg15 : memref<512x16xf32, #tpu.memory_space<vmem>>) dst(%dma_wait3A_1140 : memref<512x16xf32, #tpu.memory_space<hbm>>)
    %dma_wait3A_1141 = arith.constant 352 : i32
    %dma_wait3A_1142 = tpu.memref_slice %arg5[%mul3A_2, %dma_wait3A_1141] : memref<16384x429xf32, #tpu.memory_space<hbm>> -> memref<512x16xf32, #tpu.memory_space<hbm>>
    %dma_wait3A_1143 = arith.constant 352 : i32
    %dma_wait3A_1144 = tpu.memref_slice %arg5[%mul3A_2, %dma_wait3A_1143] : memref<16384x429xf32, #tpu.memory_space<hbm>> -> memref<512x16xf32, #tpu.memory_space<hbm>>
    tpu.wait_dma2 semaphore(%arg34 : memref<!tpu.dma_semaphore, #tpu.memory_space<semaphore_mem>>) src(%arg16 : memref<512x16xf32, #tpu.memory_space<vmem>>) dst(%dma_wait3A_1144 : memref<512x16xf32, #tpu.memory_space<hbm>>)
    %dma_wait3A_1145 = arith.constant 368 : i32
    %dma_wait3A_1146 = tpu.memref_slice %arg5[%mul3A_2, %dma_wait3A_1145] : memref<16384x429xf32, #tpu.memory_space<hbm>> -> memref<512x16xf32, #tpu.memory_space<hbm>>
    %dma_wait3A_1147 = arith.constant 368 : i32
    %dma_wait3A_1148 = tpu.memref_slice %arg5[%mul3A_2, %dma_wait3A_1147] : memref<16384x429xf32, #tpu.memory_space<hbm>> -> memref<512x16xf32, #tpu.memory_space<hbm>>
    tpu.wait_dma2 semaphore(%arg34 : memref<!tpu.dma_semaphore, #tpu.memory_space<semaphore_mem>>) src(%arg17 : memref<512x16xf32, #tpu.memory_space<vmem>>) dst(%dma_wait3A_1148 : memref<512x16xf32, #tpu.memory_space<hbm>>)
    %dma_wait3A_1149 = arith.constant 384 : i32
    %dma_wait3A_1150 = tpu.memref_slice %arg5[%mul3A_2, %dma_wait3A_1149] : memref<16384x429xf32, #tpu.memory_space<hbm>> -> memref<512x16xf32, #tpu.memory_space<hbm>>
    %dma_wait3A_1151 = arith.constant 384 : i32
    %dma_wait3A_1152 = tpu.memref_slice %arg5[%mul3A_2, %dma_wait3A_1151] : memref<16384x429xf32, #tpu.memory_space<hbm>> -> memref<512x16xf32, #tpu.memory_space<hbm>>
    tpu.wait_dma2 semaphore(%arg34 : memref<!tpu.dma_semaphore, #tpu.memory_space<semaphore_mem>>) src(%arg18 : memref<512x16xf32, #tpu.memory_space<vmem>>) dst(%dma_wait3A_1152 : memref<512x16xf32, #tpu.memory_space<hbm>>)
    %dma_wait3A_1153 = arith.constant 400 : i32
    %dma_wait3A_1154 = tpu.memref_slice %arg5[%mul3A_2, %dma_wait3A_1153] : memref<16384x429xf32, #tpu.memory_space<hbm>> -> memref<512x16xf32, #tpu.memory_space<hbm>>
    %dma_wait3A_1155 = arith.constant 400 : i32
    %dma_wait3A_1156 = tpu.memref_slice %arg5[%mul3A_2, %dma_wait3A_1155] : memref<16384x429xf32, #tpu.memory_space<hbm>> -> memref<512x16xf32, #tpu.memory_space<hbm>>
    tpu.wait_dma2 semaphore(%arg34 : memref<!tpu.dma_semaphore, #tpu.memory_space<semaphore_mem>>) src(%arg19 : memref<512x16xf32, #tpu.memory_space<vmem>>) dst(%dma_wait3A_1156 : memref<512x16xf32, #tpu.memory_space<hbm>>)
    %dma_wait3A_1157 = arith.constant 416 : i32
    %dma_wait3A_1158 = tpu.memref_slice %arg5[%mul3A_2, %dma_wait3A_1157] : memref<16384x429xf32, #tpu.memory_space<hbm>> -> memref<512x13xf32, #tpu.memory_space<hbm>>
    %dma_wait3A_1159 = arith.constant 416 : i32
    %dma_wait3A_1160 = tpu.memref_slice %arg5[%mul3A_2, %dma_wait3A_1159] : memref<16384x429xf32, #tpu.memory_space<hbm>> -> memref<512x13xf32, #tpu.memory_space<hbm>>
    tpu.wait_dma2 semaphore(%arg35 : memref<!tpu.dma_semaphore, #tpu.memory_space<semaphore_mem>>) src(%arg20 : memref<512x13xf32, #tpu.memory_space<vmem>>) dst(%dma_wait3A_1160 : memref<512x13xf32, #tpu.memory_space<hbm>>)
    return
  }
}

</mosaic_0001>

<sc_bundles>
// kernel: _run.3.cloned.1.call-start
scs
__scs_entry_jumppad:
0x0: {  	(pc) =	sbr.rel $0x88, $3  }
0x1: {  	(tag) =	ssettag $0x0;
	lr =	simm.s32 $0x1  }
0x2: {  	[smem:$0x3F9E] =	sst lr;
	_ =	strace $0xD0000000  }
0x3: {  	_ = 	snop  }
0x4: {  	_ = 	snop  }
0x5: {  	_ = 	snop  }
0x6: {  	_ = 	snop  }
0x7: {  	_ = 	snop  }
__scs_overlays_trampoline_lowered:
0x8: {  	[smem:$0x3FAD] =	sst s0  }
0x9: {  	[smem:$0x3FAE] =	sst s1  }
0xa: {  	[smem:$0x3FAF] =	sst s2  }
0xb: {  	[smem:$0x3FB0] =	sst s3  }
0xc: {  	[smem:$0x3FB1] =	sst s4  }
0xd: {  	[smem:$0x3FB2] =	sst s5  }
0xe: {  	[smem:$0x3FB3] =	sst s6  }
0xf: {  	[smem:$0x3FB4] =	sst s7  }
0x10: {  	[smem:$0x3FB5] =	sst s8  }
0x11: {  	[smem:$0x3FB6] =	sst s9;
	s0 =	simm.s32 @!p0 $0x0  }
0x12: {  	s1 =	sld [smem:$0x3F9C];
	s0 =	simm.s32 @p0 $0x1  }
0x13: {  	[smem:$0x3FB7] =	sst s0;
	s0 =	simm.s32 @!p1 $0x0  }
0x14: {  	s2 =	sld [smem:$0x3F9B];
	s0 =	simm.s32 @p1 $0x1  }
0x15: {  	[smem:$0x3FB8] =	sst s0;
	s0 =	simm.s32 @!p2 $0x0  }
0x16: {  	s3 =	sld [smem:$0x3FDB];
	s0 =	simm.s32 @p2 $0x1  }
0x17: {  	s4 =	simm.s32 $0x1BF5;
	[smem:$0x3FBA] =	sst s0  }
0x18: {  	s0 =	sld [smem:$0x3F9D];
	_ =	swait.ge [sflag:s4], $0x0  }
0x19: {  	s7 =	sld [smem:$0x3F9E]  }
0x1a: {  	s8 =	sadd.s32 $0xFFFFE003, lr  }
0x1b: {  	s9 =	sadd.s32 $0xFFFFFEF7, lr;
	s5 =	simm.s32 $0xFFFFFFFF;
	p2 =	slt.u32 s8, $0xFFFFF086  }
0x1c: {  	p1 =	slt.u32 s9, $0xF7A;
	s5 =	simm.s32 @!p2 $0x0  }
0x1d: {  	s5 =	simm.s32 @p1 $0x1;
	p0 =	seq.s32 s7, s2  }
0x1e: {  	s7 =	smul.u32 @!p0 $0xF7A, s2;
	p2 =	seq.s32 @!p0 s5, $0x0  }
0x1f: {  	s9 =	smul.u32 $0xF7A, s1;
	s8 =	simm.s32 @!p0 $0x1BF5;
	p2 =	por !p2, p0  }
0x20: {  	[sflag:s8] =	ssyncset.s32 @!p0 $0xFFFFF086;
	s6 =	sadd.s32 @!p0 s3, s7;
	s7 =	simm.s32 @!p0 $0x108  }
0x21: {  	s3 =	sadd.s32 s3, s9;
	s6 =	sadd.s32 @!p0 $0x88, s6;
	s7 =	simm.s32 @p2 $0x1082  }
0x22: {  	[simem:s7], [sflag:s8] =	dma.local @!p0 [hbm:s6], $0xF7A  }
0x23: {  	s9 =	sor.u32 $0xD0000000, s2;
	s6 =	simm.s32 $0x108;
	_ =	swait.ge @!p0 [sflag:s8], $0x0  }
0x24: {  	s3 =	sadd.s32 $0x88, s3;
	s6 =	simm.s32 @!p1 $0x1082;
	[sflag:s4] =	ssyncset.s32 $0xFFFFF086  }
0x25: {  	[simem:s6], [sflag:s4] =	dma.local [hbm:s3], $0xF7A  }
0x26: {  	[smem:$0x3F9E] =	sst s1;
	(tag) =	ssettag s2;
	_ =	strace s9  }
0x27: {  	s1 =	sld [smem:$0x3FAE]  }
0x28: {  	s2 =	sld [smem:$0x3FAF]  }
0x29: {  	s4 =	sld [smem:$0x3FB1]  }
0x2a: {  	p0 =	seq.s32 s5, $0x0;
	s5 =	sld [smem:$0x3FB2]  }
0x2b: {  	s6 =	sld [smem:$0x3FB3]  }
0x2c: {  	s7 =	sld [smem:$0x3FB4]  }
0x2d: {  	s3 =	simm.s32 $0x108;
	s8 =	sld [smem:$0x3FB5]  }
0x2e: {  	s3 =	simm.s32 @!p0 $0x1082;
	s9 =	sld [smem:$0x3FB6]  }
0x2f: {  	lr =	sadd.s32 s0, s3;
	s0 =	sld [smem:$0x3FAD]  }
0x30: {  	s3 =	sld [smem:$0x3FB0]  }
0x31: {  	[smem:$0x3FB9] =	sst s10  }
0x32: {  	s10 =	sld [smem:$0x3FB7];
	_ =	sdelay $0x3  }
0x33: {  	p0 =	seq.s32 s10, $0x1;
	s10 =	sld [smem:$0x3FB9];
	_ =	sdelay $0x3  }
0x34: {  	[smem:$0x3FB9] =	sst s10  }
0x35: {  	s10 =	sld [smem:$0x3FB8];
	_ =	sdelay $0x3  }
0x36: {  	p1 =	seq.s32 s10, $0x1;
	s10 =	sld [smem:$0x3FB9];
	_ =	sdelay $0x3  }
0x37: {  	[smem:$0x3FB9] =	sst s10  }
0x38: {  	s10 =	sld [smem:$0x3FBA]  }
0x39: {  	_ = 	snop;
	(pc) =	sbr.ind lr, $3  }
0x3a: {  	_ = 	snop  }
0x3b: {  	_ = 	snop  }
0x3c: {  	p2 =	seq.s32 s10, $0x1;
	s10 =	sld [smem:$0x3FB9]  }
0x3d: {  	_ =	shalt  }
0x3e: {  	_ =	shalt  }
0x3f: {  	_ =	shalt  }
0x40: {  	_ =	shalt  }
0x41: {  	_ =	shalt  }
0x42: {  	_ =	shalt  }
0x43: {  	_ =	shalt  }
0x44: {  	_ =	shalt  }
0x45: {  	_ =	shalt  }
0x46: {  	_ =	shalt  }
0x47: {  	_ =	shalt  }
0x48: {  	_ =	shalt  }
0x49: {  	_ =	shalt  }
0x4a: {  	_ =	shalt  }
0x4b: {  	_ =	shalt  }
0x4c: {  	_ =	shalt  }
0x4d: {  	_ =	shalt  }
0x4e: {  	_ =	shalt  }
0x4f: {  	_ =	shalt  }
0x50: {  	_ =	shalt  }
0x51: {  	_ =	shalt  }
0x52: {  	_ =	shalt  }
0x53: {  	_ =	shalt  }
0x54: {  	_ =	shalt  }
0x55: {  	_ =	shalt  }
0x56: {  	_ =	shalt  }
0x57: {  	_ =	shalt  }
0x58: {  	_ =	shalt  }
0x59: {  	_ =	shalt  }
0x5a: {  	_ =	shalt  }
0x5b: {  	_ =	shalt  }
0x5c: {  	_ =	shalt  }
0x5d: {  	_ =	shalt  }
0x5e: {  	_ =	shalt  }
0x5f: {  	_ =	shalt  }
0x60: {  	_ =	shalt  }
0x61: {  	_ =	shalt  }
0x62: {  	_ =	shalt  }
0x63: {  	_ =	shalt  }
0x64: {  	_ =	shalt  }
0x65: {  	_ =	shalt  }
0x66: {  	_ =	shalt  }
0x67: {  	_ =	shalt  }
0x68: {  	_ =	shalt  }
0x69: {  	_ =	shalt  }
0x6a: {  	_ =	shalt  }
0x6b: {  	_ =	shalt  }
0x6c: {  	_ =	shalt  }
0x6d: {  	_ =	shalt  }
0x6e: {  	_ =	shalt  }
0x6f: {  	_ =	shalt  }
0x70: {  	_ =	shalt  }
0x71: {  	_ =	shalt  }
0x72: {  	_ =	shalt  }
0x73: {  	_ =	shalt  }
0x74: {  	_ =	shalt  }
0x75: {  	_ =	shalt  }
0x76: {  	_ =	shalt  }
0x77: {  	_ =	shalt  }
0x78: {  	_ =	shalt  }
0x79: {  	_ =	shalt  }
0x7a: {  	_ =	shalt  }
0x7b: {  	_ =	shalt  }
0x7c: {  	_ =	shalt  }
0x7d: {  	_ =	shalt  }
0x7e: {  	_ =	shalt  }
0x7f: {  	_ =	shalt  }
0x80: {  	_ =	shalt  }
0x81: {  	_ =	shalt  }
0x82: {  	_ =	shalt  }
0x83: {  	_ =	shalt  }
0x84: {  	_ =	shalt  }
0x85: {  	_ =	shalt  }
0x86: {  	_ =	shalt  }
0x87: {  	_ =	shalt  }
.Lfunc_end0:
.L_simem_size_0:
called_computation_lowered:
.L_overlay_start_0:
0x88: {  	s2 =	sld [smem:$0x3FD9]  }
0x89: {  	s3 =	sld [smem:$0x3FFE];
	_ =	sdelay $0x1  }
0x8a: {  	s1 =	srdreg.scid  }
0x8b: {  	s0 =	sand.u32 $0x1, s1  }
0x8c: {  	s17 =	sshll.u32 s0, $0xA;
	s2 =	sadd.s32 s3, s2  }
0x8d: {  	s2 =	sadd.s32 s2, s17  }
0x8e: {  	[smem:$0x3FC5] =	sst s2  }
0x8f: {  	_ = 	snop  }
0x90: {  	s2 =	sld [smem:$0x3FC9]  }
0x91: {  	s18 =	sld [smem:$0x3FD0];
	(tm) =	ssettm $0x1  }
0x92: {  	s4 =	sld [smem:$0x3FFB];
	_ =	sdelay $0x3  }
0x93: {  	_ =	strace s4  }
0x94: {  	s4 =	sld [smem:$0x3FFC];
	_ =	sdelay $0x3  }
0x95: {  	_ =	strace s4  }
0x96: {  	s4 =	sld [smem:$0x3FFD];
	_ =	sdelay $0x3  }
0x97: {  	_ =	strace s4  }
0x98: {  	_ =	strace $0x8FFFFFFF  }
0x99: {  	s19 =	sld [smem:$0x3FDB];
	_ =	sdelay $0x1  }
0x9a: {  	s5 =	simm.s32 $_scs_section_size  }
0x9b: {  	s6 =	simm.s32 $_size__tile_overlayer_lowered;
	s7 =	simm.s32 $_tile_overlayer_lowered  }
0x9c: {  	s22 =	simm.s32 $0x1BFF;
	s21 =	sshll.u32 s7, $0x1;
	s4 =	sadd.s32 s5, s19  }
0x9d: {  	s8 =	simm.s32 $0x0;
	s20 =	sshll.u32 s6, $0x1;
	s6 =	sadd.s32 s21, s4  }
0x9e: {  	[timem:s8], [sflag:s22] =	dma.local [hbm:s6], s20  }
0x9f: {  	_ =	swait.ge [sflag:s22], s20  }
0xa0: {  	s5 =	ssub.s32 $0x0, s20;
	[sflag:s22] =	ssyncset.done $0x0  }
0xa1: {  	[sflag:s22] =	ssyncadd.s32 s5;
	_ =	sdelay $0x1  }
0xa2: {  	s23 =	simm.s32 $0x1B8B  }
0xa3: {  	_ =	swait.ge [sflag:s23], $0x1  }
0xa4: {  	[sflag:s23] =	ssyncset.done $0x0  }
0xa5: {  	s25 =	simm.s32 $0x1B8E;
	s24 =	sld [smem:$0x3FFE];
	[sflag:s23] =	ssyncadd.s32 $0xFFFFFFFF  }
0xa6: {  	s26 =	simm.s32 $execute0_lowered;
	[smem:$0x3FD2] =	sst s25  }
0xa7: {  	s6 =	sshll.u32 s26, $0x1;
	_ =	strace $0x80000046;
	[dreg:$0x1] =	wrdreg $0xFFFFFFFF  }
0xa8: {  	s28 =	simm.s32 $_size_execute0_lowered;
	s4 =	sadd.s32 s4, s6;
	[dreg:$0x0] =	wrdreg $0x0  }
0xa9: {  	s6 =	sshll.u32 s28, $0x1;
	[dreg:$0x2] =	wrdreg s4  }
0xaa: {  	[dreg:$0x3] =	wrdreg s6  }
0xab: {  	[dreg:$0x4] =	wrdreg $0xC0  }
0xac: {  	_ =	task [dreg:s8], $0x5FFFF  }
0xad: {  	[dreg:$0x1] =	wrdreg $0xFFFFFFFF  }
0xae: {  	[dreg:$0x0] =	wrdreg $0x60  }
0xaf: {  	[dreg:$0x2] =	wrdreg s2  }
0xb0: {  	[dreg:$0x3] =	wrdreg s24  }
0xb1: {  	[dreg:$0x4] =	wrdreg s18  }
0xb2: {  	[dreg:$0x5] =	wrdreg $0x9  }
0xb3: {  	_ =	task.clear_ibuf [dreg:s8], $0x6FFFF;
	_ =	strace $0x90000046  }
0xb4: {  	s29 =	simm.s32 $0x9;
	_ =	strace $0x80000048  }
0xb5: {  	_ =	swait.ge [sflag:s29], $0x1  }
0xb6: {  	[sflag:s29] =	ssyncadd.s32 $0xFFFFFFFF  }
0xb7: {  	_ =	strace $0x90000048  }
0xb8: {  	_ =	sfence  }
0xb9: {  	s30 =	sld [smem:$0x0];
	_ =	sdelay $0x2  }
0xba: {  	s31 =	sshll.u32 s1, $0xD;
	s1 =	sshrl.u32 s1, $0x2  }
0xbb: {  	s3 =	sand.u32 $0x4000, s31;
	s1 =	sadd.s32 s1, s30  }
0xbc: {  	s0 =	sor.u32 s3, s0;
	s1 =	sshll.u32 s1, $0x11  }
0xbd: {  	s0 =	sor.u32 s1, s0  }
0xbe: {  	s0 =	sadd.s32 $0x8F2B, s0  }
0xbf: {  	[sflag:s0] =	ssyncadd.remote.s32 $0x1  }
0xc0: {  	_ =	sfence.sel $0xFFFF  }
0xc1: {  	[dreg:$0x0] =	wrdreg $0xFFFFFFFF;
	(pc) =	sbr.abs _section_cstart, $3  }
0xc2: {  	[dreg:$0x1] =	wrdreg $0xFFFFFFFF  }
0xc3: {  	_ =	task.clear_ibuf [dreg:s8], $0x2FFFF;
	_ =	strace $0x9FFFFFFF  }
0xc4: {  	(tm) =	ssettm $0x7FFFFFFF  }
0xc5: {  	_ =	shalt  }
tec
execute0_lowered:
.L_overlay_start_1:
0x0: {  	(tag) =	ssettag $0x1  }
0x1: {  	s3 =	rddreg [dreg:$0x0]  }
0x2: {  	s0 =	srdreg.scid;
	s4 =	stileid.u32  }
0x3: {  	s1 =	rddreg [dreg:$0x1];
	s0 =	sand.u32 $0x1, s0;
	s4 =	sshll.u32 s4, $0x1  }
0x4: {  	s2 =	rddreg [dreg:$0x2];
	s7 =	simm.s32 $0x0;
	s4 =	sor.u32 s0, s4  }
0x5: {  	[smem:$0x7FF] =	sst s7;
	s6 =	sadd.s32 $0x27ACA00, s1;
	s5 =	sshll.u32 s4, $0xA  }
0x6: {  	_ =	strace $0x80000047;
	s8 =	sshll.u32 s4, $0x6;
	s5 =	sadd.s32 s5, s1  }
0x7: {  	[dreg:$0x4] =	wrdreg s6;
	s13 =	sadd.s32 s3, s8;
	s5 =	sadd.s32 $0x600, s5  }
0x8: {  	s3 =	sadd.s32 $0x800, s13;
	[dreg:$0x5] =	wrdreg s5  }
0x9: {  	s28 =	sadd.s32 $0x1000, s13;
	[dreg:$0x6] =	wrdreg s3  }
0xa: {  	s30 =	sadd.s32 $0x1800, s13;
	[dreg:$0x7] =	wrdreg s28  }
0xb: {  	s31 =	sadd.s32 $0x2000, s13;
	[dreg:$0x8] =	wrdreg s30  }
0xc: {  	s6 =	sadd.s32 $0x3000, s13;
	[dreg:$0x9] =	wrdreg s31  }
0xd: {  	s8 =	sadd.s32 $0x3800, s13;
	[dreg:$0xb] =	wrdreg s6  }
0xe: {  	s9 =	sadd.s32 $0x4000, s13;
	[dreg:$0xc] =	wrdreg s8  }
0xf: {  	s10 =	sadd.s32 $0x4800, s13;
	[dreg:$0xd] =	wrdreg s9  }
0x10: {  	s11 =	sadd.s32 $0x5000, s13;
	[dreg:$0xe] =	wrdreg s10  }
0x11: {  	s12 =	sadd.s32 $0x5800, s13;
	[dreg:$0xf] =	wrdreg s11  }
0x12: {  	s14 =	sadd.s32 $0x6000, s13;
	[dreg:$0x10] =	wrdreg s12  }
0x13: {  	s15 =	sadd.s32 $0x6800, s13;
	[dreg:$0x11] =	wrdreg s14  }
0x14: {  	s16 =	sadd.s32 $0x7000, s13;
	[dreg:$0x12] =	wrdreg s15  }
0x15: {  	s17 =	sadd.s32 $0x7800, s13;
	[dreg:$0x13] =	wrdreg s16  }
0x16: {  	s18 =	sadd.s32 $0x8000, s13;
	[dreg:$0x14] =	wrdreg s17  }
0x17: {  	s19 =	sadd.s32 $0x8800, s13;
	[dreg:$0x15] =	wrdreg s18  }
0x18: {  	s20 =	sadd.s32 $0x9000, s13;
	[dreg:$0x16] =	wrdreg s19  }
0x19: {  	s21 =	sadd.s32 $0x9800, s13;
	[dreg:$0x17] =	wrdreg s20  }
0x1a: {  	s22 =	sadd.s32 $0xA000, s13;
	[dreg:$0x18] =	wrdreg s21  }
0x1b: {  	s23 =	sadd.s32 $0xA800, s13;
	[dreg:$0x19] =	wrdreg s22  }
0x1c: {  	s24 =	sadd.s32 $0xB000, s13;
	[dreg:$0x1a] =	wrdreg s23  }
0x1d: {  	s4 =	smul.u32 $0x6C00, s4;
	s25 =	sadd.s32 $0xB800, s13;
	[dreg:$0x1b] =	wrdreg s24  }
0x1e: {  	s26 =	sadd.s32 $0xC000, s13;
	[dreg:$0x1c] =	wrdreg s25  }
0x1f: {  	s4 =	sadd.s32 s2, s4;
	[dreg:$0x1d] =	wrdreg s26  }
0x20: {  	s5 =	sadd.s32 $0x2800, s13;
	[smem:$0x7FC] =	sst s4  }
0x21: {  	s28 =	sadd.s32 $0xC800, s13;
	[dreg:$0xa] =	wrdreg s5  }
0x22: {  	s2 =	sadd.s32 $0x34, s4;
	[dreg:$0x1e] =	wrdreg s28  }
0x23: {  	s30 =	sadd.s32 $0x27DD740, s1;
	[dreg:$0x1f] =	wrdreg s2  }
0x24: {  	s31 =	sadd.s32 $0x280E480, s1;
	[smem:$0x7CB] =	sst s30  }
0x25: {  	s3 =	sadd.s32 $0x283F1C0, s1;
	[smem:$0x7CC] =	sst s31  }
0x26: {  	s6 =	sadd.s32 $0x28A0C40, s1;
	[smem:$0x7CD] =	sst s3  }
0x27: {  	s8 =	sadd.s32 $0x28D1980, s1;
	[smem:$0x7CF] =	sst s6  }
0x28: {  	s9 =	sadd.s32 $0x29026C0, s1;
	[smem:$0x7D0] =	sst s8  }
0x29: {  	s10 =	sadd.s32 $0x2933400, s1;
	[smem:$0x7D1] =	sst s9  }
0x2a: {  	s11 =	sadd.s32 $0x2964140, s1;
	[smem:$0x7D2] =	sst s10  }
0x2b: {  	s12 =	sadd.s32 $0x2994E80, s1;
	[smem:$0x7D3] =	sst s11  }
0x2c: {  	s14 =	sadd.s32 $0x29C5BC0, s1;
	[smem:$0x7D4] =	sst s12  }
0x2d: {  	s15 =	sadd.s32 $0x29F6900, s1;
	[smem:$0x7D5] =	sst s14  }
0x2e: {  	s16 =	sadd.s32 $0x2A27640, s1;
	[smem:$0x7D6] =	sst s15  }
0x2f: {  	s17 =	sadd.s32 $0x2, s4;
	[smem:$0x7D7] =	sst s16  }
0x30: {  	s18 =	sadd.s32 $0x2A58380, s1;
	[smem:$0x7D8] =	sst s17  }
0x31: {  	s19 =	sadd.s32 $0x4, s4;
	[smem:$0x7D9] =	sst s18  }
0x32: {  	s20 =	sadd.s32 $0x2A890C0, s1;
	[smem:$0x7DA] =	sst s19  }
0x33: {  	s21 =	sadd.s32 $0x6, s4;
	[smem:$0x7DB] =	sst s20  }
0x34: {  	s22 =	sadd.s32 $0x2AB9E00, s1;
	[smem:$0x7DC] =	sst s21  }
0x35: {  	s23 =	sadd.s32 $0x8, s4;
	[smem:$0x7DD] =	sst s22  }
0x36: {  	s24 =	sadd.s32 $0x2AEAB40, s1;
	[smem:$0x7DE] =	sst s23  }
0x37: {  	s25 =	sadd.s32 $0xA, s4;
	[smem:$0x7DF] =	sst s24  }
0x38: {  	s26 =	sadd.s32 $0x2B1B880, s1;
	[smem:$0x7E0] =	sst s25  }
0x39: {  	s5 =	sadd.s32 $0x286FF00, s1;
	[smem:$0x7E1] =	sst s26  }
0x3a: {  	s28 =	sadd.s32 $0xC, s4;
	[smem:$0x7CE] =	sst s5  }
0x3b: {  	s30 =	sadd.s32 $0x2B4C5C0, s1;
	[smem:$0x7E2] =	sst s28  }
0x3c: {  	s31 =	sadd.s32 $0xE, s4;
	[smem:$0x7E3] =	sst s30  }
0x3d: {  	s3 =	sadd.s32 $0x2B7D300, s1;
	[smem:$0x7E4] =	sst s31  }
0x3e: {  	s6 =	sadd.s32 $0x2BAE040, s1;
	[smem:$0x7E5] =	sst s3  }
0x3f: {  	s8 =	sadd.s32 $0x12, s4;
	[smem:$0x7E7] =	sst s6  }
0x40: {  	s9 =	sadd.s32 $0x2BDED80, s1;
	[smem:$0x7E8] =	sst s8  }
0x41: {  	s10 =	sadd.s32 $0x14, s4;
	[smem:$0x7E9] =	sst s9  }
0x42: {  	s11 =	sadd.s32 $0x2C0FAC0, s1;
	[smem:$0x7EA] =	sst s10  }
0x43: {  	s12 =	sadd.s32 $0x16, s4;
	[smem:$0x7EB] =	sst s11  }
0x44: {  	s14 =	sadd.s32 $0x2C40800, s1;
	[smem:$0x7EC] =	sst s12  }
0x45: {  	s15 =	sadd.s32 $0x18, s4;
	[smem:$0x7ED] =	sst s14  }
0x46: {  	s1 =	sadd.s32 $0x2C71540, s1;
	[smem:$0x7EE] =	sst s15  }
0x47: {  	s16 =	sadd.s32 $0x1A, s4;
	[smem:$0x7EF] =	sst s1  }
0x48: {  	s17 =	sadd.s32 $0x1C, s4;
	[smem:$0x7F0] =	sst s16  }
0x49: {  	s18 =	sadd.s32 $0x1E, s4;
	[smem:$0x7F1] =	sst s17  }
0x4a: {  	s19 =	sadd.s32 $0x20, s4;
	[smem:$0x7F2] =	sst s18  }
0x4b: {  	s20 =	sadd.s32 $0x22, s4;
	[smem:$0x7F3] =	sst s19  }
0x4c: {  	p0 =	por $0x0, $0x0;
	s21 =	sadd.s32 $0x24, s4;
	[smem:$0x7F4] =	sst s20  }
0x4d: {  	s29 =	simm.s32 $0x2;
	s22 =	sadd.s32 $0x26, s4;
	[smem:$0x7F5] =	sst s21  }
0x4e: {  	s0 =	ssub.s32 $0x2, s0;
	s23 =	sadd.s32 $0x28, s4;
	[smem:$0x7F6] =	sst s22  }
0x4f: {  	s24 =	sadd.s32 $0x2A, s4;
	s25 =	sadd.s32 $0x2C, s4;
	[smem:$0x7F7] =	sst s23  }
0x50: {  	s26 =	sadd.s32 $0x2E, s4;
	s2 =	simm.s32 $0x3000;
	[smem:$0x7F8] =	sst s24  }
0x51: {  	s5 =	sadd.s32 $0x10, s4;
	[smem:$0x7F9] =	sst s25;
	s28 =	sshrl.u32 s0, $0x1  }
0x52: {  	[smem:$0x7FA] =	sst s26;
	s30 =	sadd.s32 $0x30, s4;
	s31 =	sadd.s32 $0x32, s4  }
0x53: {  	s16 =	simm.s32 $0x200;
	s24 =	simm.s32 $0x1;
	s26 =	simm.s32 $0x3  }
0x54: {  	s23 =	simm.s32 $0x4;
	s21 =	simm.s32 $0x5;
	s0 =	ssub.s32 s0, s28  }
0x55: {  	s19 =	simm.s32 $0x6;
	s17 =	simm.s32 $0x7;
	s0 =	smax.u32 s0, $0x1  }
0x56: {  	s14 =	simm.s32 $0x8;
	s12 =	simm.s32 $0x9;
	p1 =	sne.s32 s0, $0x1  }
.Ltmp0:
0x57: {  	s10 =	simm.s32 $0xA;
	s9 =	simm.s32 $0xB;
	(pc) =	sbr.rel @!p1 .LBB2_1-.Ltmp0, $4  }
0x58: {  	s8 =	simm.s32 $0xC;
	s11 =	simm.s32 $0xD;
	s15 =	rddreg [dreg:$0x5]  }
0x59: {  	s6 =	simm.s32 $0x1B0;
	s22 =	simm.s32 $0x5400;
	[smem:$0x7E6] =	sst s5  }
0x5a: {  	s18 =	simm.s32 $0x7400;
	s3 =	simm.s32 $0xE;
	[smem:$0x7FB] =	sst s30  }
0x5b: {  	[smem:$0x7FD] =	sst s31;
	s5 =	simm.s32 $0x10;
	s0 =	sadd.s32 $0xFFFFFFFF, s0  }
0x5c: {  	s4 =	simm.s32 $0x1D400;
	s25 =	rddreg [dreg:$0x6]  }
0x5d: {  	[tilespmem:s4], [sflag:$0xF] =	stream.linear.gather [hbm4b:s15+s7], $0x2000, $0x38;
	[tilespmem:$0x1F400] =	vst v63  }
0x5e: {  	[smem:$0x7C9] =	sst s13  }
0x5f: {  	[tilespmem:s7], [sflag:$0x1] =	stream.linear.gather [hbm4b:s13+s7], $0x200, $0x38;
	[tilespmem:$0x1F400] =	vst v63  }
0x60: {  	s26 =	rddreg [dreg:$0x7]  }
0x61: {  	[tilespmem:s16], [sflag:$0x2] =	stream.linear.gather [hbm4b:s25+s7], $0x200, $0x38;
	[tilespmem:$0x1F400] =	vst v63  }
0x62: {  	s28 =	rddreg [dreg:$0x8];
	s11 =	simm.s32 $0x400  }
0x63: {  	[tilespmem:s11], [sflag:$0x3] =	stream.linear.gather [hbm4b:s26+s7], $0x200, $0x38;
	[tilespmem:$0x1F400] =	vst v63  }
0x64: {  	s30 =	rddreg [dreg:$0x9];
	s1 =	simm.s32 $0x600  }
0x65: {  	[tilespmem:s1], [sflag:$0x4] =	stream.linear.gather [hbm4b:s28+s7], $0x200, $0x38;
	[tilespmem:$0x1F400] =	vst v63  }
0x66: {  	s24 =	rddreg [dreg:$0xa];
	s20 =	simm.s32 $0x800  }
0x67: {  	[tilespmem:s20], [sflag:$0x5] =	stream.linear.gather [hbm4b:s30+s7], $0x200, $0x38;
	[tilespmem:$0x1F400] =	vst v63  }
0x68: {  	[smem:$0x7CA] =	sst s0;
	s20 =	simm.s32 $0xA00  }
0x69: {  	[tilespmem:s20], [sflag:$0x6] =	stream.linear.gather [hbm4b:s24+s7], $0x200, $0x38;
	[tilespmem:$0x1F400] =	vst v63  }
0x6a: {  	s25 =	rddreg [dreg:$0xb];
	s24 =	simm.s32 $0xC00  }
0x6b: {  	[tilespmem:s24], [sflag:$0x7] =	stream.linear.gather [hbm4b:s25+s7], $0x200, $0x38;
	[tilespmem:$0x1F400] =	vst v63  }
0x6c: {  	s30 =	rddreg [dreg:$0xc];
	s25 =	simm.s32 $0xE00  }
0x6d: {  	[tilespmem:s25], [sflag:$0x8] =	stream.linear.gather [hbm4b:s30+s7], $0x200, $0x38;
	[tilespmem:$0x1F400] =	vst v63  }
0x6e: {  	s24 =	rddreg [dreg:$0xd];
	s30 =	simm.s32 $0x1000  }
0x6f: {  	[tilespmem:s30], [sflag:$0x9] =	stream.linear.gather [hbm4b:s24+s7], $0x200, $0x38;
	[tilespmem:$0x1F400] =	vst v63  }
0x70: {  	s15 =	rddreg [dreg:$0xe];
	s24 =	simm.s32 $0x1200  }
0x71: {  	[tilespmem:s24], [sflag:$0xA] =	stream.linear.gather [hbm4b:s15+s7], $0x200, $0x38;
	[tilespmem:$0x1F400] =	vst v63  }
0x72: {  	s13 =	rddreg [dreg:$0xf];
	s24 =	simm.s32 $0x1400  }
0x73: {  	[tilespmem:s24], [sflag:$0xB] =	stream.linear.gather [hbm4b:s13+s7], $0x200, $0x38;
	[tilespmem:$0x1F400] =	vst v63  }
0x74: {  	s15 =	rddreg [dreg:$0x10];
	s24 =	simm.s32 $0x1600  }
0x75: {  	[tilespmem:s24], [sflag:$0xC] =	stream.linear.gather [hbm4b:s15+s7], $0x200, $0x38;
	[tilespmem:$0x1F400] =	vst v63  }
0x76: {  	s13 =	rddreg [dreg:$0x11];
	s24 =	simm.s32 $0x1800  }
0x77: {  	[tilespmem:s24], [sflag:$0xD] =	stream.linear.gather [hbm4b:s13+s7], $0x200, $0x38;
	[tilespmem:$0x1F400] =	vst v63  }
0x78: {  	s15 =	rddreg [dreg:$0x12];
	s24 =	simm.s32 $0x1A00  }
0x79: {  	[tilespmem:s24], [sflag:$0x1] =	stream.linear.gather [hbm4b:s15+s7], $0x200, $0x38;
	[tilespmem:$0x1F400] =	vst v63  }
0x7a: {  	s13 =	rddreg [dreg:$0x13];
	s24 =	simm.s32 $0x1C00  }
0x7b: {  	[tilespmem:s24], [sflag:$0x2] =	stream.linear.gather [hbm4b:s13+s7], $0x200, $0x38;
	[tilespmem:$0x1F400] =	vst v63  }
0x7c: {  	s15 =	rddreg [dreg:$0x14];
	s24 =	simm.s32 $0x1E00  }
0x7d: {  	[tilespmem:s24], [sflag:$0x3] =	stream.linear.gather [hbm4b:s15+s7], $0x200, $0x38;
	[tilespmem:$0x1F400] =	vst v63  }
0x7e: {  	s13 =	rddreg [dreg:$0x15];
	s24 =	simm.s32 $0x2000  }
0x7f: {  	[tilespmem:s24], [sflag:$0x4] =	stream.linear.gather [hbm4b:s13+s7], $0x200, $0x38;
	[tilespmem:$0x1F400] =	vst v63  }
0x80: {  	s15 =	rddreg [dreg:$0x16];
	s24 =	simm.s32 $0x2200  }
0x81: {  	[tilespmem:s24], [sflag:$0x5] =	stream.linear.gather [hbm4b:s15+s7], $0x200, $0x38;
	[tilespmem:$0x1F400] =	vst v63  }
0x82: {  	s13 =	rddreg [dreg:$0x17];
	s24 =	simm.s32 $0x2400  }
0x83: {  	[tilespmem:s24], [sflag:$0x6] =	stream.linear.gather [hbm4b:s13+s7], $0x200, $0x38;
	[tilespmem:$0x1F400] =	vst v63  }
0x84: {  	s15 =	rddreg [dreg:$0x18];
	s24 =	simm.s32 $0x2600  }
0x85: {  	[tilespmem:s24], [sflag:$0x7] =	stream.linear.gather [hbm4b:s15+s7], $0x200, $0x38;
	[tilespmem:$0x1F400] =	vst v63  }
0x86: {  	s13 =	rddreg [dreg:$0x19];
	s24 =	simm.s32 $0x2800  }
0x87: {  	[tilespmem:s24], [sflag:$0x8] =	stream.linear.gather [hbm4b:s13+s7], $0x200, $0x38;
	[tilespmem:$0x1F400] =	vst v63  }
0x88: {  	s15 =	rddreg [dreg:$0x1a];
	s24 =	simm.s32 $0x2A00  }
0x89: {  	[tilespmem:s24], [sflag:$0x9] =	stream.linear.gather [hbm4b:s15+s7], $0x200, $0x38;
	[tilespmem:$0x1F400] =	vst v63  }
0x8a: {  	s13 =	rddreg [dreg:$0x1b];
	s24 =	simm.s32 $0x2C00  }
0x8b: {  	[tilespmem:s24], [sflag:$0xA] =	stream.linear.gather [hbm4b:s13+s7], $0x200, $0x38;
	[tilespmem:$0x1F400] =	vst v63  }
0x8c: {  	s15 =	rddreg [dreg:$0x1c];
	s24 =	simm.s32 $0x2E00  }
0x8d: {  	[tilespmem:s24], [sflag:$0xB] =	stream.linear.gather [hbm4b:s15+s7], $0x200, $0x38;
	[tilespmem:$0x1F400] =	vst v63  }
0x8e: {  	s13 =	rddreg [dreg:$0x1d]  }
0x8f: {  	[tilespmem:s2], [sflag:$0xC] =	stream.linear.gather [hbm4b:s13+s7], $0x200, $0x38;
	[tilespmem:$0x1F400] =	vst v63  }
0x90: {  	s28 =	simm.s32 $0x1;
	s15 =	rddreg [dreg:$0x1e];
	s24 =	simm.s32 $0x3200  }
0x91: {  	[tilespmem:s24], [sflag:$0xD] =	stream.linear.gather [hbm4b:s15+s7], $0x200, $0x38;
	[tilespmem:$0x1F400] =	vst v63  }
0x92: {  	_ =	swait.ge [sflag:s28], $0x200  }
0x93: {  	[sflag:s28] =	ssyncset.done $0x0  }
0x94: {  	s31 =	simm.s32 $0x2;
	[sflag:s28] =	ssyncadd.s32 $0xFFFFFE00  }
0x95: {  	_ =	swait.ge [sflag:s31], $0x200  }
0x96: {  	[sflag:s31] =	ssyncset.done $0x0  }
0x97: {  	s29 =	simm.s32 $0x3;
	[sflag:s31] =	ssyncadd.s32 $0xFFFFFE00  }
0x98: {  	_ =	swait.ge [sflag:s29], $0x200  }
0x99: {  	[sflag:s29] =	ssyncset.done $0x0  }
0x9a: {  	s26 =	simm.s32 $0x4;
	[sflag:s29] =	ssyncadd.s32 $0xFFFFFE00  }
0x9b: {  	_ =	swait.ge [sflag:s26], $0x200  }
0x9c: {  	[sflag:s26] =	ssyncset.done $0x0  }
0x9d: {  	s23 =	simm.s32 $0x5;
	[sflag:s26] =	ssyncadd.s32 $0xFFFFFE00  }
0x9e: {  	_ =	swait.ge [sflag:s23], $0x200  }
0x9f: {  	[sflag:s23] =	ssyncset.done $0x0  }
0xa0: {  	s21 =	simm.s32 $0x6;
	[sflag:s23] =	ssyncadd.s32 $0xFFFFFE00  }
0xa1: {  	_ =	swait.ge [sflag:s21], $0x200  }
0xa2: {  	[sflag:s21] =	ssyncset.done $0x0  }
0xa3: {  	s19 =	simm.s32 $0x7;
	[sflag:s21] =	ssyncadd.s32 $0xFFFFFE00  }
0xa4: {  	_ =	swait.ge [sflag:s19], $0x200  }
0xa5: {  	[sflag:s19] =	ssyncset.done $0x0  }
0xa6: {  	s17 =	simm.s32 $0x8;
	[sflag:s19] =	ssyncadd.s32 $0xFFFFFE00  }
0xa7: {  	_ =	swait.ge [sflag:s17], $0x200  }
0xa8: {  	[sflag:s17] =	ssyncset.done $0x0  }
0xa9: {  	s14 =	simm.s32 $0x9;
	[sflag:s17] =	ssyncadd.s32 $0xFFFFFE00  }
0xaa: {  	_ =	swait.ge [sflag:s14], $0x200  }
0xab: {  	[sflag:s14] =	ssyncset.done $0x0  }
0xac: {  	s12 =	simm.s32 $0xA;
	[sflag:s14] =	ssyncadd.s32 $0xFFFFFE00  }
0xad: {  	_ =	swait.ge [sflag:s12], $0x200  }
0xae: {  	[sflag:s12] =	ssyncset.done $0x0  }
0xaf: {  	s10 =	simm.s32 $0xB;
	[sflag:s12] =	ssyncadd.s32 $0xFFFFFE00  }
0xb0: {  	_ =	swait.ge [sflag:s10], $0x200  }
0xb1: {  	[sflag:s10] =	ssyncset.done $0x0  }
0xb2: {  	s9 =	simm.s32 $0xC;
	[sflag:s10] =	ssyncadd.s32 $0xFFFFFE00  }
0xb3: {  	_ =	swait.ge [sflag:s9], $0x200  }
0xb4: {  	[sflag:s9] =	ssyncset.done $0x0  }
0xb5: {  	s8 =	simm.s32 $0xD;
	[sflag:s9] =	ssyncadd.s32 $0xFFFFFE00  }
0xb6: {  	_ =	swait.ge [sflag:s8], $0x200  }
0xb7: {  	[sflag:s8] =	ssyncset.done $0x0  }
0xb8: {  	[sflag:s8] =	ssyncadd.s32 $0xFFFFFE00  }
0xb9: {  	_ =	swait.ge [sflag:s28], $0x200  }
0xba: {  	[sflag:s28] =	ssyncset.done $0x0  }
0xbb: {  	[sflag:s28] =	ssyncadd.s32 $0xFFFFFE00  }
0xbc: {  	_ =	swait.ge [sflag:s31], $0x200  }
0xbd: {  	[sflag:s31] =	ssyncset.done $0x0  }
0xbe: {  	[sflag:s31] =	ssyncadd.s32 $0xFFFFFE00  }
0xbf: {  	_ =	swait.ge [sflag:s29], $0x200  }
0xc0: {  	[sflag:s29] =	ssyncset.done $0x0  }
0xc1: {  	[sflag:s29] =	ssyncadd.s32 $0xFFFFFE00  }
0xc2: {  	_ =	swait.ge [sflag:s26], $0x200  }
0xc3: {  	[sflag:s26] =	ssyncset.done $0x0  }
0xc4: {  	[sflag:s26] =	ssyncadd.s32 $0xFFFFFE00  }
0xc5: {  	_ =	swait.ge [sflag:s23], $0x200  }
0xc6: {  	[sflag:s23] =	ssyncset.done $0x0  }
0xc7: {  	[sflag:s23] =	ssyncadd.s32 $0xFFFFFE00  }
0xc8: {  	_ =	swait.ge [sflag:s21], $0x200  }
0xc9: {  	[sflag:s21] =	ssyncset.done $0x0  }
0xca: {  	[sflag:s21] =	ssyncadd.s32 $0xFFFFFE00  }
0xcb: {  	_ =	swait.ge [sflag:s19], $0x200  }
0xcc: {  	[sflag:s19] =	ssyncset.done $0x0  }
0xcd: {  	[sflag:s19] =	ssyncadd.s32 $0xFFFFFE00  }
0xce: {  	_ =	swait.ge [sflag:s17], $0x200  }
0xcf: {  	[sflag:s17] =	ssyncset.done $0x0  }
0xd0: {  	[sflag:s17] =	ssyncadd.s32 $0xFFFFFE00  }
0xd1: {  	_ =	swait.ge [sflag:s14], $0x200  }
0xd2: {  	[sflag:s14] =	ssyncset.done $0x0  }
0xd3: {  	[sflag:s14] =	ssyncadd.s32 $0xFFFFFE00  }
0xd4: {  	_ =	swait.ge [sflag:s12], $0x200  }
0xd5: {  	[sflag:s12] =	ssyncset.done $0x0  }
0xd6: {  	[sflag:s12] =	ssyncadd.s32 $0xFFFFFE00  }
0xd7: {  	_ =	swait.ge [sflag:s10], $0x200  }
0xd8: {  	[sflag:s10] =	ssyncset.done $0x0  }
0xd9: {  	[sflag:s10] =	ssyncadd.s32 $0xFFFFFE00  }
0xda: {  	_ =	swait.ge [sflag:s9], $0x200  }
0xdb: {  	[sflag:s9] =	ssyncset.done $0x0  }
0xdc: {  	[sflag:s9] =	ssyncadd.s32 $0xFFFFFE00  }
0xdd: {  	_ =	swait.ge [sflag:s8], $0x200  }
0xde: {  	[sflag:s8] =	ssyncset.done $0x0  }
0xdf: {  	s0 =	simm.s32 $0xF;
	[sflag:s8] =	ssyncadd.s32 $0xFFFFFE00  }
0xe0: {  	_ =	swait.ge [sflag:s0], $0x2000  }
0xe1: {  	s28 =	rddreg [dreg:$0x1f];
	[sflag:s0] =	ssyncset.done $0x0  }
0xe2: {  	s31 =	rddreg [dreg:$0x4];
	[sflag:s0] =	ssyncadd.s32 $0xFFFFE000  }
0xe3: {  	[hbm4b:s28+s5] =	stream.strided.scatter [tilespmem:s4], [sflag:$0xF], $0x2000, s6, s5, $0x38;
	[tilespmem:$0x1F400] =	vst v63  }
0xe4: {  	s0 =	sld [smem:$0x7CB];
	s28 =	simm.s32 $0x3400  }
0xe5: {  	[tilespmem:s28], [sflag:$0x1] =	stream.indirect.gather [hbm4b:s31+s16], $0x10, s7, s16, $0xb8;
	[tilespmem:$0x1F400] =	vst v63  }
0xe6: {  	s4 =	sld [smem:$0x7CC]  }
0xe7: {  	[tilespmem:s22], [sflag:$0x2] =	stream.indirect.gather [hbm4b:s0+s16], $0x10, s16, s16, $0xb8;
	[tilespmem:$0x1F400] =	vst v63  }
0xe8: {  	s31 =	sld [smem:$0x7CD]  }
0xe9: {  	[tilespmem:s18], [sflag:$0x3] =	stream.indirect.gather [hbm4b:s4+s16], $0x10, s11, s16, $0xb8;
	[tilespmem:$0x1F400] =	vst v63  }
0xea: {  	s0 =	simm.s32 $0x9400;
	s4 =	sld [smem:$0x7CE]  }
0xeb: {  	[tilespmem:s0], [sflag:$0x4] =	stream.indirect.gather [hbm4b:s31+s16], $0x10, s1, s16, $0xb8;
	[tilespmem:$0x1F400] =	vst v63  }
0xec: {  	s11 =	simm.s32 $0x800;
	s31 =	sld [smem:$0x7CF];
	s1 =	simm.s32 $0xB400  }
0xed: {  	[tilespmem:s1], [sflag:$0x5] =	stream.indirect.gather [hbm4b:s4+s16], $0x10, s11, s16, $0xb8;
	[tilespmem:$0x1F400] =	vst v63  }
0xee: {  	s15 =	sld [smem:$0x7D0];
	s4 =	simm.s32 $0xD400  }
0xef: {  	[tilespmem:s4], [sflag:$0x6] =	stream.indirect.gather [hbm4b:s31+s16], $0x10, s20, s16, $0xb8;
	[tilespmem:$0x1F400] =	vst v63  }
0xf0: {  	s13 =	sld [smem:$0x7D1];
	s20 =	simm.s32 $0xF400;
	s31 =	simm.s32 $0xC00  }
0xf1: {  	[tilespmem:s20], [sflag:$0x7] =	stream.indirect.gather [hbm4b:s15+s16], $0x10, s31, s16, $0xb8;
	[tilespmem:$0x1F400] =	vst v63  }
0xf2: {  	s15 =	sld [smem:$0x7D2];
	s31 =	simm.s32 $0x11400  }
0xf3: {  	[tilespmem:s31], [sflag:$0x8] =	stream.indirect.gather [hbm4b:s13+s16], $0x10, s25, s16, $0xb8;
	[tilespmem:$0x1F400] =	vst v63  }
0xf4: {  	s13 =	sld [smem:$0x7D3];
	s25 =	simm.s32 $0x13400  }
0xf5: {  	[tilespmem:s25], [sflag:$0x9] =	stream.indirect.gather [hbm4b:s15+s16], $0x10, s30, s16, $0xb8;
	[tilespmem:$0x1F400] =	vst v63  }
0xf6: {  	s15 =	sld [smem:$0x7D4];
	s25 =	simm.s32 $0x15400;
	s30 =	simm.s32 $0x1200  }
0xf7: {  	[tilespmem:s25], [sflag:$0xA] =	stream.indirect.gather [hbm4b:s13+s16], $0x10, s30, s16, $0xb8;
	[tilespmem:$0x1F400] =	vst v63  }
0xf8: {  	s13 =	sld [smem:$0x7D5];
	s25 =	simm.s32 $0x17400;
	s30 =	simm.s32 $0x1400  }
0xf9: {  	[tilespmem:s25], [sflag:$0xB] =	stream.indirect.gather [hbm4b:s15+s16], $0x10, s30, s16, $0xb8;
	[tilespmem:$0x1F400] =	vst v63  }
0xfa: {  	s15 =	sld [smem:$0x7D6];
	s25 =	simm.s32 $0x19400;
	s30 =	simm.s32 $0x1600  }
0xfb: {  	[tilespmem:s25], [sflag:$0xC] =	stream.indirect.gather [hbm4b:s13+s16], $0x10, s30, s16, $0xb8;
	[tilespmem:$0x1F400] =	vst v63  }
0xfc: {  	s24 =	simm.s32 $0x1;
	s25 =	simm.s32 $0x1B400;
	s30 =	simm.s32 $0x1800  }
0xfd: {  	[tilespmem:s25], [sflag:$0xD] =	stream.indirect.gather [hbm4b:s15+s16], $0x10, s30, s16, $0xb8;
	[tilespmem:$0x1F400] =	vst v63  }
0xfe: {  	_ =	swait.ge [sflag:s24], $0x2000  }
0xff: {  	s30 =	sld [smem:$0x7FC]  }
0x100: {  	[sflag:s24] =	ssyncset.done $0x0  }
0x101: {  	[sflag:s24] =	ssyncadd.s32 $0xFFFFE000  }
0x102: {  	[hbm4b:s30+s5] =	stream.strided.scatter [tilespmem:s28], [sflag:$0xE], $0x2000, s6, s5, $0x38;
	[tilespmem:$0x1F400] =	vst v63  }
0x103: {  	_ =	swait.ge [sflag:s3], $0x2000  }
0x104: {  	s15 =	sld [smem:$0x7D7]  }
0x105: {  	[sflag:s3] =	ssyncset.done $0x0  }
0x106: {  	s29 =	simm.s32 $0x2;
	s25 =	simm.s32 $0x1A00;
	[sflag:s3] =	ssyncadd.s32 $0xFFFFE000  }
0x107: {  	[tilespmem:s28], [sflag:$0x1] =	stream.indirect.gather [hbm4b:s15+s16], $0x10, s25, s16, $0xb8;
	[tilespmem:$0x1F400] =	vst v63  }
0x108: {  	_ =	swait.ge [sflag:s29], $0x2000  }
0x109: {  	s30 =	sld [smem:$0x7D8]  }
0x10a: {  	[sflag:s29] =	ssyncset.done $0x0  }
0x10b: {  	[sflag:s29] =	ssyncadd.s32 $0xFFFFE000  }
0x10c: {  	[hbm4b:s30+s5] =	stream.strided.scatter [tilespmem:s22], [sflag:$0xE], $0x2000, s6, s5, $0x38;
	[tilespmem:$0x1F400] =	vst v63  }
0x10d: {  	_ =	swait.ge [sflag:s3], $0x2000  }
0x10e: {  	s15 =	sld [smem:$0x7D9]  }
0x10f: {  	[sflag:s3] =	ssyncset.done $0x0  }
0x110: {  	s26 =	simm.s32 $0x3;
	s25 =	simm.s32 $0x1C00;
	[sflag:s3] =	ssyncadd.s32 $0xFFFFE000  }
0x111: {  	[tilespmem:s22], [sflag:$0x2] =	stream.indirect.gather [hbm4b:s15+s16], $0x10, s25, s16, $0xb8;
	[tilespmem:$0x1F400] =	vst v63  }
0x112: {  	_ =	swait.ge [sflag:s26], $0x2000  }
0x113: {  	s30 =	sld [smem:$0x7DA]  }
0x114: {  	[sflag:s26] =	ssyncset.done $0x0  }
0x115: {  	[sflag:s26] =	ssyncadd.s32 $0xFFFFE000  }
0x116: {  	[hbm4b:s30+s5] =	stream.strided.scatter [tilespmem:s18], [sflag:$0xE], $0x2000, s6, s5, $0x38;
	[tilespmem:$0x1F400] =	vst v63  }
0x117: {  	_ =	swait.ge [sflag:s3], $0x2000  }
0x118: {  	s15 =	sld [smem:$0x7DB]  }
0x119: {  	[sflag:s3] =	ssyncset.done $0x0  }
0x11a: {  	s23 =	simm.s32 $0x4;
	s25 =	simm.s32 $0x1E00;
	[sflag:s3] =	ssyncadd.s32 $0xFFFFE000  }
0x11b: {  	[tilespmem:s18], [sflag:$0x3] =	stream.indirect.gather [hbm4b:s15+s16], $0x10, s25, s16, $0xb8;
	[tilespmem:$0x1F400] =	vst v63  }
0x11c: {  	_ =	swait.ge [sflag:s23], $0x2000  }
0x11d: {  	s30 =	sld [smem:$0x7DC]  }
0x11e: {  	[sflag:s23] =	ssyncset.done $0x0  }
0x11f: {  	[sflag:s23] =	ssyncadd.s32 $0xFFFFE000  }
0x120: {  	[hbm4b:s30+s5] =	stream.strided.scatter [tilespmem:s0], [sflag:$0xE], $0x2000, s6, s5, $0x38;
	[tilespmem:$0x1F400] =	vst v63  }
0x121: {  	_ =	swait.ge [sflag:s3], $0x2000  }
0x122: {  	s15 =	sld [smem:$0x7DD]  }
0x123: {  	[sflag:s3] =	ssyncset.done $0x0  }
0x124: {  	s21 =	simm.s32 $0x5;
	s25 =	simm.s32 $0x2000;
	[sflag:s3] =	ssyncadd.s32 $0xFFFFE000  }
0x125: {  	[tilespmem:s0], [sflag:$0x4] =	stream.indirect.gather [hbm4b:s15+s16], $0x10, s25, s16, $0xb8;
	[tilespmem:$0x1F400] =	vst v63  }
0x126: {  	_ =	swait.ge [sflag:s21], $0x2000  }
0x127: {  	s30 =	sld [smem:$0x7DE]  }
0x128: {  	[sflag:s21] =	ssyncset.done $0x0  }
0x129: {  	[sflag:s21] =	ssyncadd.s32 $0xFFFFE000  }
0x12a: {  	[hbm4b:s30+s5] =	stream.strided.scatter [tilespmem:s1], [sflag:$0xE], $0x2000, s6, s5, $0x38;
	[tilespmem:$0x1F400] =	vst v63  }
0x12b: {  	_ =	swait.ge [sflag:s3], $0x2000  }
0x12c: {  	s15 =	sld [smem:$0x7DF]  }
0x12d: {  	[sflag:s3] =	ssyncset.done $0x0  }
0x12e: {  	s19 =	simm.s32 $0x6;
	s25 =	simm.s32 $0x2200;
	[sflag:s3] =	ssyncadd.s32 $0xFFFFE000  }
0x12f: {  	[tilespmem:s1], [sflag:$0x5] =	stream.indirect.gather [hbm4b:s15+s16], $0x10, s25, s16, $0xb8;
	[tilespmem:$0x1F400] =	vst v63  }
0x130: {  	_ =	swait.ge [sflag:s19], $0x2000  }
0x131: {  	s30 =	sld [smem:$0x7E0]  }
0x132: {  	[sflag:s19] =	ssyncset.done $0x0  }
0x133: {  	[sflag:s19] =	ssyncadd.s32 $0xFFFFE000  }
0x134: {  	[hbm4b:s30+s5] =	stream.strided.scatter [tilespmem:s4], [sflag:$0xE], $0x2000, s6, s5, $0x38;
	[tilespmem:$0x1F400] =	vst v63  }
0x135: {  	_ =	swait.ge [sflag:s3], $0x2000  }
0x136: {  	s15 =	sld [smem:$0x7E1]  }
0x137: {  	[sflag:s3] =	ssyncset.done $0x0  }
0x138: {  	s17 =	simm.s32 $0x7;
	s25 =	simm.s32 $0x2400;
	[sflag:s3] =	ssyncadd.s32 $0xFFFFE000  }
0x139: {  	[tilespmem:s4], [sflag:$0x6] =	stream.indirect.gather [hbm4b:s15+s16], $0x10, s25, s16, $0xb8;
	[tilespmem:$0x1F400] =	vst v63  }
0x13a: {  	_ =	swait.ge [sflag:s17], $0x2000  }
0x13b: {  	s30 =	sld [smem:$0x7E2]  }
0x13c: {  	[sflag:s17] =	ssyncset.done $0x0  }
0x13d: {  	[sflag:s17] =	ssyncadd.s32 $0xFFFFE000  }
0x13e: {  	[hbm4b:s30+s5] =	stream.strided.scatter [tilespmem:s20], [sflag:$0xE], $0x2000, s6, s5, $0x38;
	[tilespmem:$0x1F400] =	vst v63  }
0x13f: {  	_ =	swait.ge [sflag:s3], $0x2000  }
0x140: {  	s15 =	sld [smem:$0x7E3]  }
0x141: {  	[sflag:s3] =	ssyncset.done $0x0  }
0x142: {  	s14 =	simm.s32 $0x8;
	s25 =	simm.s32 $0x2600;
	[sflag:s3] =	ssyncadd.s32 $0xFFFFE000  }
0x143: {  	[tilespmem:s20], [sflag:$0x7] =	stream.indirect.gather [hbm4b:s15+s16], $0x10, s25, s16, $0xb8;
	[tilespmem:$0x1F400] =	vst v63  }
0x144: {  	_ =	swait.ge [sflag:s14], $0x2000  }
0x145: {  	s30 =	sld [smem:$0x7E4]  }
0x146: {  	[sflag:s14] =	ssyncset.done $0x0  }
0x147: {  	[sflag:s14] =	ssyncadd.s32 $0xFFFFE000  }
0x148: {  	[hbm4b:s30+s5] =	stream.strided.scatter [tilespmem:s31], [sflag:$0xE], $0x2000, s6, s5, $0x38;
	[tilespmem:$0x1F400] =	vst v63  }
0x149: {  	_ =	swait.ge [sflag:s3], $0x2000  }
0x14a: {  	s15 =	sld [smem:$0x7E5]  }
0x14b: {  	[sflag:s3] =	ssyncset.done $0x0  }
0x14c: {  	s12 =	simm.s32 $0x9;
	s25 =	simm.s32 $0x2800;
	[sflag:s3] =	ssyncadd.s32 $0xFFFFE000  }
0x14d: {  	[tilespmem:s31], [sflag:$0x8] =	stream.indirect.gather [hbm4b:s15+s16], $0x10, s25, s16, $0xb8;
	[tilespmem:$0x1F400] =	vst v63  }
0x14e: {  	_ =	swait.ge [sflag:s12], $0x2000  }
0x14f: {  	s30 =	sld [smem:$0x7E6]  }
0x150: {  	[sflag:s12] =	ssyncset.done $0x0  }
0x151: {  	s25 =	simm.s32 $0x13400;
	[sflag:s12] =	ssyncadd.s32 $0xFFFFE000  }
0x152: {  	[hbm4b:s30+s5] =	stream.strided.scatter [tilespmem:s25], [sflag:$0xE], $0x2000, s6, s5, $0x38;
	[tilespmem:$0x1F400] =	vst v63  }
0x153: {  	_ =	swait.ge [sflag:s3], $0x2000  }
0x154: {  	s15 =	sld [smem:$0x7E7]  }
0x155: {  	[sflag:s3] =	ssyncset.done $0x0  }
0x156: {  	s10 =	simm.s32 $0xA;
	s30 =	simm.s32 $0x2A00;
	[sflag:s3] =	ssyncadd.s32 $0xFFFFE000  }
0x157: {  	[tilespmem:s25], [sflag:$0x9] =	stream.indirect.gather [hbm4b:s15+s16], $0x10, s30, s16, $0xb8;
	[tilespmem:$0x1F400] =	vst v63  }
0x158: {  	_ =	swait.ge [sflag:s10], $0x2000  }
0x159: {  	s15 =	sld [smem:$0x7E8]  }
0x15a: {  	[sflag:s10] =	ssyncset.done $0x0  }
0x15b: {  	s25 =	simm.s32 $0x15400;
	[sflag:s10] =	ssyncadd.s32 $0xFFFFE000  }
0x15c: {  	[hbm4b:s15+s5] =	stream.strided.scatter [tilespmem:s25], [sflag:$0xE], $0x2000, s6, s5, $0x38;
	[tilespmem:$0x1F400] =	vst v63  }
0x15d: {  	_ =	swait.ge [sflag:s3], $0x2000  }
0x15e: {  	s13 =	sld [smem:$0x7E9]  }
0x15f: {  	[sflag:s3] =	ssyncset.done $0x0  }
0x160: {  	s9 =	simm.s32 $0xB;
	s15 =	simm.s32 $0x2C00;
	[sflag:s3] =	ssyncadd.s32 $0xFFFFE000  }
0x161: {  	[tilespmem:s25], [sflag:$0xA] =	stream.indirect.gather [hbm4b:s13+s16], $0x10, s15, s16, $0xb8;
	[tilespmem:$0x1F400] =	vst v63  }
0x162: {  	_ =	swait.ge [sflag:s9], $0x2000  }
0x163: {  	s15 =	sld [smem:$0x7EA]  }
0x164: {  	[sflag:s9] =	ssyncset.done $0x0  }
0x165: {  	s25 =	simm.s32 $0x17400;
	[sflag:s9] =	ssyncadd.s32 $0xFFFFE000  }
0x166: {  	[hbm4b:s15+s5] =	stream.strided.scatter [tilespmem:s25], [sflag:$0xE], $0x2000, s6, s5, $0x38;
	[tilespmem:$0x1F400] =	vst v63  }
0x167: {  	_ =	swait.ge [sflag:s3], $0x2000  }
0x168: {  	s13 =	sld [smem:$0x7EB]  }
0x169: {  	[sflag:s3] =	ssyncset.done $0x0  }
0x16a: {  	s8 =	simm.s32 $0xC;
	s15 =	simm.s32 $0x2E00;
	[sflag:s3] =	ssyncadd.s32 $0xFFFFE000  }
0x16b: {  	[tilespmem:s25], [sflag:$0xB] =	stream.indirect.gather [hbm4b:s13+s16], $0x10, s15, s16, $0xb8;
	[tilespmem:$0x1F400] =	vst v63  }
0x16c: {  	_ =	swait.ge [sflag:s8], $0x2000  }
0x16d: {  	s13 =	sld [smem:$0x7EC]  }
0x16e: {  	[sflag:s8] =	ssyncset.done $0x0  }
0x16f: {  	s15 =	simm.s32 $0x19400;
	[sflag:s8] =	ssyncadd.s32 $0xFFFFE000  }
0x170: {  	[hbm4b:s13+s5] =	stream.strided.scatter [tilespmem:s15], [sflag:$0xE], $0x2000, s6, s5, $0x38;
	[tilespmem:$0x1F400] =	vst v63  }
0x171: {  	_ =	swait.ge [sflag:s3], $0x2000  }
0x172: {  	s13 =	sld [smem:$0x7ED]  }
0x173: {  	[sflag:s3] =	ssyncset.done $0x0  }
0x174: {  	s11 =	simm.s32 $0xD;
	[sflag:s3] =	ssyncadd.s32 $0xFFFFE000  }
0x175: {  	[tilespmem:s15], [sflag:$0xC] =	stream.indirect.gather [hbm4b:s13+s16], $0x10, s2, s16, $0xb8;
	[tilespmem:$0x1F400] =	vst v63  }
0x176: {  	_ =	swait.ge [sflag:s11], $0x2000  }
0x177: {  	s2 =	sld [smem:$0x7EE]  }
0x178: {  	[sflag:s11] =	ssyncset.done $0x0  }
0x179: {  	s15 =	simm.s32 $0x1B400;
	[sflag:s11] =	ssyncadd.s32 $0xFFFFE000  }
0x17a: {  	[hbm4b:s2+s5] =	stream.strided.scatter [tilespmem:s15], [sflag:$0xE], $0x2000, s6, s5, $0x38;
	[tilespmem:$0x1F400] =	vst v63  }
0x17b: {  	_ =	swait.ge [sflag:s3], $0x2000  }
0x17c: {  	s13 =	sld [smem:$0x7EF]  }
0x17d: {  	[sflag:s3] =	ssyncset.done $0x0  }
0x17e: {  	s2 =	simm.s32 $0x3200;
	[sflag:s3] =	ssyncadd.s32 $0xFFFFE000  }
0x17f: {  	[tilespmem:s15], [sflag:$0xD] =	stream.indirect.gather [hbm4b:s13+s16], $0x10, s2, s16, $0xb8;
	[tilespmem:$0x1F400] =	vst v63  }
0x180: {  	_ =	swait.ge [sflag:s24], $0x2000  }
0x181: {  	s15 =	sld [smem:$0x7F0]  }
0x182: {  	[sflag:s24] =	ssyncset.done $0x0  }
0x183: {  	[sflag:s24] =	ssyncadd.s32 $0xFFFFE000  }
0x184: {  	[hbm4b:s15+s5] =	stream.strided.scatter [tilespmem:s28], [sflag:$0xE], $0x2000, s6, s5, $0x38;
	[tilespmem:$0x1F400] =	vst v63  }
0x185: {  	_ =	swait.ge [sflag:s29], $0x2000  }
0x186: {  	s28 =	sld [smem:$0x7F1]  }
0x187: {  	[sflag:s29] =	ssyncset.done $0x0  }
0x188: {  	[sflag:s29] =	ssyncadd.s32 $0xFFFFE000  }
0x189: {  	[hbm4b:s28+s5] =	stream.strided.scatter [tilespmem:s22], [sflag:$0xE], $0x2000, s6, s5, $0x38;
	[tilespmem:$0x1F400] =	vst v63  }
0x18a: {  	_ =	swait.ge [sflag:s26], $0x2000  }
0x18b: {  	s15 =	sld [smem:$0x7F2]  }
0x18c: {  	[sflag:s26] =	ssyncset.done $0x0  }
0x18d: {  	[sflag:s26] =	ssyncadd.s32 $0xFFFFE000  }
0x18e: {  	[hbm4b:s15+s5] =	stream.strided.scatter [tilespmem:s18], [sflag:$0xE], $0x2000, s6, s5, $0x38;
	[tilespmem:$0x1F400] =	vst v63  }
0x18f: {  	_ =	swait.ge [sflag:s23], $0x2000  }
0x190: {  	s18 =	sld [smem:$0x7F3]  }
0x191: {  	[sflag:s23] =	ssyncset.done $0x0  }
0x192: {  	[sflag:s23] =	ssyncadd.s32 $0xFFFFE000  }
0x193: {  	[hbm4b:s18+s5] =	stream.strided.scatter [tilespmem:s0], [sflag:$0xE], $0x2000, s6, s5, $0x38;
	[tilespmem:$0x1F400] =	vst v63  }
0x194: {  	_ =	swait.ge [sflag:s21], $0x2000  }
0x195: {  	s22 =	sld [smem:$0x7F4]  }
0x196: {  	[sflag:s21] =	ssyncset.done $0x0  }
0x197: {  	[sflag:s21] =	ssyncadd.s32 $0xFFFFE000  }
0x198: {  	[hbm4b:s22+s5] =	stream.strided.scatter [tilespmem:s1], [sflag:$0xE], $0x2000, s6, s5, $0x38;
	[tilespmem:$0x1F400] =	vst v63  }
0x199: {  	_ =	swait.ge [sflag:s19], $0x2000  }
0x19a: {  	s28 =	sld [smem:$0x7F5]  }
0x19b: {  	[sflag:s19] =	ssyncset.done $0x0  }
0x19c: {  	[sflag:s19] =	ssyncadd.s32 $0xFFFFE000  }
0x19d: {  	[hbm4b:s28+s5] =	stream.strided.scatter [tilespmem:s4], [sflag:$0xE], $0x2000, s6, s5, $0x38;
	[tilespmem:$0x1F400] =	vst v63  }
0x19e: {  	_ =	swait.ge [sflag:s17], $0x2000  }
0x19f: {  	s0 =	sld [smem:$0x7F6]  }
0x1a0: {  	[sflag:s17] =	ssyncset.done $0x0  }
0x1a1: {  	[sflag:s17] =	ssyncadd.s32 $0xFFFFE000  }
0x1a2: {  	[hbm4b:s0+s5] =	stream.strided.scatter [tilespmem:s20], [sflag:$0xE], $0x2000, s6, s5, $0x38;
	[tilespmem:$0x1F400] =	vst v63  }
0x1a3: {  	_ =	swait.ge [sflag:s14], $0x2000  }
0x1a4: {  	s1 =	sld [smem:$0x7F7]  }
0x1a5: {  	[sflag:s14] =	ssyncset.done $0x0  }
0x1a6: {  	[sflag:s14] =	ssyncadd.s32 $0xFFFFE000  }
0x1a7: {  	[hbm4b:s1+s5] =	stream.strided.scatter [tilespmem:s31], [sflag:$0xE], $0x2000, s6, s5, $0x38;
	[tilespmem:$0x1F400] =	vst v63  }
0x1a8: {  	_ =	swait.ge [sflag:s12], $0x2000  }
0x1a9: {  	s4 =	sld [smem:$0x7F8]  }
0x1aa: {  	[sflag:s12] =	ssyncset.done $0x0  }
0x1ab: {  	s30 =	simm.s32 $0x13400;
	[sflag:s12] =	ssyncadd.s32 $0xFFFFE000  }
0x1ac: {  	[hbm4b:s4+s5] =	stream.strided.scatter [tilespmem:s30], [sflag:$0xE], $0x2000, s6, s5, $0x38;
	[tilespmem:$0x1F400] =	vst v63  }
0x1ad: {  	_ =	swait.ge [sflag:s10], $0x2000  }
0x1ae: {  	s15 =	sld [smem:$0x7F9]  }
0x1af: {  	[sflag:s10] =	ssyncset.done $0x0  }
0x1b0: {  	s18 =	simm.s32 $0x15400;
	[sflag:s10] =	ssyncadd.s32 $0xFFFFE000  }
0x1b1: {  	[hbm4b:s15+s5] =	stream.strided.scatter [tilespmem:s18], [sflag:$0xE], $0x2000, s6, s5, $0x38;
	[tilespmem:$0x1F400] =	vst v63  }
0x1b2: {  	_ =	swait.ge [sflag:s9], $0x2000  }
0x1b3: {  	s20 =	sld [smem:$0x7FA]  }
0x1b4: {  	[sflag:s9] =	ssyncset.done $0x0  }
0x1b5: {  	s25 =	simm.s32 $0x17400;
	[sflag:s9] =	ssyncadd.s32 $0xFFFFE000  }
0x1b6: {  	[hbm4b:s20+s5] =	stream.strided.scatter [tilespmem:s25], [sflag:$0xE], $0x2000, s6, s5, $0x38;
	[tilespmem:$0x1F400] =	vst v63  }
0x1b7: {  	_ =	swait.ge [sflag:s8], $0x2000  }
0x1b8: {  	s22 =	sld [smem:$0x7FB]  }
0x1b9: {  	[sflag:s8] =	ssyncset.done $0x0  }
0x1ba: {  	s25 =	simm.s32 $0x19400;
	[sflag:s8] =	ssyncadd.s32 $0xFFFFE000  }
0x1bb: {  	[hbm4b:s22+s5] =	stream.strided.scatter [tilespmem:s25], [sflag:$0xE], $0x2000, s6, s5, $0x38;
	[tilespmem:$0x1F400] =	vst v63  }
0x1bc: {  	_ =	swait.ge [sflag:s11], $0x2000  }
0x1bd: {  	s28 =	sld [smem:$0x7FD]  }
0x1be: {  	[sflag:s11] =	ssyncset.done $0x0  }
0x1bf: {  	s2 =	simm.s32 $0x1B400;
	[sflag:s11] =	ssyncadd.s32 $0xFFFFE000  }
0x1c0: {  	[hbm4b:s28+s5] =	stream.strided.scatter [tilespmem:s2], [sflag:$0xE], $0x2000, s6, s5, $0x38;
	[tilespmem:$0x1F400] =	vst v63  }
0x1c1: {  	_ =	swait.ge [sflag:s3], $0x2000  }
0x1c2: {  	[sflag:s3] =	ssyncset.done $0x0  }
0x1c3: {  	[sflag:s3] =	ssyncadd.s32 $0xFFFFE000  }
0x1c4: {  	_ =	swait.ge [sflag:s3], $0x2000  }
0x1c5: {  	[sflag:s3] =	ssyncset.done $0x0  }
0x1c6: {  	[sflag:s3] =	ssyncadd.s32 $0xFFFFE000  }
0x1c7: {  	_ =	swait.ge [sflag:s3], $0x2000  }
0x1c8: {  	[sflag:s3] =	ssyncset.done $0x0  }
0x1c9: {  	[sflag:s3] =	ssyncadd.s32 $0xFFFFE000  }
0x1ca: {  	_ =	swait.ge [sflag:s3], $0x2000  }
0x1cb: {  	[sflag:s3] =	ssyncset.done $0x0  }
0x1cc: {  	[sflag:s3] =	ssyncadd.s32 $0xFFFFE000  }
0x1cd: {  	_ =	swait.ge [sflag:s3], $0x2000  }
0x1ce: {  	[sflag:s3] =	ssyncset.done $0x0  }
0x1cf: {  	[sflag:s3] =	ssyncadd.s32 $0xFFFFE000  }
0x1d0: {  	_ =	swait.ge [sflag:s3], $0x2000  }
0x1d1: {  	[sflag:s3] =	ssyncset.done $0x0  }
0x1d2: {  	[sflag:s3] =	ssyncadd.s32 $0xFFFFE000  }
0x1d3: {  	_ =	swait.ge [sflag:s3], $0x2000  }
0x1d4: {  	[sflag:s3] =	ssyncset.done $0x0  }
0x1d5: {  	[sflag:s3] =	ssyncadd.s32 $0xFFFFE000  }
0x1d6: {  	_ =	swait.ge [sflag:s3], $0x2000  }
0x1d7: {  	[sflag:s3] =	ssyncset.done $0x0  }
0x1d8: {  	[sflag:s3] =	ssyncadd.s32 $0xFFFFE000  }
0x1d9: {  	_ =	swait.ge [sflag:s3], $0x2000  }
0x1da: {  	[sflag:s3] =	ssyncset.done $0x0  }
0x1db: {  	[sflag:s3] =	ssyncadd.s32 $0xFFFFE000  }
0x1dc: {  	_ =	swait.ge [sflag:s3], $0x2000  }
0x1dd: {  	[sflag:s3] =	ssyncset.done $0x0  }
0x1de: {  	[sflag:s3] =	ssyncadd.s32 $0xFFFFE000  }
0x1df: {  	_ =	swait.ge [sflag:s3], $0x2000  }
0x1e0: {  	[sflag:s3] =	ssyncset.done $0x0  }
0x1e1: {  	[sflag:s3] =	ssyncadd.s32 $0xFFFFE000  }
0x1e2: {  	_ =	swait.ge [sflag:s3], $0x2000  }
0x1e3: {  	[sflag:s3] =	ssyncset.done $0x0  }
0x1e4: {  	[sflag:s3] =	ssyncadd.s32 $0xFFFFE000  }
0x1e5: {  	_ =	swait.ge [sflag:s3], $0x2000  }
0x1e6: {  	s30 =	sld [smem:$0x7CA];
	_ =	sdelay $0x2  }
0x1e7: {  	p1 =	sne.s32 s30, $0x1  }
.Ltmp1:
0x1e8: {  	_ = 	snop;
	(pc) =	sbr.rel @!p1 .LBB2_7-.Ltmp1, $4  }
0x1e9: {  	[sflag:s3] =	ssyncset.done $0x0  }
0x1ea: {  	s31 =	simm.s32 $0xF;
	[sflag:s3] =	ssyncadd.s32 $0xFFFFE000  }
0x1eb: {  	p0 =	por $0x1, $0x1;
	s0 =	simm.s32 $0xF;
	_ =	swait.ge [sflag:s31], $0x2000  }
0x1ec: {  	s13 =	sadd.s32 $0xFFFFFFFF, s30;
	s15 =	rddreg [dreg:$0x5];
	[sflag:s31] =	ssyncset.done $0x0  }
0x1ed: {  	s24 =	simm.s32 $0x1  }
.LBB2_4:
0x1ee: {  	[sflag:s0] =	ssyncadd.s32 $0xFFFFE000;
	s1 =	simm.s32 $0x1D400;
	s22 =	sld [smem:$0x7C9]  }
0x1ef: {  	[tilespmem:s1], [sflag:$0xF] =	stream.linear.gather [hbm4b:s15+s7], $0x2000, $0x38;
	[tilespmem:$0x1F400] =	vst v63  }
0x1f0: {  	_ = 	snop  }
0x1f1: {  	[tilespmem:s7], [sflag:$0x1] =	stream.linear.gather [hbm4b:s22+s7], $0x200, $0x38;
	[tilespmem:$0x1F400] =	vst v63  }
0x1f2: {  	s21 =	rddreg [dreg:$0x6]  }
0x1f3: {  	[tilespmem:s16], [sflag:$0x2] =	stream.linear.gather [hbm4b:s21+s7], $0x200, $0x38;
	[tilespmem:$0x1F400] =	vst v63  }
0x1f4: {  	s18 =	rddreg [dreg:$0x7];
	s4 =	simm.s32 $0x400  }
0x1f5: {  	[tilespmem:s4], [sflag:$0x3] =	stream.linear.gather [hbm4b:s18+s7], $0x200, $0x38;
	[tilespmem:$0x1F400] =	vst v63  }
0x1f6: {  	s23 =	rddreg [dreg:$0x8];
	s11 =	simm.s32 $0x600  }
0x1f7: {  	[tilespmem:s11], [sflag:$0x4] =	stream.linear.gather [hbm4b:s23+s7], $0x200, $0x38;
	[tilespmem:$0x1F400] =	vst v63  }
0x1f8: {  	s25 =	rddreg [dreg:$0x9];
	s20 =	simm.s32 $0x800  }
0x1f9: {  	[tilespmem:s20], [sflag:$0x5] =	stream.linear.gather [hbm4b:s25+s7], $0x200, $0x38;
	[tilespmem:$0x1F400] =	vst v63  }
0x1fa: {  	s28 =	rddreg [dreg:$0xa];
	s22 =	simm.s32 $0xA00  }
0x1fb: {  	[tilespmem:s22], [sflag:$0x6] =	stream.linear.gather [hbm4b:s28+s7], $0x200, $0x38;
	[tilespmem:$0x1F400] =	vst v63  }
0x1fc: {  	s30 =	rddreg [dreg:$0xb];
	s25 =	simm.s32 $0xC00  }
0x1fd: {  	[tilespmem:s25], [sflag:$0x7] =	stream.linear.gather [hbm4b:s30+s7], $0x200, $0x38;
	[tilespmem:$0x1F400] =	vst v63  }
0x1fe: {  	s2 =	rddreg [dreg:$0xc];
	s30 =	simm.s32 $0xE00  }
0x1ff: {  	[tilespmem:s30], [sflag:$0x8] =	stream.linear.gather [hbm4b:s2+s7], $0x200, $0x38;
	[tilespmem:$0x1F400] =	vst v63  }
0x200: {  	s28 =	rddreg [dreg:$0xd];
	s2 =	simm.s32 $0x1000  }
0x201: {  	[tilespmem:s2], [sflag:$0x9] =	stream.linear.gather [hbm4b:s28+s7], $0x200, $0x38;
	[tilespmem:$0x1F400] =	vst v63  }
0x202: {  	s15 =	rddreg [dreg:$0xe];
	s28 =	simm.s32 $0x1200  }
0x203: {  	[tilespmem:s28], [sflag:$0xA] =	stream.linear.gather [hbm4b:s15+s7], $0x200, $0x38;
	[tilespmem:$0x1F400] =	vst v63  }
0x204: {  	s18 =	rddreg [dreg:$0xf];
	s2 =	simm.s32 $0x1400  }
0x205: {  	[tilespmem:s2], [sflag:$0xB] =	stream.linear.gather [hbm4b:s18+s7], $0x200, $0x38;
	[tilespmem:$0x1F400] =	vst v63  }
0x206: {  	s15 =	rddreg [dreg:$0x10];
	s2 =	simm.s32 $0x1600  }
0x207: {  	[tilespmem:s2], [sflag:$0xC] =	stream.linear.gather [hbm4b:s15+s7], $0x200, $0x38;
	[tilespmem:$0x1F400] =	vst v63  }
0x208: {  	s18 =	rddreg [dreg:$0x11];
	s2 =	simm.s32 $0x1800  }
0x209: {  	[tilespmem:s2], [sflag:$0xD] =	stream.linear.gather [hbm4b:s18+s7], $0x200, $0x38;
	[tilespmem:$0x1F400] =	vst v63  }
0x20a: {  	s15 =	rddreg [dreg:$0x12];
	s2 =	simm.s32 $0x1A00  }
0x20b: {  	[tilespmem:s2], [sflag:$0x1] =	stream.linear.gather [hbm4b:s15+s7], $0x200, $0x38;
	[tilespmem:$0x1F400] =	vst v63  }
0x20c: {  	s18 =	rddreg [dreg:$0x13];
	s2 =	simm.s32 $0x1C00  }
0x20d: {  	[tilespmem:s2], [sflag:$0x2] =	stream.linear.gather [hbm4b:s18+s7], $0x200, $0x38;
	[tilespmem:$0x1F400] =	vst v63  }
0x20e: {  	s15 =	rddreg [dreg:$0x14];
	s2 =	simm.s32 $0x1E00  }
0x20f: {  	[tilespmem:s2], [sflag:$0x3] =	stream.linear.gather [hbm4b:s15+s7], $0x200, $0x38;
	[tilespmem:$0x1F400] =	vst v63  }
0x210: {  	s18 =	rddreg [dreg:$0x15];
	s2 =	simm.s32 $0x2000  }
0x211: {  	[tilespmem:s2], [sflag:$0x4] =	stream.linear.gather [hbm4b:s18+s7], $0x200, $0x38;
	[tilespmem:$0x1F400] =	vst v63  }
0x212: {  	s15 =	rddreg [dreg:$0x16];
	s2 =	simm.s32 $0x2200  }
0x213: {  	[tilespmem:s2], [sflag:$0x5] =	stream.linear.gather [hbm4b:s15+s7], $0x200, $0x38;
	[tilespmem:$0x1F400] =	vst v63  }
0x214: {  	s18 =	rddreg [dreg:$0x17];
	s2 =	simm.s32 $0x2400  }
0x215: {  	[tilespmem:s2], [sflag:$0x6] =	stream.linear.gather [hbm4b:s18+s7], $0x200, $0x38;
	[tilespmem:$0x1F400] =	vst v63  }
0x216: {  	s15 =	rddreg [dreg:$0x18];
	s2 =	simm.s32 $0x2600  }
0x217: {  	[tilespmem:s2], [sflag:$0x7] =	stream.linear.gather [hbm4b:s15+s7], $0x200, $0x38;
	[tilespmem:$0x1F400] =	vst v63  }
0x218: {  	s18 =	rddreg [dreg:$0x19];
	s2 =	simm.s32 $0x2800  }
0x219: {  	[tilespmem:s2], [sflag:$0x8] =	stream.linear.gather [hbm4b:s18+s7], $0x200, $0x38;
	[tilespmem:$0x1F400] =	vst v63  }
0x21a: {  	s15 =	rddreg [dreg:$0x1a];
	s2 =	simm.s32 $0x2A00  }
0x21b: {  	[tilespmem:s2], [sflag:$0x9] =	stream.linear.gather [hbm4b:s15+s7], $0x200, $0x38;
	[tilespmem:$0x1F400] =	vst v63  }
0x21c: {  	s18 =	rddreg [dreg:$0x1b];
	s2 =	simm.s32 $0x2C00  }
0x21d: {  	[tilespmem:s2], [sflag:$0xA] =	stream.linear.gather [hbm4b:s18+s7], $0x200, $0x38;
	[tilespmem:$0x1F400] =	vst v63  }
0x21e: {  	s15 =	rddreg [dreg:$0x1c];
	s2 =	simm.s32 $0x2E00  }
0x21f: {  	[tilespmem:s2], [sflag:$0xB] =	stream.linear.gather [hbm4b:s15+s7], $0x200, $0x38;
	[tilespmem:$0x1F400] =	vst v63  }
0x220: {  	s18 =	rddreg [dreg:$0x1d];
	s2 =	simm.s32 $0x3000  }
0x221: {  	[tilespmem:s2], [sflag:$0xC] =	stream.linear.gather [hbm4b:s18+s7], $0x200, $0x38;
	[tilespmem:$0x1F400] =	vst v63  }
0x222: {  	s0 =	simm.s32 $0x1;
	s15 =	rddreg [dreg:$0x1e];
	s18 =	simm.s32 $0x3200  }
0x223: {  	[tilespmem:s18], [sflag:$0xD] =	stream.linear.gather [hbm4b:s15+s7], $0x200, $0x38;
	[tilespmem:$0x1F400] =	vst v63  }
0x224: {  	_ =	swait.ge [sflag:s0], $0x200  }
0x225: {  	[sflag:s0] =	ssyncset.done $0x0  }
0x226: {  	s31 =	simm.s32 $0x2;
	[sflag:s0] =	ssyncadd.s32 $0xFFFFFE00  }
0x227: {  	_ =	swait.ge [sflag:s31], $0x200  }
0x228: {  	[sflag:s31] =	ssyncset.done $0x0  }
0x229: {  	s29 =	simm.s32 $0x3;
	[sflag:s31] =	ssyncadd.s32 $0xFFFFFE00  }
0x22a: {  	_ =	swait.ge [sflag:s29], $0x200  }
0x22b: {  	[sflag:s29] =	ssyncset.done $0x0  }
0x22c: {  	s26 =	simm.s32 $0x4;
	[sflag:s29] =	ssyncadd.s32 $0xFFFFFE00  }
0x22d: {  	_ =	swait.ge [sflag:s26], $0x200  }
0x22e: {  	[sflag:s26] =	ssyncset.done $0x0  }
0x22f: {  	s23 =	simm.s32 $0x5;
	[sflag:s26] =	ssyncadd.s32 $0xFFFFFE00  }
0x230: {  	_ =	swait.ge [sflag:s23], $0x200  }
0x231: {  	[sflag:s23] =	ssyncset.done $0x0  }
0x232: {  	s21 =	simm.s32 $0x6;
	[sflag:s23] =	ssyncadd.s32 $0xFFFFFE00  }
0x233: {  	_ =	swait.ge [sflag:s21], $0x200  }
0x234: {  	[sflag:s21] =	ssyncset.done $0x0  }
0x235: {  	s19 =	simm.s32 $0x7;
	[sflag:s21] =	ssyncadd.s32 $0xFFFFFE00  }
0x236: {  	_ =	swait.ge [sflag:s19], $0x200  }
0x237: {  	[sflag:s19] =	ssyncset.done $0x0  }
0x238: {  	s17 =	simm.s32 $0x8;
	[sflag:s19] =	ssyncadd.s32 $0xFFFFFE00  }
0x239: {  	_ =	swait.ge [sflag:s17], $0x200  }
0x23a: {  	[sflag:s17] =	ssyncset.done $0x0  }
0x23b: {  	s14 =	simm.s32 $0x9;
	[sflag:s17] =	ssyncadd.s32 $0xFFFFFE00  }
0x23c: {  	_ =	swait.ge [sflag:s14], $0x200  }
0x23d: {  	[sflag:s14] =	ssyncset.done $0x0  }
0x23e: {  	s12 =	simm.s32 $0xA;
	[sflag:s14] =	ssyncadd.s32 $0xFFFFFE00  }
0x23f: {  	_ =	swait.ge [sflag:s12], $0x200  }
0x240: {  	[sflag:s12] =	ssyncset.done $0x0  }
0x241: {  	s10 =	simm.s32 $0xB;
	[sflag:s12] =	ssyncadd.s32 $0xFFFFFE00  }
0x242: {  	_ =	swait.ge [sflag:s10], $0x200  }
0x243: {  	[sflag:s10] =	ssyncset.done $0x0  }
0x244: {  	s9 =	simm.s32 $0xC;
	[sflag:s10] =	ssyncadd.s32 $0xFFFFFE00  }
0x245: {  	_ =	swait.ge [sflag:s9], $0x200  }
0x246: {  	[sflag:s9] =	ssyncset.done $0x0  }
0x247: {  	s8 =	simm.s32 $0xD;
	[sflag:s9] =	ssyncadd.s32 $0xFFFFFE00  }
0x248: {  	_ =	swait.ge [sflag:s8], $0x200  }
0x249: {  	[sflag:s8] =	ssyncset.done $0x0  }
0x24a: {  	[sflag:s8] =	ssyncadd.s32 $0xFFFFFE00  }
0x24b: {  	_ =	swait.ge [sflag:s0], $0x200  }
0x24c: {  	[sflag:s0] =	ssyncset.done $0x0  }
0x24d: {  	[sflag:s0] =	ssyncadd.s32 $0xFFFFFE00  }
0x24e: {  	_ =	swait.ge [sflag:s31], $0x200  }
0x24f: {  	[sflag:s31] =	ssyncset.done $0x0  }
0x250: {  	[sflag:s31] =	ssyncadd.s32 $0xFFFFFE00  }
0x251: {  	_ =	swait.ge [sflag:s29], $0x200  }
0x252: {  	[sflag:s29] =	ssyncset.done $0x0  }
0x253: {  	[sflag:s29] =	ssyncadd.s32 $0xFFFFFE00  }
0x254: {  	_ =	swait.ge [sflag:s26], $0x200  }
0x255: {  	[sflag:s26] =	ssyncset.done $0x0  }
0x256: {  	[sflag:s26] =	ssyncadd.s32 $0xFFFFFE00  }
0x257: {  	_ =	swait.ge [sflag:s23], $0x200  }
0x258: {  	[sflag:s23] =	ssyncset.done $0x0  }
0x259: {  	[sflag:s23] =	ssyncadd.s32 $0xFFFFFE00  }
0x25a: {  	_ =	swait.ge [sflag:s21], $0x200  }
0x25b: {  	[sflag:s21] =	ssyncset.done $0x0  }
0x25c: {  	[sflag:s21] =	ssyncadd.s32 $0xFFFFFE00  }
0x25d: {  	_ =	swait.ge [sflag:s19], $0x200  }
0x25e: {  	[sflag:s19] =	ssyncset.done $0x0  }
0x25f: {  	[sflag:s19] =	ssyncadd.s32 $0xFFFFFE00  }
0x260: {  	_ =	swait.ge [sflag:s17], $0x200  }
0x261: {  	[sflag:s17] =	ssyncset.done $0x0  }
0x262: {  	[sflag:s17] =	ssyncadd.s32 $0xFFFFFE00  }
0x263: {  	_ =	swait.ge [sflag:s14], $0x200  }
0x264: {  	[sflag:s14] =	ssyncset.done $0x0  }
0x265: {  	[sflag:s14] =	ssyncadd.s32 $0xFFFFFE00  }
0x266: {  	_ =	swait.ge [sflag:s12], $0x200  }
0x267: {  	[sflag:s12] =	ssyncset.done $0x0  }
0x268: {  	[sflag:s12] =	ssyncadd.s32 $0xFFFFFE00  }
0x269: {  	_ =	swait.ge [sflag:s10], $0x200  }
0x26a: {  	[sflag:s10] =	ssyncset.done $0x0  }
0x26b: {  	[sflag:s10] =	ssyncadd.s32 $0xFFFFFE00  }
0x26c: {  	_ =	swait.ge [sflag:s9], $0x200  }
0x26d: {  	[sflag:s9] =	ssyncset.done $0x0  }
0x26e: {  	[sflag:s9] =	ssyncadd.s32 $0xFFFFFE00  }
0x26f: {  	_ =	swait.ge [sflag:s8], $0x200  }
0x270: {  	[sflag:s8] =	ssyncset.done $0x0  }
0x271: {  	s28 =	simm.s32 $0xF;
	[sflag:s8] =	ssyncadd.s32 $0xFFFFFE00  }
0x272: {  	_ =	swait.ge [sflag:s28], $0x2000  }
0x273: {  	s0 =	rddreg [dreg:$0x1f];
	[sflag:s28] =	ssyncset.done $0x0  }
0x274: {  	s2 =	rddreg [dreg:$0x4];
	[sflag:s28] =	ssyncadd.s32 $0xFFFFE000  }
0x275: {  	[hbm4b:s0+s5] =	stream.strided.scatter [tilespmem:s1], [sflag:$0xF], $0x2000, s6, s5, $0x38;
	[tilespmem:$0x1F400] =	vst v63  }
0x276: {  	s31 =	sld [smem:$0x7CB];
	s28 =	simm.s32 $0x3400  }
0x277: {  	[tilespmem:s28], [sflag:$0x1] =	stream.indirect.gather [hbm4b:s2+s16], $0x10, s7, s16, $0xb8;
	[tilespmem:$0x1F400] =	vst v63  }
0x278: {  	s1 =	sld [smem:$0x7CC];
	s0 =	simm.s32 $0x5400  }
0x279: {  	[tilespmem:s0], [sflag:$0x2] =	stream.indirect.gather [hbm4b:s31+s16], $0x10, s16, s16, $0xb8;
	[tilespmem:$0x1F400] =	vst v63  }
0x27a: {  	s2 =	sld [smem:$0x7CD];
	s31 =	simm.s32 $0x7400  }
0x27b: {  	[tilespmem:s31], [sflag:$0x3] =	stream.indirect.gather [hbm4b:s1+s16], $0x10, s4, s16, $0xb8;
	[tilespmem:$0x1F400] =	vst v63  }
0x27c: {  	s4 =	sld [smem:$0x7CE];
	s1 =	simm.s32 $0x9400  }
0x27d: {  	[tilespmem:s1], [sflag:$0x4] =	stream.indirect.gather [hbm4b:s2+s16], $0x10, s11, s16, $0xb8;
	[tilespmem:$0x1F400] =	vst v63  }
0x27e: {  	s15 =	sld [smem:$0x7CF];
	s2 =	simm.s32 $0xB400  }
0x27f: {  	[tilespmem:s2], [sflag:$0x5] =	stream.indirect.gather [hbm4b:s4+s16], $0x10, s20, s16, $0xb8;
	[tilespmem:$0x1F400] =	vst v63  }
0x280: {  	s18 =	sld [smem:$0x7D0];
	s4 =	simm.s32 $0xD400  }
0x281: {  	[tilespmem:s4], [sflag:$0x6] =	stream.indirect.gather [hbm4b:s15+s16], $0x10, s22, s16, $0xb8;
	[tilespmem:$0x1F400] =	vst v63  }
0x282: {  	s20 =	simm.s32 $0xF400;
	s22 =	sld [smem:$0x7D1]  }
0x283: {  	[tilespmem:s20], [sflag:$0x7] =	stream.indirect.gather [hbm4b:s18+s16], $0x10, s25, s16, $0xb8;
	[tilespmem:$0x1F400] =	vst v63  }
0x284: {  	s18 =	sld [smem:$0x7D2];
	s25 =	simm.s32 $0x11400  }
0x285: {  	[tilespmem:s25], [sflag:$0x8] =	stream.indirect.gather [hbm4b:s22+s16], $0x10, s30, s16, $0xb8;
	[tilespmem:$0x1F400] =	vst v63  }
0x286: {  	s15 =	sld [smem:$0x7D3];
	s22 =	simm.s32 $0x13400;
	s30 =	simm.s32 $0x1000  }
0x287: {  	[tilespmem:s22], [sflag:$0x9] =	stream.indirect.gather [hbm4b:s18+s16], $0x10, s30, s16, $0xb8;
	[tilespmem:$0x1F400] =	vst v63  }
0x288: {  	s18 =	sld [smem:$0x7D4];
	s30 =	simm.s32 $0x15400;
	s22 =	simm.s32 $0x1200  }
0x289: {  	[tilespmem:s30], [sflag:$0xA] =	stream.indirect.gather [hbm4b:s15+s16], $0x10, s22, s16, $0xb8;
	[tilespmem:$0x1F400] =	vst v63  }
0x28a: {  	s15 =	sld [smem:$0x7D5];
	s30 =	simm.s32 $0x17400;
	s22 =	simm.s32 $0x1400  }
0x28b: {  	[tilespmem:s30], [sflag:$0xB] =	stream.indirect.gather [hbm4b:s18+s16], $0x10, s22, s16, $0xb8;
	[tilespmem:$0x1F400] =	vst v63  }
0x28c: {  	s18 =	sld [smem:$0x7D6];
	s30 =	simm.s32 $0x19400;
	s22 =	simm.s32 $0x1600  }
0x28d: {  	[tilespmem:s30], [sflag:$0xC] =	stream.indirect.gather [hbm4b:s15+s16], $0x10, s22, s16, $0xb8;
	[tilespmem:$0x1F400] =	vst v63  }
0x28e: {  	s15 =	simm.s32 $0x1B400;
	s22 =	simm.s32 $0x1800  }
0x28f: {  	[tilespmem:s15], [sflag:$0xD] =	stream.indirect.gather [hbm4b:s18+s16], $0x10, s22, s16, $0xb8;
	[tilespmem:$0x1F400] =	vst v63  }
0x290: {  	_ =	swait.ge [sflag:s24], $0x2000  }
0x291: {  	s30 =	sld [smem:$0x7FC]  }
0x292: {  	[sflag:s24] =	ssyncset.done $0x0  }
0x293: {  	[sflag:s24] =	ssyncadd.s32 $0xFFFFE000  }
0x294: {  	[hbm4b:s30+s5] =	stream.strided.scatter [tilespmem:s28], [sflag:$0xE], $0x2000, s6, s5, $0x38;
	[tilespmem:$0x1F400] =	vst v63  }
0x295: {  	_ =	swait.ge [sflag:s3], $0x2000  }
0x296: {  	s18 =	sld [smem:$0x7D7]  }
0x297: {  	[sflag:s3] =	ssyncset.done $0x0  }
0x298: {  	s29 =	simm.s32 $0x2;
	s22 =	simm.s32 $0x1A00;
	[sflag:s3] =	ssyncadd.s32 $0xFFFFE000  }
0x299: {  	[tilespmem:s28], [sflag:$0x1] =	stream.indirect.gather [hbm4b:s18+s16], $0x10, s22, s16, $0xb8;
	[tilespmem:$0x1F400] =	vst v63  }
0x29a: {  	_ =	swait.ge [sflag:s29], $0x2000  }
0x29b: {  	s30 =	sld [smem:$0x7D8]  }
0x29c: {  	[sflag:s29] =	ssyncset.done $0x0  }
0x29d: {  	[sflag:s29] =	ssyncadd.s32 $0xFFFFE000  }
0x29e: {  	[hbm4b:s30+s5] =	stream.strided.scatter [tilespmem:s0], [sflag:$0xE], $0x2000, s6, s5, $0x38;
	[tilespmem:$0x1F400] =	vst v63  }
0x29f: {  	_ =	swait.ge [sflag:s3], $0x2000  }
0x2a0: {  	s18 =	sld [smem:$0x7D9]  }
0x2a1: {  	[sflag:s3] =	ssyncset.done $0x0  }
0x2a2: {  	s26 =	simm.s32 $0x3;
	s22 =	simm.s32 $0x1C00;
	[sflag:s3] =	ssyncadd.s32 $0xFFFFE000  }
0x2a3: {  	[tilespmem:s0], [sflag:$0x2] =	stream.indirect.gather [hbm4b:s18+s16], $0x10, s22, s16, $0xb8;
	[tilespmem:$0x1F400] =	vst v63  }
0x2a4: {  	_ =	swait.ge [sflag:s26], $0x2000  }
0x2a5: {  	s30 =	sld [smem:$0x7DA]  }
0x2a6: {  	[sflag:s26] =	ssyncset.done $0x0  }
0x2a7: {  	[sflag:s26] =	ssyncadd.s32 $0xFFFFE000  }
0x2a8: {  	[hbm4b:s30+s5] =	stream.strided.scatter [tilespmem:s31], [sflag:$0xE], $0x2000, s6, s5, $0x38;
	[tilespmem:$0x1F400] =	vst v63  }
0x2a9: {  	_ =	swait.ge [sflag:s3], $0x2000  }
0x2aa: {  	s18 =	sld [smem:$0x7DB]  }
0x2ab: {  	[sflag:s3] =	ssyncset.done $0x0  }
0x2ac: {  	s23 =	simm.s32 $0x4;
	s22 =	simm.s32 $0x1E00;
	[sflag:s3] =	ssyncadd.s32 $0xFFFFE000  }
0x2ad: {  	[tilespmem:s31], [sflag:$0x3] =	stream.indirect.gather [hbm4b:s18+s16], $0x10, s22, s16, $0xb8;
	[tilespmem:$0x1F400] =	vst v63  }
0x2ae: {  	_ =	swait.ge [sflag:s23], $0x2000  }
0x2af: {  	s30 =	sld [smem:$0x7DC]  }
0x2b0: {  	[sflag:s23] =	ssyncset.done $0x0  }
0x2b1: {  	[sflag:s23] =	ssyncadd.s32 $0xFFFFE000  }
0x2b2: {  	[hbm4b:s30+s5] =	stream.strided.scatter [tilespmem:s1], [sflag:$0xE], $0x2000, s6, s5, $0x38;
	[tilespmem:$0x1F400] =	vst v63  }
0x2b3: {  	_ =	swait.ge [sflag:s3], $0x2000  }
0x2b4: {  	s18 =	sld [smem:$0x7DD]  }
0x2b5: {  	[sflag:s3] =	ssyncset.done $0x0  }
0x2b6: {  	s21 =	simm.s32 $0x5;
	s22 =	simm.s32 $0x2000;
	[sflag:s3] =	ssyncadd.s32 $0xFFFFE000  }
0x2b7: {  	[tilespmem:s1], [sflag:$0x4] =	stream.indirect.gather [hbm4b:s18+s16], $0x10, s22, s16, $0xb8;
	[tilespmem:$0x1F400] =	vst v63  }
0x2b8: {  	_ =	swait.ge [sflag:s21], $0x2000  }
0x2b9: {  	s30 =	sld [smem:$0x7DE]  }
0x2ba: {  	[sflag:s21] =	ssyncset.done $0x0  }
0x2bb: {  	[sflag:s21] =	ssyncadd.s32 $0xFFFFE000  }
0x2bc: {  	[hbm4b:s30+s5] =	stream.strided.scatter [tilespmem:s2], [sflag:$0xE], $0x2000, s6, s5, $0x38;
	[tilespmem:$0x1F400] =	vst v63  }
0x2bd: {  	_ =	swait.ge [sflag:s3], $0x2000  }
0x2be: {  	s18 =	sld [smem:$0x7DF]  }
0x2bf: {  	[sflag:s3] =	ssyncset.done $0x0  }
0x2c0: {  	s19 =	simm.s32 $0x6;
	s22 =	simm.s32 $0x2200;
	[sflag:s3] =	ssyncadd.s32 $0xFFFFE000  }
0x2c1: {  	[tilespmem:s2], [sflag:$0x5] =	stream.indirect.gather [hbm4b:s18+s16], $0x10, s22, s16, $0xb8;
	[tilespmem:$0x1F400] =	vst v63  }
0x2c2: {  	_ =	swait.ge [sflag:s19], $0x2000  }
0x2c3: {  	s30 =	sld [smem:$0x7E0]  }
0x2c4: {  	[sflag:s19] =	ssyncset.done $0x0  }
0x2c5: {  	[sflag:s19] =	ssyncadd.s32 $0xFFFFE000  }
0x2c6: {  	[hbm4b:s30+s5] =	stream.strided.scatter [tilespmem:s4], [sflag:$0xE], $0x2000, s6, s5, $0x38;
	[tilespmem:$0x1F400] =	vst v63  }
0x2c7: {  	_ =	swait.ge [sflag:s3], $0x2000  }
0x2c8: {  	s18 =	sld [smem:$0x7E1]  }
0x2c9: {  	[sflag:s3] =	ssyncset.done $0x0  }
0x2ca: {  	s17 =	simm.s32 $0x7;
	s22 =	simm.s32 $0x2400;
	[sflag:s3] =	ssyncadd.s32 $0xFFFFE000  }
0x2cb: {  	[tilespmem:s4], [sflag:$0x6] =	stream.indirect.gather [hbm4b:s18+s16], $0x10, s22, s16, $0xb8;
	[tilespmem:$0x1F400] =	vst v63  }
0x2cc: {  	_ =	swait.ge [sflag:s17], $0x2000  }
0x2cd: {  	s30 =	sld [smem:$0x7E2]  }
0x2ce: {  	[sflag:s17] =	ssyncset.done $0x0  }
0x2cf: {  	[sflag:s17] =	ssyncadd.s32 $0xFFFFE000  }
0x2d0: {  	[hbm4b:s30+s5] =	stream.strided.scatter [tilespmem:s20], [sflag:$0xE], $0x2000, s6, s5, $0x38;
	[tilespmem:$0x1F400] =	vst v63  }
0x2d1: {  	_ =	swait.ge [sflag:s3], $0x2000  }
0x2d2: {  	s18 =	sld [smem:$0x7E3]  }
0x2d3: {  	[sflag:s3] =	ssyncset.done $0x0  }
0x2d4: {  	s14 =	simm.s32 $0x8;
	s22 =	simm.s32 $0x2600;
	[sflag:s3] =	ssyncadd.s32 $0xFFFFE000  }
0x2d5: {  	[tilespmem:s20], [sflag:$0x7] =	stream.indirect.gather [hbm4b:s18+s16], $0x10, s22, s16, $0xb8;
	[tilespmem:$0x1F400] =	vst v63  }
0x2d6: {  	_ =	swait.ge [sflag:s14], $0x2000  }
0x2d7: {  	s30 =	sld [smem:$0x7E4]  }
0x2d8: {  	[sflag:s14] =	ssyncset.done $0x0  }
0x2d9: {  	[sflag:s14] =	ssyncadd.s32 $0xFFFFE000  }
0x2da: {  	[hbm4b:s30+s5] =	stream.strided.scatter [tilespmem:s25], [sflag:$0xE], $0x2000, s6, s5, $0x38;
	[tilespmem:$0x1F400] =	vst v63  }
0x2db: {  	_ =	swait.ge [sflag:s3], $0x2000  }
0x2dc: {  	s18 =	sld [smem:$0x7E5]  }
0x2dd: {  	[sflag:s3] =	ssyncset.done $0x0  }
0x2de: {  	s12 =	simm.s32 $0x9;
	s22 =	simm.s32 $0x2800;
	[sflag:s3] =	ssyncadd.s32 $0xFFFFE000  }
0x2df: {  	[tilespmem:s25], [sflag:$0x8] =	stream.indirect.gather [hbm4b:s18+s16], $0x10, s22, s16, $0xb8;
	[tilespmem:$0x1F400] =	vst v63  }
0x2e0: {  	_ =	swait.ge [sflag:s12], $0x2000  }
0x2e1: {  	s30 =	sld [smem:$0x7E6]  }
0x2e2: {  	[sflag:s12] =	ssyncset.done $0x0  }
0x2e3: {  	s22 =	simm.s32 $0x13400;
	[sflag:s12] =	ssyncadd.s32 $0xFFFFE000  }
0x2e4: {  	[hbm4b:s30+s5] =	stream.strided.scatter [tilespmem:s22], [sflag:$0xE], $0x2000, s6, s5, $0x38;
	[tilespmem:$0x1F400] =	vst v63  }
0x2e5: {  	_ =	swait.ge [sflag:s3], $0x2000  }
0x2e6: {  	s18 =	sld [smem:$0x7E7]  }
0x2e7: {  	[sflag:s3] =	ssyncset.done $0x0  }
0x2e8: {  	s10 =	simm.s32 $0xA;
	s30 =	simm.s32 $0x2A00;
	[sflag:s3] =	ssyncadd.s32 $0xFFFFE000  }
0x2e9: {  	[tilespmem:s22], [sflag:$0x9] =	stream.indirect.gather [hbm4b:s18+s16], $0x10, s30, s16, $0xb8;
	[tilespmem:$0x1F400] =	vst v63  }
0x2ea: {  	_ =	swait.ge [sflag:s10], $0x2000  }
0x2eb: {  	s18 =	sld [smem:$0x7E8]  }
0x2ec: {  	[sflag:s10] =	ssyncset.done $0x0  }
0x2ed: {  	s30 =	simm.s32 $0x15400;
	[sflag:s10] =	ssyncadd.s32 $0xFFFFE000  }
0x2ee: {  	[hbm4b:s18+s5] =	stream.strided.scatter [tilespmem:s30], [sflag:$0xE], $0x2000, s6, s5, $0x38;
	[tilespmem:$0x1F400] =	vst v63  }
0x2ef: {  	_ =	swait.ge [sflag:s3], $0x2000  }
0x2f0: {  	s15 =	sld [smem:$0x7E9]  }
0x2f1: {  	[sflag:s3] =	ssyncset.done $0x0  }
0x2f2: {  	s9 =	simm.s32 $0xB;
	s18 =	simm.s32 $0x2C00;
	[sflag:s3] =	ssyncadd.s32 $0xFFFFE000  }
0x2f3: {  	[tilespmem:s30], [sflag:$0xA] =	stream.indirect.gather [hbm4b:s15+s16], $0x10, s18, s16, $0xb8;
	[tilespmem:$0x1F400] =	vst v63  }
0x2f4: {  	_ =	swait.ge [sflag:s9], $0x2000  }
0x2f5: {  	s18 =	sld [smem:$0x7EA]  }
0x2f6: {  	[sflag:s9] =	ssyncset.done $0x0  }
0x2f7: {  	s30 =	simm.s32 $0x17400;
	[sflag:s9] =	ssyncadd.s32 $0xFFFFE000  }
0x2f8: {  	[hbm4b:s18+s5] =	stream.strided.scatter [tilespmem:s30], [sflag:$0xE], $0x2000, s6, s5, $0x38;
	[tilespmem:$0x1F400] =	vst v63  }
0x2f9: {  	_ =	swait.ge [sflag:s3], $0x2000  }
0x2fa: {  	s15 =	sld [smem:$0x7EB]  }
0x2fb: {  	[sflag:s3] =	ssyncset.done $0x0  }
0x2fc: {  	s8 =	simm.s32 $0xC;
	s18 =	simm.s32 $0x2E00;
	[sflag:s3] =	ssyncadd.s32 $0xFFFFE000  }
0x2fd: {  	[tilespmem:s30], [sflag:$0xB] =	stream.indirect.gather [hbm4b:s15+s16], $0x10, s18, s16, $0xb8;
	[tilespmem:$0x1F400] =	vst v63  }
0x2fe: {  	_ =	swait.ge [sflag:s8], $0x2000  }
0x2ff: {  	s18 =	sld [smem:$0x7EC]  }
0x300: {  	[sflag:s8] =	ssyncset.done $0x0  }
0x301: {  	s30 =	simm.s32 $0x19400;
	[sflag:s8] =	ssyncadd.s32 $0xFFFFE000  }
0x302: {  	[hbm4b:s18+s5] =	stream.strided.scatter [tilespmem:s30], [sflag:$0xE], $0x2000, s6, s5, $0x38;
	[tilespmem:$0x1F400] =	vst v63  }
0x303: {  	_ =	swait.ge [sflag:s3], $0x2000  }
0x304: {  	s15 =	sld [smem:$0x7ED]  }
0x305: {  	[sflag:s3] =	ssyncset.done $0x0  }
0x306: {  	s11 =	simm.s32 $0xD;
	s18 =	simm.s32 $0x3000;
	[sflag:s3] =	ssyncadd.s32 $0xFFFFE000  }
0x307: {  	[tilespmem:s30], [sflag:$0xC] =	stream.indirect.gather [hbm4b:s15+s16], $0x10, s18, s16, $0xb8;
	[tilespmem:$0x1F400] =	vst v63  }
0x308: {  	_ =	swait.ge [sflag:s11], $0x2000  }
0x309: {  	s18 =	sld [smem:$0x7EE]  }
0x30a: {  	[sflag:s11] =	ssyncset.done $0x0  }
0x30b: {  	s30 =	simm.s32 $0x1B400;
	[sflag:s11] =	ssyncadd.s32 $0xFFFFE000  }
0x30c: {  	[hbm4b:s18+s5] =	stream.strided.scatter [tilespmem:s30], [sflag:$0xE], $0x2000, s6, s5, $0x38;
	[tilespmem:$0x1F400] =	vst v63  }
0x30d: {  	_ =	swait.ge [sflag:s3], $0x2000  }
0x30e: {  	s15 =	sld [smem:$0x7EF]  }
0x30f: {  	[sflag:s3] =	ssyncset.done $0x0  }
0x310: {  	s18 =	simm.s32 $0x3200;
	[sflag:s3] =	ssyncadd.s32 $0xFFFFE000  }
0x311: {  	[tilespmem:s30], [sflag:$0xD] =	stream.indirect.gather [hbm4b:s15+s16], $0x10, s18, s16, $0xb8;
	[tilespmem:$0x1F400] =	vst v63  }
0x312: {  	_ =	swait.ge [sflag:s24], $0x2000  }
0x313: {  	s30 =	sld [smem:$0x7F0]  }
0x314: {  	[sflag:s24] =	ssyncset.done $0x0  }
0x315: {  	[sflag:s24] =	ssyncadd.s32 $0xFFFFE000  }
0x316: {  	[hbm4b:s30+s5] =	stream.strided.scatter [tilespmem:s28], [sflag:$0xE], $0x2000, s6, s5, $0x38;
	[tilespmem:$0x1F400] =	vst v63  }
0x317: {  	_ =	swait.ge [sflag:s29], $0x2000  }
0x318: {  	s28 =	sld [smem:$0x7F1]  }
0x319: {  	[sflag:s29] =	ssyncset.done $0x0  }
0x31a: {  	[sflag:s29] =	ssyncadd.s32 $0xFFFFE000  }
0x31b: {  	[hbm4b:s28+s5] =	stream.strided.scatter [tilespmem:s0], [sflag:$0xE], $0x2000, s6, s5, $0x38;
	[tilespmem:$0x1F400] =	vst v63  }
0x31c: {  	_ =	swait.ge [sflag:s26], $0x2000  }
0x31d: {  	s30 =	sld [smem:$0x7F2]  }
0x31e: {  	[sflag:s26] =	ssyncset.done $0x0  }
0x31f: {  	[sflag:s26] =	ssyncadd.s32 $0xFFFFE000  }
0x320: {  	[hbm4b:s30+s5] =	stream.strided.scatter [tilespmem:s31], [sflag:$0xE], $0x2000, s6, s5, $0x38;
	[tilespmem:$0x1F400] =	vst v63  }
0x321: {  	_ =	swait.ge [sflag:s23], $0x2000  }
0x322: {  	s0 =	sld [smem:$0x7F3]  }
0x323: {  	[sflag:s23] =	ssyncset.done $0x0  }
0x324: {  	[sflag:s23] =	ssyncadd.s32 $0xFFFFE000  }
0x325: {  	[hbm4b:s0+s5] =	stream.strided.scatter [tilespmem:s1], [sflag:$0xE], $0x2000, s6, s5, $0x38;
	[tilespmem:$0x1F400] =	vst v63  }
0x326: {  	_ =	swait.ge [sflag:s21], $0x2000  }
0x327: {  	s28 =	sld [smem:$0x7F4]  }
0x328: {  	[sflag:s21] =	ssyncset.done $0x0  }
0x329: {  	[sflag:s21] =	ssyncadd.s32 $0xFFFFE000  }
0x32a: {  	[hbm4b:s28+s5] =	stream.strided.scatter [tilespmem:s2], [sflag:$0xE], $0x2000, s6, s5, $0x38;
	[tilespmem:$0x1F400] =	vst v63  }
0x32b: {  	_ =	swait.ge [sflag:s19], $0x2000  }
0x32c: {  	s30 =	sld [smem:$0x7F5]  }
0x32d: {  	[sflag:s19] =	ssyncset.done $0x0  }
0x32e: {  	[sflag:s19] =	ssyncadd.s32 $0xFFFFE000  }
0x32f: {  	[hbm4b:s30+s5] =	stream.strided.scatter [tilespmem:s4], [sflag:$0xE], $0x2000, s6, s5, $0x38;
	[tilespmem:$0x1F400] =	vst v63  }
0x330: {  	_ =	swait.ge [sflag:s17], $0x2000  }
0x331: {  	s31 =	sld [smem:$0x7F6]  }
0x332: {  	[sflag:s17] =	ssyncset.done $0x0  }
0x333: {  	[sflag:s17] =	ssyncadd.s32 $0xFFFFE000  }
0x334: {  	[hbm4b:s31+s5] =	stream.strided.scatter [tilespmem:s20], [sflag:$0xE], $0x2000, s6, s5, $0x38;
	[tilespmem:$0x1F400] =	vst v63  }
0x335: {  	_ =	swait.ge [sflag:s14], $0x2000  }
0x336: {  	s0 =	sld [smem:$0x7F7]  }
0x337: {  	[sflag:s14] =	ssyncset.done $0x0  }
0x338: {  	[sflag:s14] =	ssyncadd.s32 $0xFFFFE000  }
0x339: {  	[hbm4b:s0+s5] =	stream.strided.scatter [tilespmem:s25], [sflag:$0xE], $0x2000, s6, s5, $0x38;
	[tilespmem:$0x1F400] =	vst v63  }
0x33a: {  	_ =	swait.ge [sflag:s12], $0x2000  }
0x33b: {  	s1 =	sld [smem:$0x7F8]  }
0x33c: {  	[sflag:s12] =	ssyncset.done $0x0  }
0x33d: {  	s22 =	simm.s32 $0x13400;
	[sflag:s12] =	ssyncadd.s32 $0xFFFFE000  }
0x33e: {  	[hbm4b:s1+s5] =	stream.strided.scatter [tilespmem:s22], [sflag:$0xE], $0x2000, s6, s5, $0x38;
	[tilespmem:$0x1F400] =	vst v63  }
0x33f: {  	_ =	swait.ge [sflag:s10], $0x2000  }
0x340: {  	s2 =	sld [smem:$0x7F9]  }
0x341: {  	[sflag:s10] =	ssyncset.done $0x0  }
0x342: {  	s4 =	simm.s32 $0x15400;
	[sflag:s10] =	ssyncadd.s32 $0xFFFFE000  }
0x343: {  	[hbm4b:s2+s5] =	stream.strided.scatter [tilespmem:s4], [sflag:$0xE], $0x2000, s6, s5, $0x38;
	[tilespmem:$0x1F400] =	vst v63  }
0x344: {  	_ =	swait.ge [sflag:s9], $0x2000  }
0x345: {  	s20 =	sld [smem:$0x7FA]  }
0x346: {  	[sflag:s9] =	ssyncset.done $0x0  }
0x347: {  	s22 =	simm.s32 $0x17400;
	[sflag:s9] =	ssyncadd.s32 $0xFFFFE000  }
0x348: {  	[hbm4b:s20+s5] =	stream.strided.scatter [tilespmem:s22], [sflag:$0xE], $0x2000, s6, s5, $0x38;
	[tilespmem:$0x1F400] =	vst v63  }
0x349: {  	_ =	swait.ge [sflag:s8], $0x2000  }
0x34a: {  	s25 =	sld [smem:$0x7FB]  }
0x34b: {  	[sflag:s8] =	ssyncset.done $0x0  }
0x34c: {  	s28 =	simm.s32 $0x19400;
	[sflag:s8] =	ssyncadd.s32 $0xFFFFE000  }
0x34d: {  	[hbm4b:s25+s5] =	stream.strided.scatter [tilespmem:s28], [sflag:$0xE], $0x2000, s6, s5, $0x38;
	[tilespmem:$0x1F400] =	vst v63  }
0x34e: {  	_ =	swait.ge [sflag:s11], $0x2000  }
0x34f: {  	s30 =	sld [smem:$0x7FD]  }
0x350: {  	[sflag:s11] =	ssyncset.done $0x0  }
0x351: {  	s18 =	simm.s32 $0x1B400;
	[sflag:s11] =	ssyncadd.s32 $0xFFFFE000  }
0x352: {  	[hbm4b:s30+s5] =	stream.strided.scatter [tilespmem:s18], [sflag:$0xE], $0x2000, s6, s5, $0x38;
	[tilespmem:$0x1F400] =	vst v63  }
0x353: {  	_ =	swait.ge [sflag:s3], $0x2000  }
0x354: {  	[sflag:s3] =	ssyncset.done $0x0  }
0x355: {  	[sflag:s3] =	ssyncadd.s32 $0xFFFFE000  }
0x356: {  	_ =	swait.ge [sflag:s3], $0x2000  }
0x357: {  	[sflag:s3] =	ssyncset.done $0x0  }
0x358: {  	[sflag:s3] =	ssyncadd.s32 $0xFFFFE000  }
0x359: {  	_ =	swait.ge [sflag:s3], $0x2000  }
0x35a: {  	[sflag:s3] =	ssyncset.done $0x0  }
0x35b: {  	[sflag:s3] =	ssyncadd.s32 $0xFFFFE000  }
0x35c: {  	_ =	swait.ge [sflag:s3], $0x2000  }
0x35d: {  	[sflag:s3] =	ssyncset.done $0x0  }
0x35e: {  	[sflag:s3] =	ssyncadd.s32 $0xFFFFE000  }
0x35f: {  	_ =	swait.ge [sflag:s3], $0x2000  }
0x360: {  	[sflag:s3] =	ssyncset.done $0x0  }
0x361: {  	[sflag:s3] =	ssyncadd.s32 $0xFFFFE000  }
0x362: {  	_ =	swait.ge [sflag:s3], $0x2000  }
0x363: {  	[sflag:s3] =	ssyncset.done $0x0  }
0x364: {  	[sflag:s3] =	ssyncadd.s32 $0xFFFFE000  }
0x365: {  	_ =	swait.ge [sflag:s3], $0x2000  }
0x366: {  	[sflag:s3] =	ssyncset.done $0x0  }
0x367: {  	[sflag:s3] =	ssyncadd.s32 $0xFFFFE000  }
0x368: {  	_ =	swait.ge [sflag:s3], $0x2000  }
0x369: {  	[sflag:s3] =	ssyncset.done $0x0  }
0x36a: {  	[sflag:s3] =	ssyncadd.s32 $0xFFFFE000  }
0x36b: {  	_ =	swait.ge [sflag:s3], $0x2000  }
0x36c: {  	[sflag:s3] =	ssyncset.done $0x0  }
0x36d: {  	[sflag:s3] =	ssyncadd.s32 $0xFFFFE000  }
0x36e: {  	_ =	swait.ge [sflag:s3], $0x2000  }
0x36f: {  	[sflag:s3] =	ssyncset.done $0x0  }
0x370: {  	[sflag:s3] =	ssyncadd.s32 $0xFFFFE000  }
0x371: {  	_ =	swait.ge [sflag:s3], $0x2000  }
0x372: {  	[sflag:s3] =	ssyncset.done $0x0  }
0x373: {  	[sflag:s3] =	ssyncadd.s32 $0xFFFFE000  }
0x374: {  	_ =	swait.ge [sflag:s3], $0x2000  }
0x375: {  	[sflag:s3] =	ssyncset.done $0x0  }
0x376: {  	p1 =	sne.s32 s13, $0x1;
	[sflag:s3] =	ssyncadd.s32 $0xFFFFE000  }
.Ltmp2:
0x377: {  	_ =	swait.ge [sflag:s3], $0x2000;
	(pc) =	sbr.rel @p1 .LBB2_4-.Ltmp2, $4  }
0x378: {  	[sflag:s3] =	ssyncset.done $0x0  }
0x379: {  	s31 =	simm.s32 $0xF;
	[sflag:s3] =	ssyncadd.s32 $0xFFFFE000  }
0x37a: {  	s13 =	sadd.s32 $0xFFFFFFFF, s13;
	_ =	swait.ge [sflag:s31], $0x2000  }
0x37b: {  	s0 =	simm.s32 $0xF;
	s15 =	rddreg [dreg:$0x5];
	[sflag:s31] =	ssyncset.done $0x0  }
0x37c: {  	s0 =	sld [smem:$0x7C9]  }
0x37d: {  	s18 =	simm.s32 $0x7400;
	s22 =	simm.s32 $0x5400;
	s2 =	simm.s32 $0x3000  }
.LBB2_6:
0x37e: {  	s1 =	simm.s32 $0xF  }
0x37f: {  	[sflag:s1] =	ssyncadd.s32 @p0 $0xFFFFE000;
	s1 =	simm.s32 $0x1D400  }
0x380: {  	[tilespmem:s1], [sflag:$0xF] =	stream.linear.gather [hbm4b:s15+s7], $0x2000, $0x38;
	[tilespmem:$0x1F400] =	vst v63  }
0x381: {  	_ = 	snop  }
0x382: {  	[tilespmem:s7], [sflag:$0x1] =	stream.linear.gather [hbm4b:s0+s7], $0x200, $0x38;
	[tilespmem:$0x1F400] =	vst v63  }
0x383: {  	s13 =	rddreg [dreg:$0x6]  }
0x384: {  	[tilespmem:s16], [sflag:$0x2] =	stream.linear.gather [hbm4b:s13+s7], $0x200, $0x38;
	[tilespmem:$0x1F400] =	vst v63  }
0x385: {  	s28 =	rddreg [dreg:$0x7];
	s4 =	simm.s32 $0x400  }
0x386: {  	[tilespmem:s4], [sflag:$0x3] =	stream.linear.gather [hbm4b:s28+s7], $0x200, $0x38;
	[tilespmem:$0x1F400] =	vst v63  }
0x387: {  	s30 =	rddreg [dreg:$0x8];
	s20 =	simm.s32 $0x600  }
0x388: {  	[tilespmem:s20], [sflag:$0x4] =	stream.linear.gather [hbm4b:s30+s7], $0x200, $0x38;
	[tilespmem:$0x1F400] =	vst v63  }
0x389: {  	s31 =	rddreg [dreg:$0x9];
	s25 =	simm.s32 $0x800  }
0x38a: {  	[tilespmem:s25], [sflag:$0x5] =	stream.linear.gather [hbm4b:s31+s7], $0x200, $0x38;
	[tilespmem:$0x1F400] =	vst v63  }
0x38b: {  	s0 =	rddreg [dreg:$0xa];
	s28 =	simm.s32 $0xA00  }
0x38c: {  	[tilespmem:s28], [sflag:$0x6] =	stream.linear.gather [hbm4b:s0+s7], $0x200, $0x38;
	[tilespmem:$0x1F400] =	vst v63  }
0x38d: {  	s30 =	rddreg [dreg:$0xb];
	s31 =	simm.s32 $0xC00  }
0x38e: {  	[tilespmem:s31], [sflag:$0x7] =	stream.linear.gather [hbm4b:s30+s7], $0x200, $0x38;
	[tilespmem:$0x1F400] =	vst v63  }
0x38f: {  	s13 =	rddreg [dreg:$0xc];
	s30 =	simm.s32 $0xE00  }
0x390: {  	[tilespmem:s30], [sflag:$0x8] =	stream.linear.gather [hbm4b:s13+s7], $0x200, $0x38;
	[tilespmem:$0x1F400] =	vst v63  }
0x391: {  	s15 =	rddreg [dreg:$0xd];
	s31 =	simm.s32 $0x1000  }
0x392: {  	[tilespmem:s31], [sflag:$0x9] =	stream.linear.gather [hbm4b:s15+s7], $0x200, $0x38;
	[tilespmem:$0x1F400] =	vst v63  }
0x393: {  	s13 =	rddreg [dreg:$0xe];
	s31 =	simm.s32 $0x1200  }
0x394: {  	[tilespmem:s31], [sflag:$0xA] =	stream.linear.gather [hbm4b:s13+s7], $0x200, $0x38;
	[tilespmem:$0x1F400] =	vst v63  }
0x395: {  	s30 =	rddreg [dreg:$0xf];
	s31 =	simm.s32 $0x1400  }
0x396: {  	[tilespmem:s31], [sflag:$0xB] =	stream.linear.gather [hbm4b:s30+s7], $0x200, $0x38;
	[tilespmem:$0x1F400] =	vst v63  }
0x397: {  	s0 =	rddreg [dreg:$0x10];
	s30 =	simm.s32 $0x1600  }
0x398: {  	[tilespmem:s30], [sflag:$0xC] =	stream.linear.gather [hbm4b:s0+s7], $0x200, $0x38;
	[tilespmem:$0x1F400] =	vst v63  }
0x399: {  	s15 =	rddreg [dreg:$0x11];
	s30 =	simm.s32 $0x1800  }
0x39a: {  	[tilespmem:s30], [sflag:$0xD] =	stream.linear.gather [hbm4b:s15+s7], $0x200, $0x38;
	[tilespmem:$0x1F400] =	vst v63  }
0x39b: {  	s13 =	rddreg [dreg:$0x12];
	s30 =	simm.s32 $0x1A00  }
0x39c: {  	[tilespmem:s30], [sflag:$0x1] =	stream.linear.gather [hbm4b:s13+s7], $0x200, $0x38;
	[tilespmem:$0x1F400] =	vst v63  }
0x39d: {  	s0 =	simm.s32 $0x1C00;
	s15 =	rddreg [dreg:$0x13]  }
0x39e: {  	[tilespmem:s0], [sflag:$0x2] =	stream.linear.gather [hbm4b:s15+s7], $0x200, $0x38;
	[tilespmem:$0x1F400] =	vst v63  }
0x39f: {  	s13 =	rddreg [dreg:$0x14];
	s0 =	simm.s32 $0x1E00  }
0x3a0: {  	[tilespmem:s0], [sflag:$0x3] =	stream.linear.gather [hbm4b:s13+s7], $0x200, $0x38;
	[tilespmem:$0x1F400] =	vst v63  }
0x3a1: {  	s15 =	rddreg [dreg:$0x15];
	s0 =	simm.s32 $0x2000  }
0x3a2: {  	[tilespmem:s0], [sflag:$0x4] =	stream.linear.gather [hbm4b:s15+s7], $0x200, $0x38;
	[tilespmem:$0x1F400] =	vst v63  }
0x3a3: {  	s13 =	rddreg [dreg:$0x16];
	s0 =	simm.s32 $0x2200  }
0x3a4: {  	[tilespmem:s0], [sflag:$0x5] =	stream.linear.gather [hbm4b:s13+s7], $0x200, $0x38;
	[tilespmem:$0x1F400] =	vst v63  }
0x3a5: {  	s15 =	rddreg [dreg:$0x17];
	s0 =	simm.s32 $0x2400  }
0x3a6: {  	[tilespmem:s0], [sflag:$0x6] =	stream.linear.gather [hbm4b:s15+s7], $0x200, $0x38;
	[tilespmem:$0x1F400] =	vst v63  }
0x3a7: {  	s13 =	rddreg [dreg:$0x18];
	s0 =	simm.s32 $0x2600  }
0x3a8: {  	[tilespmem:s0], [sflag:$0x7] =	stream.linear.gather [hbm4b:s13+s7], $0x200, $0x38;
	[tilespmem:$0x1F400] =	vst v63  }
0x3a9: {  	s15 =	rddreg [dreg:$0x19];
	s0 =	simm.s32 $0x2800  }
0x3aa: {  	[tilespmem:s0], [sflag:$0x8] =	stream.linear.gather [hbm4b:s15+s7], $0x200, $0x38;
	[tilespmem:$0x1F400] =	vst v63  }
0x3ab: {  	s13 =	rddreg [dreg:$0x1a];
	s0 =	simm.s32 $0x2A00  }
0x3ac: {  	[tilespmem:s0], [sflag:$0x9] =	stream.linear.gather [hbm4b:s13+s7], $0x200, $0x38;
	[tilespmem:$0x1F400] =	vst v63  }
0x3ad: {  	s15 =	rddreg [dreg:$0x1b];
	s0 =	simm.s32 $0x2C00  }
0x3ae: {  	[tilespmem:s0], [sflag:$0xA] =	stream.linear.gather [hbm4b:s15+s7], $0x200, $0x38;
	[tilespmem:$0x1F400] =	vst v63  }
0x3af: {  	s13 =	rddreg [dreg:$0x1c];
	s0 =	simm.s32 $0x2E00  }
0x3b0: {  	[tilespmem:s0], [sflag:$0xB] =	stream.linear.gather [hbm4b:s13+s7], $0x200, $0x38;
	[tilespmem:$0x1F400] =	vst v63  }
0x3b1: {  	s15 =	rddreg [dreg:$0x1d]  }
0x3b2: {  	[tilespmem:s2], [sflag:$0xC] =	stream.linear.gather [hbm4b:s15+s7], $0x200, $0x38;
	[tilespmem:$0x1F400] =	vst v63  }
0x3b3: {  	s0 =	rddreg [dreg:$0x1e];
	s2 =	simm.s32 $0x3200  }
0x3b4: {  	[tilespmem:s2], [sflag:$0xD] =	stream.linear.gather [hbm4b:s0+s7], $0x200, $0x38;
	[tilespmem:$0x1F400] =	vst v63  }
0x3b5: {  	_ =	swait.ge [sflag:s24], $0x200  }
0x3b6: {  	[sflag:s24] =	ssyncset.done $0x0  }
0x3b7: {  	[sflag:s24] =	ssyncadd.s32 $0xFFFFFE00  }
0x3b8: {  	_ =	swait.ge [sflag:s29], $0x200  }
0x3b9: {  	[sflag:s29] =	ssyncset.done $0x0  }
0x3ba: {  	[sflag:s29] =	ssyncadd.s32 $0xFFFFFE00  }
0x3bb: {  	_ =	swait.ge [sflag:s26], $0x200  }
0x3bc: {  	[sflag:s26] =	ssyncset.done $0x0  }
0x3bd: {  	[sflag:s26] =	ssyncadd.s32 $0xFFFFFE00  }
0x3be: {  	_ =	swait.ge [sflag:s23], $0x200  }
0x3bf: {  	[sflag:s23] =	ssyncset.done $0x0  }
0x3c0: {  	[sflag:s23] =	ssyncadd.s32 $0xFFFFFE00  }
0x3c1: {  	_ =	swait.ge [sflag:s21], $0x200  }
0x3c2: {  	[sflag:s21] =	ssyncset.done $0x0  }
0x3c3: {  	[sflag:s21] =	ssyncadd.s32 $0xFFFFFE00  }
0x3c4: {  	_ =	swait.ge [sflag:s19], $0x200  }
0x3c5: {  	[sflag:s19] =	ssyncset.done $0x0  }
0x3c6: {  	[sflag:s19] =	ssyncadd.s32 $0xFFFFFE00  }
0x3c7: {  	_ =	swait.ge [sflag:s17], $0x200  }
0x3c8: {  	[sflag:s17] =	ssyncset.done $0x0  }
0x3c9: {  	[sflag:s17] =	ssyncadd.s32 $0xFFFFFE00  }
0x3ca: {  	_ =	swait.ge [sflag:s14], $0x200  }
0x3cb: {  	[sflag:s14] =	ssyncset.done $0x0  }
0x3cc: {  	[sflag:s14] =	ssyncadd.s32 $0xFFFFFE00  }
0x3cd: {  	_ =	swait.ge [sflag:s12], $0x200  }
0x3ce: {  	[sflag:s12] =	ssyncset.done $0x0  }
0x3cf: {  	[sflag:s12] =	ssyncadd.s32 $0xFFFFFE00  }
0x3d0: {  	_ =	swait.ge [sflag:s10], $0x200  }
0x3d1: {  	[sflag:s10] =	ssyncset.done $0x0  }
0x3d2: {  	[sflag:s10] =	ssyncadd.s32 $0xFFFFFE00  }
0x3d3: {  	_ =	swait.ge [sflag:s9], $0x200  }
0x3d4: {  	[sflag:s9] =	ssyncset.done $0x0  }
0x3d5: {  	[sflag:s9] =	ssyncadd.s32 $0xFFFFFE00  }
0x3d6: {  	_ =	swait.ge [sflag:s8], $0x200  }
0x3d7: {  	[sflag:s8] =	ssyncset.done $0x0  }
0x3d8: {  	[sflag:s8] =	ssyncadd.s32 $0xFFFFFE00  }
0x3d9: {  	_ =	swait.ge [sflag:s11], $0x200  }
0x3da: {  	[sflag:s11] =	ssyncset.done $0x0  }
0x3db: {  	[sflag:s11] =	ssyncadd.s32 $0xFFFFFE00  }
0x3dc: {  	_ =	swait.ge [sflag:s24], $0x200  }
0x3dd: {  	[sflag:s24] =	ssyncset.done $0x0  }
0x3de: {  	[sflag:s24] =	ssyncadd.s32 $0xFFFFFE00  }
0x3df: {  	_ =	swait.ge [sflag:s29], $0x200  }
0x3e0: {  	[sflag:s29] =	ssyncset.done $0x0  }
0x3e1: {  	[sflag:s29] =	ssyncadd.s32 $0xFFFFFE00  }
0x3e2: {  	_ =	swait.ge [sflag:s26], $0x200  }
0x3e3: {  	[sflag:s26] =	ssyncset.done $0x0  }
0x3e4: {  	[sflag:s26] =	ssyncadd.s32 $0xFFFFFE00  }
0x3e5: {  	_ =	swait.ge [sflag:s23], $0x200  }
0x3e6: {  	[sflag:s23] =	ssyncset.done $0x0  }
0x3e7: {  	[sflag:s23] =	ssyncadd.s32 $0xFFFFFE00  }
0x3e8: {  	_ =	swait.ge [sflag:s21], $0x200  }
0x3e9: {  	[sflag:s21] =	ssyncset.done $0x0  }
0x3ea: {  	[sflag:s21] =	ssyncadd.s32 $0xFFFFFE00  }
0x3eb: {  	_ =	swait.ge [sflag:s19], $0x200  }
0x3ec: {  	[sflag:s19] =	ssyncset.done $0x0  }
0x3ed: {  	[sflag:s19] =	ssyncadd.s32 $0xFFFFFE00  }
0x3ee: {  	_ =	swait.ge [sflag:s17], $0x200  }
0x3ef: {  	[sflag:s17] =	ssyncset.done $0x0  }
0x3f0: {  	[sflag:s17] =	ssyncadd.s32 $0xFFFFFE00  }
0x3f1: {  	_ =	swait.ge [sflag:s14], $0x200  }
0x3f2: {  	[sflag:s14] =	ssyncset.done $0x0  }
0x3f3: {  	[sflag:s14] =	ssyncadd.s32 $0xFFFFFE00  }
0x3f4: {  	_ =	swait.ge [sflag:s12], $0x200  }
0x3f5: {  	[sflag:s12] =	ssyncset.done $0x0  }
0x3f6: {  	[sflag:s12] =	ssyncadd.s32 $0xFFFFFE00  }
0x3f7: {  	_ =	swait.ge [sflag:s10], $0x200  }
0x3f8: {  	[sflag:s10] =	ssyncset.done $0x0  }
0x3f9: {  	[sflag:s10] =	ssyncadd.s32 $0xFFFFFE00  }
0x3fa: {  	_ =	swait.ge [sflag:s9], $0x200  }
0x3fb: {  	[sflag:s9] =	ssyncset.done $0x0  }
0x3fc: {  	[sflag:s9] =	ssyncadd.s32 $0xFFFFFE00  }
0x3fd: {  	_ =	swait.ge [sflag:s8], $0x200  }
0x3fe: {  	[sflag:s8] =	ssyncset.done $0x0  }
0x3ff: {  	[sflag:s8] =	ssyncadd.s32 $0xFFFFFE00  }
0x400: {  	_ =	swait.ge [sflag:s11], $0x200  }
0x401: {  	[sflag:s11] =	ssyncset.done $0x0  }
0x402: {  	s13 =	simm.s32 $0xF;
	[sflag:s11] =	ssyncadd.s32 $0xFFFFFE00  }
0x403: {  	_ =	swait.ge [sflag:s13], $0x2000  }
0x404: {  	s15 =	rddreg [dreg:$0x1f];
	[sflag:s13] =	ssyncset.done $0x0  }
0x405: {  	s0 =	rddreg [dreg:$0x4];
	[sflag:s13] =	ssyncadd.s32 $0xFFFFE000  }
0x406: {  	[hbm4b:s15+s5] =	stream.strided.scatter [tilespmem:s1], [sflag:$0xF], $0x2000, s6, s5, $0x38;
	[tilespmem:$0x1F400] =	vst v63  }
0x407: {  	s2 =	sld [smem:$0x7CB];
	s1 =	simm.s32 $0x3400  }
0x408: {  	[tilespmem:s1], [sflag:$0x1] =	stream.indirect.gather [hbm4b:s0+s16], $0x10, s7, s16, $0xb8;
	[tilespmem:$0x1F400] =	vst v63  }
0x409: {  	s15 =	sld [smem:$0x7CC]  }
0x40a: {  	[tilespmem:s22], [sflag:$0x2] =	stream.indirect.gather [hbm4b:s2+s16], $0x10, s16, s16, $0xb8;
	[tilespmem:$0x1F400] =	vst v63  }
0x40b: {  	s0 =	sld [smem:$0x7CD]  }
0x40c: {  	[tilespmem:s18], [sflag:$0x3] =	stream.indirect.gather [hbm4b:s15+s16], $0x10, s4, s16, $0xb8;
	[tilespmem:$0x1F400] =	vst v63  }
0x40d: {  	s2 =	sld [smem:$0x7CE];
	s18 =	simm.s32 $0x9400  }
0x40e: {  	[tilespmem:s18], [sflag:$0x4] =	stream.indirect.gather [hbm4b:s0+s16], $0x10, s20, s16, $0xb8;
	[tilespmem:$0x1F400] =	vst v63  }
0x40f: {  	s15 =	sld [smem:$0x7CF];
	s4 =	simm.s32 $0xB400  }
0x410: {  	[tilespmem:s4], [sflag:$0x5] =	stream.indirect.gather [hbm4b:s2+s16], $0x10, s25, s16, $0xb8;
	[tilespmem:$0x1F400] =	vst v63  }
0x411: {  	s20 =	sld [smem:$0x7D0];
	s25 =	simm.s32 $0xD400  }
0x412: {  	[tilespmem:s25], [sflag:$0x6] =	stream.indirect.gather [hbm4b:s15+s16], $0x10, s28, s16, $0xb8;
	[tilespmem:$0x1F400] =	vst v63  }
0x413: {  	s22 =	sld [smem:$0x7D1];
	s28 =	simm.s32 $0xF400;
	s15 =	simm.s32 $0xC00  }
0x414: {  	[tilespmem:s28], [sflag:$0x7] =	stream.indirect.gather [hbm4b:s20+s16], $0x10, s15, s16, $0xb8;
	[tilespmem:$0x1F400] =	vst v63  }
0x415: {  	s7 =	sld [smem:$0x7D2];
	s2 =	simm.s32 $0x11400;
	s20 =	simm.s32 $0xE00  }
0x416: {  	[tilespmem:s2], [sflag:$0x8] =	stream.indirect.gather [hbm4b:s22+s16], $0x10, s20, s16, $0xb8;
	[tilespmem:$0x1F400] =	vst v63  }
0x417: {  	s13 =	sld [smem:$0x7D3];
	s15 =	simm.s32 $0x13400;
	s22 =	simm.s32 $0x1000  }
0x418: {  	[tilespmem:s15], [sflag:$0x9] =	stream.indirect.gather [hbm4b:s7+s16], $0x10, s22, s16, $0xb8;
	[tilespmem:$0x1F400] =	vst v63  }
0x419: {  	s20 =	simm.s32 $0x1200;
	s7 =	sld [smem:$0x7D4];
	s22 =	simm.s32 $0x15400  }
0x41a: {  	[tilespmem:s22], [sflag:$0xA] =	stream.indirect.gather [hbm4b:s13+s16], $0x10, s20, s16, $0xb8;
	[tilespmem:$0x1F400] =	vst v63  }
0x41b: {  	s13 =	sld [smem:$0x7D5];
	s20 =	simm.s32 $0x17400  }
0x41c: {  	[tilespmem:s20], [sflag:$0xB] =	stream.indirect.gather [hbm4b:s7+s16], $0x10, s31, s16, $0xb8;
	[tilespmem:$0x1F400] =	vst v63  }
0x41d: {  	s0 =	simm.s32 $0x1600;
	s7 =	sld [smem:$0x7D6];
	s31 =	simm.s32 $0x19400  }
0x41e: {  	[tilespmem:s31], [sflag:$0xC] =	stream.indirect.gather [hbm4b:s13+s16], $0x10, s0, s16, $0xb8;
	[tilespmem:$0x1F400] =	vst v63  }
0x41f: {  	s13 =	simm.s32 $0x1B400;
	s0 =	simm.s32 $0x1800  }
0x420: {  	[tilespmem:s13], [sflag:$0xD] =	stream.indirect.gather [hbm4b:s7+s16], $0x10, s0, s16, $0xb8;
	[tilespmem:$0x1F400] =	vst v63  }
0x421: {  	_ =	swait.ge [sflag:s24], $0x2000  }
0x422: {  	s0 =	sld [smem:$0x7FC]  }
0x423: {  	[sflag:s24] =	ssyncset.done $0x0  }
0x424: {  	[sflag:s24] =	ssyncadd.s32 $0xFFFFE000  }
0x425: {  	[hbm4b:s0+s5] =	stream.strided.scatter [tilespmem:s1], [sflag:$0xE], $0x2000, s6, s5, $0x38;
	[tilespmem:$0x1F400] =	vst v63  }
0x426: {  	_ =	swait.ge [sflag:s3], $0x2000  }
0x427: {  	s0 =	sld [smem:$0x7D7]  }
0x428: {  	[sflag:s3] =	ssyncset.done $0x0  }
0x429: {  	[sflag:s3] =	ssyncadd.s32 $0xFFFFE000  }
0x42a: {  	[tilespmem:s1], [sflag:$0x1] =	stream.indirect.gather [hbm4b:s0+s16], $0x10, s30, s16, $0xb8;
	[tilespmem:$0x1F400] =	vst v63  }
0x42b: {  	_ =	swait.ge [sflag:s29], $0x2000  }
0x42c: {  	s30 =	sld [smem:$0x7D8]  }
0x42d: {  	[sflag:s29] =	ssyncset.done $0x0  }
0x42e: {  	s0 =	simm.s32 $0x5400;
	[sflag:s29] =	ssyncadd.s32 $0xFFFFE000  }
0x42f: {  	[hbm4b:s30+s5] =	stream.strided.scatter [tilespmem:s0], [sflag:$0xE], $0x2000, s6, s5, $0x38;
	[tilespmem:$0x1F400] =	vst v63  }
0x430: {  	_ =	swait.ge [sflag:s3], $0x2000  }
0x431: {  	s7 =	sld [smem:$0x7D9]  }
0x432: {  	[sflag:s3] =	ssyncset.done $0x0  }
0x433: {  	s30 =	simm.s32 $0x1C00;
	[sflag:s3] =	ssyncadd.s32 $0xFFFFE000  }
0x434: {  	[tilespmem:s0], [sflag:$0x2] =	stream.indirect.gather [hbm4b:s7+s16], $0x10, s30, s16, $0xb8;
	[tilespmem:$0x1F400] =	vst v63  }
0x435: {  	_ =	swait.ge [sflag:s26], $0x2000  }
0x436: {  	s30 =	sld [smem:$0x7DA]  }
0x437: {  	[sflag:s26] =	ssyncset.done $0x0  }
0x438: {  	s0 =	simm.s32 $0x7400;
	[sflag:s26] =	ssyncadd.s32 $0xFFFFE000  }
0x439: {  	[hbm4b:s30+s5] =	stream.strided.scatter [tilespmem:s0], [sflag:$0xE], $0x2000, s6, s5, $0x38;
	[tilespmem:$0x1F400] =	vst v63  }
0x43a: {  	_ =	swait.ge [sflag:s3], $0x2000  }
0x43b: {  	s7 =	sld [smem:$0x7DB]  }
0x43c: {  	[sflag:s3] =	ssyncset.done $0x0  }
0x43d: {  	s30 =	simm.s32 $0x1E00;
	[sflag:s3] =	ssyncadd.s32 $0xFFFFE000  }
0x43e: {  	[tilespmem:s0], [sflag:$0x3] =	stream.indirect.gather [hbm4b:s7+s16], $0x10, s30, s16, $0xb8;
	[tilespmem:$0x1F400] =	vst v63  }
0x43f: {  	_ =	swait.ge [sflag:s23], $0x2000  }
0x440: {  	s30 =	sld [smem:$0x7DC]  }
0x441: {  	[sflag:s23] =	ssyncset.done $0x0  }
0x442: {  	[sflag:s23] =	ssyncadd.s32 $0xFFFFE000  }
0x443: {  	[hbm4b:s30+s5] =	stream.strided.scatter [tilespmem:s18], [sflag:$0xE], $0x2000, s6, s5, $0x38;
	[tilespmem:$0x1F400] =	vst v63  }
0x444: {  	_ =	swait.ge [sflag:s3], $0x2000  }
0x445: {  	s0 =	sld [smem:$0x7DD]  }
0x446: {  	[sflag:s3] =	ssyncset.done $0x0  }
0x447: {  	s30 =	simm.s32 $0x2000;
	[sflag:s3] =	ssyncadd.s32 $0xFFFFE000  }
0x448: {  	[tilespmem:s18], [sflag:$0x4] =	stream.indirect.gather [hbm4b:s0+s16], $0x10, s30, s16, $0xb8;
	[tilespmem:$0x1F400] =	vst v63  }
0x449: {  	_ =	swait.ge [sflag:s21], $0x2000  }
0x44a: {  	s30 =	sld [smem:$0x7DE]  }
0x44b: {  	[sflag:s21] =	ssyncset.done $0x0  }
0x44c: {  	[sflag:s21] =	ssyncadd.s32 $0xFFFFE000  }
0x44d: {  	[hbm4b:s30+s5] =	stream.strided.scatter [tilespmem:s4], [sflag:$0xE], $0x2000, s6, s5, $0x38;
	[tilespmem:$0x1F400] =	vst v63  }
0x44e: {  	_ =	swait.ge [sflag:s3], $0x2000  }
0x44f: {  	s0 =	sld [smem:$0x7DF]  }
0x450: {  	[sflag:s3] =	ssyncset.done $0x0  }
0x451: {  	s30 =	simm.s32 $0x2200;
	[sflag:s3] =	ssyncadd.s32 $0xFFFFE000  }
0x452: {  	[tilespmem:s4], [sflag:$0x5] =	stream.indirect.gather [hbm4b:s0+s16], $0x10, s30, s16, $0xb8;
	[tilespmem:$0x1F400] =	vst v63  }
0x453: {  	_ =	swait.ge [sflag:s19], $0x2000  }
0x454: {  	s30 =	sld [smem:$0x7E0]  }
0x455: {  	[sflag:s19] =	ssyncset.done $0x0  }
0x456: {  	[sflag:s19] =	ssyncadd.s32 $0xFFFFE000  }
0x457: {  	[hbm4b:s30+s5] =	stream.strided.scatter [tilespmem:s25], [sflag:$0xE], $0x2000, s6, s5, $0x38;
	[tilespmem:$0x1F400] =	vst v63  }
0x458: {  	_ =	swait.ge [sflag:s3], $0x2000  }
0x459: {  	s7 =	sld [smem:$0x7E1]  }
0x45a: {  	[sflag:s3] =	ssyncset.done $0x0  }
0x45b: {  	s0 =	simm.s32 $0x2400;
	[sflag:s3] =	ssyncadd.s32 $0xFFFFE000  }
0x45c: {  	[tilespmem:s25], [sflag:$0x6] =	stream.indirect.gather [hbm4b:s7+s16], $0x10, s0, s16, $0xb8;
	[tilespmem:$0x1F400] =	vst v63  }
0x45d: {  	_ =	swait.ge [sflag:s17], $0x2000  }
0x45e: {  	s30 =	sld [smem:$0x7E2]  }
0x45f: {  	[sflag:s17] =	ssyncset.done $0x0  }
0x460: {  	[sflag:s17] =	ssyncadd.s32 $0xFFFFE000  }
0x461: {  	[hbm4b:s30+s5] =	stream.strided.scatter [tilespmem:s28], [sflag:$0xE], $0x2000, s6, s5, $0x38;
	[tilespmem:$0x1F400] =	vst v63  }
0x462: {  	_ =	swait.ge [sflag:s3], $0x2000  }
0x463: {  	s7 =	sld [smem:$0x7E3]  }
0x464: {  	[sflag:s3] =	ssyncset.done $0x0  }
0x465: {  	s0 =	simm.s32 $0x2600;
	[sflag:s3] =	ssyncadd.s32 $0xFFFFE000  }
0x466: {  	[tilespmem:s28], [sflag:$0x7] =	stream.indirect.gather [hbm4b:s7+s16], $0x10, s0, s16, $0xb8;
	[tilespmem:$0x1F400] =	vst v63  }
0x467: {  	_ =	swait.ge [sflag:s14], $0x2000  }
0x468: {  	s30 =	sld [smem:$0x7E4]  }
0x469: {  	[sflag:s14] =	ssyncset.done $0x0  }
0x46a: {  	[sflag:s14] =	ssyncadd.s32 $0xFFFFE000  }
0x46b: {  	[hbm4b:s30+s5] =	stream.strided.scatter [tilespmem:s2], [sflag:$0xE], $0x2000, s6, s5, $0x38;
	[tilespmem:$0x1F400] =	vst v63  }
0x46c: {  	_ =	swait.ge [sflag:s3], $0x2000  }
0x46d: {  	s7 =	sld [smem:$0x7E5]  }
0x46e: {  	[sflag:s3] =	ssyncset.done $0x0  }
0x46f: {  	s0 =	simm.s32 $0x2800;
	[sflag:s3] =	ssyncadd.s32 $0xFFFFE000  }
0x470: {  	[tilespmem:s2], [sflag:$0x8] =	stream.indirect.gather [hbm4b:s7+s16], $0x10, s0, s16, $0xb8;
	[tilespmem:$0x1F400] =	vst v63  }
0x471: {  	_ =	swait.ge [sflag:s12], $0x2000  }
0x472: {  	s30 =	sld [smem:$0x7E6]  }
0x473: {  	[sflag:s12] =	ssyncset.done $0x0  }
0x474: {  	[sflag:s12] =	ssyncadd.s32 $0xFFFFE000  }
0x475: {  	[hbm4b:s30+s5] =	stream.strided.scatter [tilespmem:s15], [sflag:$0xE], $0x2000, s6, s5, $0x38;
	[tilespmem:$0x1F400] =	vst v63  }
0x476: {  	_ =	swait.ge [sflag:s3], $0x2000  }
0x477: {  	s7 =	sld [smem:$0x7E7]  }
0x478: {  	[sflag:s3] =	ssyncset.done $0x0  }
0x479: {  	s0 =	simm.s32 $0x2A00;
	[sflag:s3] =	ssyncadd.s32 $0xFFFFE000  }
0x47a: {  	[tilespmem:s15], [sflag:$0x9] =	stream.indirect.gather [hbm4b:s7+s16], $0x10, s0, s16, $0xb8;
	[tilespmem:$0x1F400] =	vst v63  }
0x47b: {  	_ =	swait.ge [sflag:s10], $0x2000  }
0x47c: {  	s30 =	sld [smem:$0x7E8]  }
0x47d: {  	[sflag:s10] =	ssyncset.done $0x0  }
0x47e: {  	[sflag:s10] =	ssyncadd.s32 $0xFFFFE000  }
0x47f: {  	[hbm4b:s30+s5] =	stream.strided.scatter [tilespmem:s22], [sflag:$0xE], $0x2000, s6, s5, $0x38;
	[tilespmem:$0x1F400] =	vst v63  }
0x480: {  	_ =	swait.ge [sflag:s3], $0x2000  }
0x481: {  	s7 =	sld [smem:$0x7E9]  }
0x482: {  	[sflag:s3] =	ssyncset.done $0x0  }
0x483: {  	s0 =	simm.s32 $0x2C00;
	[sflag:s3] =	ssyncadd.s32 $0xFFFFE000  }
0x484: {  	[tilespmem:s22], [sflag:$0xA] =	stream.indirect.gather [hbm4b:s7+s16], $0x10, s0, s16, $0xb8;
	[tilespmem:$0x1F400] =	vst v63  }
0x485: {  	_ =	swait.ge [sflag:s9], $0x2000  }
0x486: {  	s30 =	sld [smem:$0x7EA]  }
0x487: {  	[sflag:s9] =	ssyncset.done $0x0  }
0x488: {  	[sflag:s9] =	ssyncadd.s32 $0xFFFFE000  }
0x489: {  	[hbm4b:s30+s5] =	stream.strided.scatter [tilespmem:s20], [sflag:$0xE], $0x2000, s6, s5, $0x38;
	[tilespmem:$0x1F400] =	vst v63  }
0x48a: {  	_ =	swait.ge [sflag:s3], $0x2000  }
0x48b: {  	s7 =	sld [smem:$0x7EB]  }
0x48c: {  	[sflag:s3] =	ssyncset.done $0x0  }
0x48d: {  	s0 =	simm.s32 $0x2E00;
	[sflag:s3] =	ssyncadd.s32 $0xFFFFE000  }
0x48e: {  	[tilespmem:s20], [sflag:$0xB] =	stream.indirect.gather [hbm4b:s7+s16], $0x10, s0, s16, $0xb8;
	[tilespmem:$0x1F400] =	vst v63  }
0x48f: {  	_ =	swait.ge [sflag:s8], $0x2000  }
0x490: {  	s30 =	sld [smem:$0x7EC]  }
0x491: {  	[sflag:s8] =	ssyncset.done $0x0  }
0x492: {  	[sflag:s8] =	ssyncadd.s32 $0xFFFFE000  }
0x493: {  	[hbm4b:s30+s5] =	stream.strided.scatter [tilespmem:s31], [sflag:$0xE], $0x2000, s6, s5, $0x38;
	[tilespmem:$0x1F400] =	vst v63  }
0x494: {  	_ =	swait.ge [sflag:s3], $0x2000  }
0x495: {  	s0 =	sld [smem:$0x7ED]  }
0x496: {  	[sflag:s3] =	ssyncset.done $0x0  }
0x497: {  	s30 =	simm.s32 $0x3000;
	[sflag:s3] =	ssyncadd.s32 $0xFFFFE000  }
0x498: {  	[tilespmem:s31], [sflag:$0xC] =	stream.indirect.gather [hbm4b:s0+s16], $0x10, s30, s16, $0xb8;
	[tilespmem:$0x1F400] =	vst v63  }
0x499: {  	_ =	swait.ge [sflag:s11], $0x2000  }
0x49a: {  	s30 =	sld [smem:$0x7EE]  }
0x49b: {  	[sflag:s11] =	ssyncset.done $0x0  }
0x49c: {  	[sflag:s11] =	ssyncadd.s32 $0xFFFFE000  }
0x49d: {  	[hbm4b:s30+s5] =	stream.strided.scatter [tilespmem:s13], [sflag:$0xE], $0x2000, s6, s5, $0x38;
	[tilespmem:$0x1F400] =	vst v63  }
0x49e: {  	_ =	swait.ge [sflag:s3], $0x2000  }
0x49f: {  	s7 =	sld [smem:$0x7EF]  }
0x4a0: {  	[sflag:s3] =	ssyncset.done $0x0  }
0x4a1: {  	s0 =	simm.s32 $0x3200;
	[sflag:s3] =	ssyncadd.s32 $0xFFFFE000  }
0x4a2: {  	[tilespmem:s13], [sflag:$0xD] =	stream.indirect.gather [hbm4b:s7+s16], $0x10, s0, s16, $0xb8;
	[tilespmem:$0x1F400] =	vst v63  }
0x4a3: {  	_ =	swait.ge [sflag:s24], $0x2000  }
0x4a4: {  	s16 =	sld [smem:$0x7F0]  }
0x4a5: {  	[sflag:s24] =	ssyncset.done $0x0  }
0x4a6: {  	[sflag:s24] =	ssyncadd.s32 $0xFFFFE000  }
0x4a7: {  	[hbm4b:s16+s5] =	stream.strided.scatter [tilespmem:s1], [sflag:$0xE], $0x2000, s6, s5, $0x38;
	[tilespmem:$0x1F400] =	vst v63  }
0x4a8: {  	_ =	swait.ge [sflag:s29], $0x2000  }
0x4a9: {  	s24 =	sld [smem:$0x7F1]  }
0x4aa: {  	[sflag:s29] =	ssyncset.done $0x0  }
0x4ab: {  	s30 =	simm.s32 $0x5400;
	[sflag:s29] =	ssyncadd.s32 $0xFFFFE000  }
0x4ac: {  	[hbm4b:s24+s5] =	stream.strided.scatter [tilespmem:s30], [sflag:$0xE], $0x2000, s6, s5, $0x38;
	[tilespmem:$0x1F400] =	vst v63  }
0x4ad: {  	_ =	swait.ge [sflag:s26], $0x2000  }
0x4ae: {  	s0 =	sld [smem:$0x7F2]  }
0x4af: {  	[sflag:s26] =	ssyncset.done $0x0  }
0x4b0: {  	s1 =	simm.s32 $0x7400;
	[sflag:s26] =	ssyncadd.s32 $0xFFFFE000  }
0x4b1: {  	[hbm4b:s0+s5] =	stream.strided.scatter [tilespmem:s1], [sflag:$0xE], $0x2000, s6, s5, $0x38;
	[tilespmem:$0x1F400] =	vst v63  }
0x4b2: {  	_ =	swait.ge [sflag:s23], $0x2000  }
0x4b3: {  	s7 =	sld [smem:$0x7F3]  }
0x4b4: {  	[sflag:s23] =	ssyncset.done $0x0  }
0x4b5: {  	[sflag:s23] =	ssyncadd.s32 $0xFFFFE000  }
0x4b6: {  	[hbm4b:s7+s5] =	stream.strided.scatter [tilespmem:s18], [sflag:$0xE], $0x2000, s6, s5, $0x38;
	[tilespmem:$0x1F400] =	vst v63  }
0x4b7: {  	_ =	swait.ge [sflag:s21], $0x2000  }
0x4b8: {  	s16 =	sld [smem:$0x7F4]  }
0x4b9: {  	[sflag:s21] =	ssyncset.done $0x0  }
0x4ba: {  	[sflag:s21] =	ssyncadd.s32 $0xFFFFE000  }
0x4bb: {  	[hbm4b:s16+s5] =	stream.strided.scatter [tilespmem:s4], [sflag:$0xE], $0x2000, s6, s5, $0x38;
	[tilespmem:$0x1F400] =	vst v63  }
0x4bc: {  	_ =	swait.ge [sflag:s19], $0x2000  }
0x4bd: {  	s18 =	sld [smem:$0x7F5]  }
0x4be: {  	[sflag:s19] =	ssyncset.done $0x0  }
0x4bf: {  	[sflag:s19] =	ssyncadd.s32 $0xFFFFE000  }
0x4c0: {  	[hbm4b:s18+s5] =	stream.strided.scatter [tilespmem:s25], [sflag:$0xE], $0x2000, s6, s5, $0x38;
	[tilespmem:$0x1F400] =	vst v63  }
0x4c1: {  	_ =	swait.ge [sflag:s17], $0x2000  }
0x4c2: {  	s21 =	sld [smem:$0x7F6]  }
0x4c3: {  	[sflag:s17] =	ssyncset.done $0x0  }
0x4c4: {  	[sflag:s17] =	ssyncadd.s32 $0xFFFFE000  }
0x4c5: {  	[hbm4b:s21+s5] =	stream.strided.scatter [tilespmem:s28], [sflag:$0xE], $0x2000, s6, s5, $0x38;
	[tilespmem:$0x1F400] =	vst v63  }
0x4c6: {  	_ =	swait.ge [sflag:s14], $0x2000  }
0x4c7: {  	s23 =	sld [smem:$0x7F7]  }
0x4c8: {  	[sflag:s14] =	ssyncset.done $0x0  }
0x4c9: {  	[sflag:s14] =	ssyncadd.s32 $0xFFFFE000  }
0x4ca: {  	[hbm4b:s23+s5] =	stream.strided.scatter [tilespmem:s2], [sflag:$0xE], $0x2000, s6, s5, $0x38;
	[tilespmem:$0x1F400] =	vst v63  }
0x4cb: {  	_ =	swait.ge [sflag:s12], $0x2000  }
0x4cc: {  	s24 =	sld [smem:$0x7F8]  }
0x4cd: {  	[sflag:s12] =	ssyncset.done $0x0  }
0x4ce: {  	[sflag:s12] =	ssyncadd.s32 $0xFFFFE000  }
0x4cf: {  	[hbm4b:s24+s5] =	stream.strided.scatter [tilespmem:s15], [sflag:$0xE], $0x2000, s6, s5, $0x38;
	[tilespmem:$0x1F400] =	vst v63  }
0x4d0: {  	_ =	swait.ge [sflag:s10], $0x2000  }
0x4d1: {  	s25 =	sld [smem:$0x7F9]  }
0x4d2: {  	[sflag:s10] =	ssyncset.done $0x0  }
0x4d3: {  	[sflag:s10] =	ssyncadd.s32 $0xFFFFE000  }
0x4d4: {  	[hbm4b:s25+s5] =	stream.strided.scatter [tilespmem:s22], [sflag:$0xE], $0x2000, s6, s5, $0x38;
	[tilespmem:$0x1F400] =	vst v63  }
0x4d5: {  	_ =	swait.ge [sflag:s9], $0x2000  }
0x4d6: {  	s26 =	sld [smem:$0x7FA]  }
0x4d7: {  	[sflag:s9] =	ssyncset.done $0x0  }
0x4d8: {  	[sflag:s9] =	ssyncadd.s32 $0xFFFFE000  }
0x4d9: {  	[hbm4b:s26+s5] =	stream.strided.scatter [tilespmem:s20], [sflag:$0xE], $0x2000, s6, s5, $0x38;
	[tilespmem:$0x1F400] =	vst v63  }
0x4da: {  	_ =	swait.ge [sflag:s8], $0x2000  }
0x4db: {  	s28 =	sld [smem:$0x7FB]  }
0x4dc: {  	[sflag:s8] =	ssyncset.done $0x0  }
0x4dd: {  	[sflag:s8] =	ssyncadd.s32 $0xFFFFE000  }
0x4de: {  	[hbm4b:s28+s5] =	stream.strided.scatter [tilespmem:s31], [sflag:$0xE], $0x2000, s6, s5, $0x38;
	[tilespmem:$0x1F400] =	vst v63  }
0x4df: {  	_ =	swait.ge [sflag:s11], $0x2000  }
0x4e0: {  	s29 =	sld [smem:$0x7FD]  }
0x4e1: {  	[sflag:s11] =	ssyncset.done $0x0  }
0x4e2: {  	[sflag:s11] =	ssyncadd.s32 $0xFFFFE000  }
0x4e3: {  	[hbm4b:s29+s5] =	stream.strided.scatter [tilespmem:s13], [sflag:$0xE], $0x2000, s6, s5, $0x38;
	[tilespmem:$0x1F400] =	vst v63  }
0x4e4: {  	_ =	swait.ge [sflag:s3], $0x2000  }
0x4e5: {  	[sflag:s3] =	ssyncset.done $0x0  }
0x4e6: {  	[sflag:s3] =	ssyncadd.s32 $0xFFFFE000  }
0x4e7: {  	_ =	swait.ge [sflag:s3], $0x2000  }
0x4e8: {  	[sflag:s3] =	ssyncset.done $0x0  }
0x4e9: {  	[sflag:s3] =	ssyncadd.s32 $0xFFFFE000  }
0x4ea: {  	_ =	swait.ge [sflag:s3], $0x2000  }
0x4eb: {  	[sflag:s3] =	ssyncset.done $0x0  }
0x4ec: {  	[sflag:s3] =	ssyncadd.s32 $0xFFFFE000  }
0x4ed: {  	_ =	swait.ge [sflag:s3], $0x2000  }
0x4ee: {  	[sflag:s3] =	ssyncset.done $0x0  }
0x4ef: {  	[sflag:s3] =	ssyncadd.s32 $0xFFFFE000  }
0x4f0: {  	_ =	swait.ge [sflag:s3], $0x2000  }
0x4f1: {  	[sflag:s3] =	ssyncset.done $0x0  }
0x4f2: {  	[sflag:s3] =	ssyncadd.s32 $0xFFFFE000  }
0x4f3: {  	_ =	swait.ge [sflag:s3], $0x2000  }
0x4f4: {  	[sflag:s3] =	ssyncset.done $0x0  }
0x4f5: {  	[sflag:s3] =	ssyncadd.s32 $0xFFFFE000  }
0x4f6: {  	_ =	swait.ge [sflag:s3], $0x2000  }
0x4f7: {  	[sflag:s3] =	ssyncset.done $0x0  }
0x4f8: {  	[sflag:s3] =	ssyncadd.s32 $0xFFFFE000  }
0x4f9: {  	_ =	swait.ge [sflag:s3], $0x2000  }
0x4fa: {  	[sflag:s3] =	ssyncset.done $0x0  }
0x4fb: {  	[sflag:s3] =	ssyncadd.s32 $0xFFFFE000  }
0x4fc: {  	_ =	swait.ge [sflag:s3], $0x2000  }
0x4fd: {  	[sflag:s3] =	ssyncset.done $0x0  }
0x4fe: {  	[sflag:s3] =	ssyncadd.s32 $0xFFFFE000  }
0x4ff: {  	_ =	swait.ge [sflag:s3], $0x2000  }
0x500: {  	[sflag:s3] =	ssyncset.done $0x0  }
0x501: {  	[sflag:s3] =	ssyncadd.s32 $0xFFFFE000  }
0x502: {  	_ =	swait.ge [sflag:s3], $0x2000  }
0x503: {  	[sflag:s3] =	ssyncset.done $0x0  }
0x504: {  	[sflag:s3] =	ssyncadd.s32 $0xFFFFE000  }
0x505: {  	_ =	swait.ge [sflag:s3], $0x2000  }
0x506: {  	[sflag:s3] =	ssyncset.done $0x0  }
0x507: {  	[sflag:s3] =	ssyncadd.s32 $0xFFFFE000  }
0x508: {  	_ =	swait.ge [sflag:s3], $0x2000  }
0x509: {  	[sflag:s3] =	ssyncset.done $0x0  }
0x50a: {  	s30 =	simm.s32 $0xF;
	[sflag:s3] =	ssyncadd.s32 $0xFFFFE000  }
0x50b: {  	_ =	swait.ge [sflag:s30], $0x2000  }
0x50c: {  	[sflag:s30] =	ssyncset.done $0x0  }
0x50d: {  	[sflag:s30] =	ssyncadd.s32 $0xFFFFE000  }
0x50e: {  	_ =	sfence.sel $0x180000  }
0x50f: {  	[bflag:$0x0] =	sbarrier.arrive $0xFFFF  }
0x510: {  	_ =	strace $0x90000047  }
0x511: {  	s31 =	stileid.u32;
	[bflag:$0x2] =	sbarrier.arrive $0xFFFF  }
0x512: {  	p0 =	sne.s32 s31, $0x0;
	s0 =	rddreg [dreg:$0x3]  }
0x513: {  	s0 =	sadd.s32 @!p0 $0x100000, s0  }
0x514: {  	[sflag:s0] =	ssyncadd.tile.s32 @!p0 $0x1;
	_ =	shalt  }
.LBB2_1:
.Ltmp3:
0x515: {  	(pc) =	sbr.rel .LBB2_6-.Ltmp3, $2  }
0x516: {  	_ =	sdelay $0x2  }
0x517: {  	s0 =	smov.u32 s13  }
.LBB2_7:
.Ltmp4:
0x518: {  	(pc) =	sbr.rel .LBB2_6-.Ltmp4, $3  }
0x519: {  	_ =	sdelay $0x1  }
0x51a: {  	s0 =	sld [smem:$0x7C9]  }
0x51b: {  	s18 =	simm.s32 $0x7400;
	s22 =	simm.s32 $0x5400;
	s2 =	simm.s32 $0x3000  }
.Lfunc_end2:
_tile_overlayer_lowered:
.L_overlay_start_2:
0x51c: {  	(tag) =	ssettag $0x2  }
0x51d: {  	s0 =	rddreg [dreg:$0x0];
	s2 =	stileid.u32  }
0x51e: {  	s1 =	rddreg [dreg:$0x1];
	p0 =	sne.s32 s2, $0x0  }
0x51f: {  	s3 =	rddreg [dreg:$0x2];
	[bflag:$0x3] =	sbarrier.arrive $0xFFFF;
	s2 =	simm.s32 @!p0 $0x1C10  }
0x520: {  	[timem:s3], [sflag:s2] =	dma.local @!p0 [hbm:s0], s1  }
0x521: {  	s0 =	simm.s32 @!p0 $0x10  }
0x522: {  	_ =	swait.ge @!p0 [sflag:s0], s1  }
0x523: {  	s1 =	ssub.s32 @!p0 $0x0, s1;
	[sflag:s0] =	ssyncset.done @!p0 $0x0  }
0x524: {  	[sflag:s0] =	ssyncadd.s32 @!p0 s1  }
0x525: {  	[bflag:$0x3] =	sbarrier.arrive $0xFFFF  }
0x526: {  	_ =	shalt  }

</sc_bundles>
